<compile_context>
chip_gen: v7x
topology: tpu7x:2x2x1
jax: 0.10.2.dev20260603
libtpu: 0.0.44.dev20260713+nightly
codegen_flags: <defaults>
</compile_context>

<pallas_src>
import functools

import jax
import jax.numpy as jnp
from jax import lax
from jax.experimental import pallas as pl
from jax.experimental.pallas import tpu as pltpu
from jax.experimental.pallas import tpu_sc as plsc

_S = 8192
_N = 4096
_C0 = 128
_CV = _C0
_CHUNK = 128
_NW = 32
_ROWS = _N // _NW


def _prep_kernel(ifb_ref, exp_u_ref, tle_ref, bnd_ref, r_ref, t_ref):
    r = r_ref[0, 0]
    tle = tle_ref[0, 0]
    bnd = bnd_ref[0, 0]
    bounds = jnp.max(jnp.sum(ifb_ref[...], axis=-1)) * 5.0
    sr = bounds * r

    uc = jnp.clip(exp_u_ref[...], 0.0, 1.0 - 1e-7)
    e2 = -jnp.log1p(-uc) / sr
    i0 = lax.broadcasted_iota(jnp.int32, (128, 128), 0)
    i1 = lax.broadcasted_iota(jnp.int32, (128, 128), 1)
    upper = (i0 <= i1).astype(jnp.float32)
    cums = lax.dot(e2, upper, precision=lax.Precision.HIGHEST,
                   preferred_element_type=jnp.float32)
    totals = cums[:, 127:128]
    j0 = lax.broadcasted_iota(jnp.int32, (64, 64), 0)
    j1 = lax.broadcasted_iota(jnp.int32, (64, 64), 1)
    strict = (j1 < j0).astype(jnp.float32)
    offs = lax.dot(strict, totals, precision=lax.Precision.HIGHEST,
                   preferred_element_type=jnp.float32)
    t2 = cums + offs + tle

    t_last = t2[63, 127]
    base = jnp.where(t_last > bnd, t_last, bnd)
    t_ref[0:64, :] = t2
    t_ref[64:72, :] = jnp.full((8, 128), base)
    t_ref[65:66, :] = jnp.full((1, 128), r / sr)


def _scalarize(x):
    return x if x.ndim == 0 else x[0]


def _sc_scan(t_hbm, iast_hbm, u_hbm, rst_hbm, w_hbm,
             th_v, t_v, ub_v, ia_v, urow_v, thch_v, tch_v, rst_v, done_v, sem):
    wid = lax.axis_index("s") * 2 + lax.axis_index("c")
    base_row = wid * _ROWS
    lanes = lax.broadcasted_iota(jnp.int32, (16,), 0)

    c2 = pltpu.async_copy(t_hbm.at[pl.ds(0, _C0)], t_v.at[pl.ds(0, _C0)], sem)
    c2b = pltpu.async_copy(t_hbm.at[pl.ds(_S, 16)], t_v.at[pl.ds(_C0, 16)], sem)
    c2c = pltpu.async_copy(
        t_hbm.at[pl.ds(_S + 128, 16)], t_v.at[pl.ds(_C0 + 16, 16)], sem)
    c1 = pltpu.async_copy(iast_hbm.at[pl.ds(0, 2), :], ia_v, sem)
    c3 = pltpu.async_copy(
        u_hbm.at[pl.ds(base_row, _ROWS), pl.ds(0, _C0)], ub_v, sem)
    c2.wait()
    c2b.wait()
    c2c.wait()
    c1.wait()

    base_splat = jnp.full((16,), _scalarize(t_v[pl.ds(_C0, 16)]))
    fac = _scalarize(t_v[pl.ds(_C0 + 16, 16)])

    def fill_th(dst, ia):
        for ch in range(_CHUNK // 16):
            acc = jnp.zeros((16,), jnp.float32)
            sbase = (jnp.full((16,), ch * 16, jnp.int32) + lanes) * 8
            for k in range(8):
                flat = sbase + k
                acc = acc + plsc.load_gather(
                    ia, [jnp.right_shift(flat, 10),
                         jnp.bitwise_and(flat, 1023)])
            dst[pl.ds(ch * 16, 16)] = acc * fac

    fill_th(th_v, ia_v)
    c3.wait()

    def group_body(g, und):
        rowids = g * 16 + lanes

        def cond(c):
            cc, alldone = c[0], c[1]
            return jnp.logical_and(jnp.logical_not(alldone), cc < _CV)

        def body(c):
            cc, _, done, colsel = c
            thch = th_v[pl.ds(cc, 16)]
            for s in range(8):
                col = cc + s
                u_c = plsc.load_gather(
                    ub_v, [rowids, jnp.full((16,), col, jnp.int32)])
                th_c = jnp.full((16,), thch[s])
                mask = u_c < th_c
                newly = jnp.logical_and(mask, jnp.logical_not(done))
                colsel = jnp.where(
                    newly, jnp.full((16,), col, jnp.int32), colsel)
                done = jnp.logical_or(done, mask)
            nd = _scalarize(plsc.all_reduce_population_count(done))
            return (cc + 8, nd == 16, done, colsel)

        _, _, done, colsel = lax.while_loop(
            cond, body,
            (jnp.int32(0), jnp.bool_(False),
             jnp.zeros((16,), jnp.bool_), jnp.zeros((16,), jnp.int32)))

        times = plsc.load_gather(t_v, [colsel])
        rst_v[pl.ds(g * 16, 16)] = jnp.where(done, times, base_splat)
        done_v[pl.ds(g * 16, 16)] = done.astype(jnp.int32)
        nd = _scalarize(plsc.all_reduce_population_count(done))
        return und + (16 - nd)

    und = lax.fori_loop(0, _ROWS // 16, group_body, jnp.int32(0))

    def scan_chunks(j0, j1, sel0, load_u, load_th):
        def cond(c):
            j, found = c[0], c[1]
            return jnp.logical_and(jnp.logical_not(found), j < j1)

        def body(c):
            j, _, sel = c
            u16 = load_u(j)
            th16 = load_th(j)
            ffs = _scalarize(plsc.all_reduce_ffs(u16 < th16))
            found = ffs < 16
            sel = jnp.where(found, j * 16 + ffs, sel)
            return (j + 1, found, sel)

        _, found, sel = lax.while_loop(
            cond, body, (j0, jnp.bool_(False), sel0))
        return found, sel

    @pl.when(und > 0)
    def _():
        def row_body(r, carry):
            fnd = _scalarize(plsc.load_gather(
                done_v, [jnp.full((16,), r, jnp.int32)]))

            @pl.when(fnd == 0)
            def _():
                def fb_cond(c):
                    k, found = c[0], c[1]
                    return jnp.logical_and(
                        jnp.logical_not(found), k < _S // _CHUNK)

                def fb_body(c):
                    k, _, sel_in = c
                    cu = pltpu.async_copy(
                        u_hbm.at[base_row + r, pl.ds(k * _CHUNK, _CHUNK)],
                        urow_v, sem)
                    cia = pltpu.async_copy(
                        iast_hbm.at[pl.ds(k * 2, 2), :], ia_v, sem)
                    cu.wait()
                    cia.wait()
                    fill_th(thch_v, ia_v)

                    def load_fb(j):
                        return urow_v[pl.ds((j - k * (_CHUNK // 16)) * 16, 16)]

                    def load_fb_th(j):
                        return thch_v[pl.ds((j - k * (_CHUNK // 16)) * 16, 16)]

                    found, sel = scan_chunks(
                        k * (_CHUNK // 16), (k + 1) * (_CHUNK // 16),
                        sel_in, load_fb, load_fb_th)
                    return (k + 1, found, sel)

                _, found, sel = lax.while_loop(
                    fb_cond, fb_body,
                    (jnp.int32(_CV // _CHUNK), jnp.bool_(False), jnp.int32(0)))

                @pl.when(found)
                def _():
                    sal = pl.multiple_of(jnp.bitwise_and(sel, jnp.int32(-8)), 8)
                    pltpu.async_copy(
                        t_hbm.at[pl.ds(sal, 16)], tch_v, sem).wait()
                    val = _scalarize(plsc.load_gather(
                        tch_v, [jnp.full((16,), sel - sal, jnp.int32)]))
                    plsc.store_scatter(
                        rst_v, [jnp.full((16,), r, jnp.int32)],
                        jnp.full((16,), val), mask=lanes == 0)

            return carry

        lax.fori_loop(0, _ROWS, row_body, jnp.int32(0))

    pltpu.async_copy(rst_v, rst_hbm.at[pl.ds(base_row, _ROWS)], sem).wait()
    w = jnp.full((16,), 1.0 / _N, jnp.float32)
    for g in range(_ROWS // 16):
        rst_v[pl.ds(g * 16, 16)] = w
    pltpu.async_copy(rst_v, w_hbm.at[pl.ds(base_row, _ROWS)], sem).wait()


def kernel(intensities_for_bound, intensities_at_sampled_times, exp_u,
           unif_numbers, time_last_event, boundary, ratio):
    num_sample, S = unif_numbers.shape
    tle = time_last_event.reshape(1, 1)
    bnd = boundary.reshape(1, 1)
    r = ratio.reshape(1, 1)

    t72 = pl.pallas_call(
        _prep_kernel,
        out_shape=jax.ShapeDtypeStruct((72, 128), jnp.float32),
    )(intensities_for_bound, exp_u.reshape(64, 128), tle, bnd, r)

    mesh = plsc.VectorSubcoreMesh(core_axis_name="c", subcore_axis_name="s")
    sck = functools.partial(
        pl.kernel,
        mesh=mesh,
        compiler_params=pltpu.CompilerParams(needs_layout_passes=False),
        out_type=(
            jax.ShapeDtypeStruct((num_sample,), jnp.float32),
            jax.ShapeDtypeStruct((num_sample,), jnp.float32),
        ),
        scratch_types=[
            pltpu.VMEM((_C0 + 16,), jnp.float32),
            pltpu.VMEM((_C0 + 32,), jnp.float32),
            pltpu.VMEM((_ROWS, _C0), jnp.float32),
            pltpu.VMEM((2, 1024), jnp.float32),
            pltpu.VMEM((_CHUNK,), jnp.float32),
            pltpu.VMEM((_CHUNK,), jnp.float32),
            pltpu.VMEM((16,), jnp.float32),
            pltpu.VMEM((_ROWS,), jnp.float32),
            pltpu.VMEM((_ROWS,), jnp.int32),
            pltpu.SemaphoreType.DMA,
        ],
    )(_sc_scan)
    rst, w = sck(t72.reshape(72 * 128),
                 intensities_at_sampled_times.reshape(64, 1024),
                 unif_numbers)
    return (rst, w)

# --- scband reference (transcript-rebuilt; emitter-appended) ---
"""Pipeline reference for scband-event-sampler-15745350107649 (READ-ONLY COPY).

The authoritative reference and input builder live on the scoring server;
editing this copy changes nothing except your own understanding.
"""

import jax, jax.numpy as jnp
import numpy as np


def setup_inputs(seed: int = 0) -> dict:
    key = jax.random.key(seed)
    k1, k2, k3, k4 = jax.random.split(key, 4)
    num_sample, S, K = 4096, 8192, 8
    return {
        "intensities_for_bound": jax.random.uniform(k1, (10, K), dtype=jnp.float32),
        "intensities_at_sampled_times": jax.random.uniform(k2, (1, S, K), dtype=jnp.float32),
        "exp_u": jax.random.uniform(k3, (1, S), dtype=jnp.float32),
        "unif_numbers": jax.random.uniform(k4, (num_sample, S), dtype=jnp.float32),
        "time_last_event": jnp.zeros((1,), dtype=jnp.float32),
        "boundary": jnp.ones((1,), dtype=jnp.float32),
        "ratio": jnp.ones((1,), dtype=jnp.float32),
    }


def reference(intensities_for_bound, intensities_at_sampled_times, exp_u, unif_numbers, time_last_event, boundary, ratio):
    # Faithful jax translation of EventSampler.draw_next_time_ordinary (fastapprox=True).
    # Randomness (uniform/exponential draws) and datalog intensity evaluations are
    # materialized as inputs; exponential samples derived via inverse-CDF from exp_u.
    num_sample = unif_numbers.shape[0]
    over_sample_rate = 5.0
    tle = time_last_event[0]
    bnd = boundary[0]
    r = ratio[0]
    # conservative upper bound from intensities at 10 probe times
    bounds = jnp.max(jnp.sum(intensities_for_bound, axis=-1)) * over_sample_rate
    sample_rate = bounds * r  # next_event_name in types branch
    # dt ~ Exp(sample_rate) via inverse CDF
    exp_numbers = -jnp.log1p(-jnp.clip(exp_u, 0.0, 1.0 - 1e-7))
    sampled_times = jnp.cumsum(exp_numbers / sample_rate, axis=-1) + tle  # [1, S]
    total_intensities = jnp.sum(intensities_at_sampled_times, axis=-1) * r  # [1, S]
    # fastapprox: reuse proposed times across all draws
    S = sampled_times.shape[-1]
    sampled_times_b = jnp.broadcast_to(sampled_times, (num_sample, S))
    total_int_b = jnp.broadcast_to(total_intensities, (num_sample, S))
    # randomly accept proposed times
    criterion = unif_numbers * sample_rate / total_int_b
    min_cri_each_draw = jnp.min(criterion, axis=1)
    who_has_accepted_times = min_cri_each_draw < 1.0
    sampled_times_accepted = jnp.where(criterion >= 1.0, jnp.max(sampled_times_b) + 1.0, sampled_times_b)
    accepted_times_each_draw = jnp.min(sampled_times_accepted, axis=-1)
    rst = jnp.full((num_sample,), bnd, dtype=jnp.float32)
    weights = jnp.ones((num_sample,), dtype=jnp.float32)
    weights = weights / jnp.sum(weights)
    rst = jnp.where(who_has_accepted_times, accepted_times_each_draw, rst)
    who_not_accept = ~who_has_accepted_times
    who_reach_further = sampled_times_b[:, -1] > bnd
    rst = jnp.where(who_not_accept & who_reach_further, sampled_times_b[:, -1], rst)
    return (rst, weights)

if __name__ == "__main__":
    import jax
    _d = setup_inputs()
    print(jax.jit(kernel)(*tuple(_d.values())))

</pallas_src>

<mosaic_0001>
#map = affine_map<(d0, d1) -> (0)>
#map1 = affine_map<(d0, d1) -> (0, 0)>
module attributes {stable_mosaic.version = 14 : i64} {
  func.func @_sc_scan(%arg0: i32, %arg1: i32, %arg2: memref<9216xf32, #tpu.memory_space<hbm>>, %arg3: memref<64x1024xf32, #tpu.memory_space<hbm>>, %arg4: memref<4096x8192xf32, #tpu.memory_space<hbm>>, %arg5: memref<4096xf32, #tpu.memory_space<hbm>>, %arg6: memref<4096xf32, #tpu.memory_space<hbm>>, %arg7: memref<144xf32, #tpu.memory_space<vmem>>, %arg8: memref<160xf32, #tpu.memory_space<vmem>>, %arg9: memref<128x128xf32, #tpu.memory_space<vmem>>, %arg10: memref<2x1024xf32, #tpu.memory_space<vmem>>, %arg11: memref<128xf32, #tpu.memory_space<vmem>>, %arg12: memref<128xf32, #tpu.memory_space<vmem>>, %arg13: memref<16xf32, #tpu.memory_space<vmem>>, %arg14: memref<128xf32, #tpu.memory_space<vmem>>, %arg15: memref<128xi32, #tpu.memory_space<vmem>>, %arg16: memref<!tpu.dma_semaphore, #tpu.memory_space<semaphore_mem>>) attributes {dimension_semantics = [#tpu.dimension_semantics<core_parallel>, #tpu.dimension_semantics<subcore_parallel>], iteration_bounds = array<i64: 2, 16>, scalar_prefetch = 0 : i64, scratch_operands = 10 : i64, tpu.core_type = #tpu.core_type<sc_vector_subcore>, window_params = [{transform_indices = #map}, {transform_indices = #map1}, {transform_indices = #map1}, {transform_indices = #map}, {transform_indices = #map}]} {
    %mul3A = arith.constant 2 : i32
    %mul3A_0 = arith.muli %arg1, %mul3A : i32
    %add3A = arith.addi %mul3A_0, %arg0 : i32
    %mul3A_1 = arith.constant 128 : i32
    %mul3A_2 = arith.muli %add3A, %mul3A_1 : i32
    %iota3A = tpu.iota {dimensions = array<i32: 0>} : vector<16xi32>
    %dma_start3A = arith.constant 0 : i32
    %dma_start3A_3 = tpu.memref_slice %arg8[%dma_start3A] : memref<160xf32, #tpu.memory_space<vmem>> -> memref<128xf32, #tpu.memory_space<vmem>>
    %dma_start3A_4 = arith.constant 0 : i32
    %dma_start3A_5 = tpu.memref_slice %arg2[%dma_start3A_4] : memref<9216xf32, #tpu.memory_space<hbm>> -> memref<128xf32, #tpu.memory_space<hbm>>
    %dma_start3A_6 = arith.constant 0 : i32
    %dma_start3A_7 = tpu.memref_slice %arg8[%dma_start3A_6] : memref<160xf32, #tpu.memory_space<vmem>> -> memref<128xf32, #tpu.memory_space<vmem>>
    %dma_start3A_8 = arith.constant 0 : i32
    %dma_start3A_9 = tpu.memref_slice %arg2[%dma_start3A_8] : memref<9216xf32, #tpu.memory_space<hbm>> -> memref<128xf32, #tpu.memory_space<hbm>>
    tpu.enqueue_dma source(%dma_start3A_9 : memref<128xf32, #tpu.memory_space<hbm>>) target(%dma_start3A_7 : memref<128xf32, #tpu.memory_space<vmem>>) target_semaphore(%arg16 : memref<!tpu.dma_semaphore, #tpu.memory_space<semaphore_mem>>)
    %dma_start3A_10 = arith.constant 128 : i32
    %dma_start3A_11 = tpu.memref_slice %arg8[%dma_start3A_10] : memref<160xf32, #tpu.memory_space<vmem>> -> memref<16xf32, #tpu.memory_space<vmem>>
    %dma_start3A_12 = arith.constant 8192 : i32
    %dma_start3A_13 = tpu.memref_slice %arg2[%dma_start3A_12] : memref<9216xf32, #tpu.memory_space<hbm>> -> memref<16xf32, #tpu.memory_space<hbm>>
    %dma_start3A_14 = arith.constant 128 : i32
    %dma_start3A_15 = tpu.memref_slice %arg8[%dma_start3A_14] : memref<160xf32, #tpu.memory_space<vmem>> -> memref<16xf32, #tpu.memory_space<vmem>>
    %dma_start3A_16 = arith.constant 8192 : i32
    %dma_start3A_17 = tpu.memref_slice %arg2[%dma_start3A_16] : memref<9216xf32, #tpu.memory_space<hbm>> -> memref<16xf32, #tpu.memory_space<hbm>>
    tpu.enqueue_dma source(%dma_start3A_17 : memref<16xf32, #tpu.memory_space<hbm>>) target(%dma_start3A_15 : memref<16xf32, #tpu.memory_space<vmem>>) target_semaphore(%arg16 : memref<!tpu.dma_semaphore, #tpu.memory_space<semaphore_mem>>)
    %dma_start3A_18 = arith.constant 144 : i32
    %dma_start3A_19 = tpu.memref_slice %arg8[%dma_start3A_18] : memref<160xf32, #tpu.memory_space<vmem>> -> memref<16xf32, #tpu.memory_space<vmem>>
    %dma_start3A_20 = arith.constant 8320 : i32
    %dma_start3A_21 = tpu.memref_slice %arg2[%dma_start3A_20] : memref<9216xf32, #tpu.memory_space<hbm>> -> memref<16xf32, #tpu.memory_space<hbm>>
    %dma_start3A_22 = arith.constant 144 : i32
    %dma_start3A_23 = tpu.memref_slice %arg8[%dma_start3A_22] : memref<160xf32, #tpu.memory_space<vmem>> -> memref<16xf32, #tpu.memory_space<vmem>>
    %dma_start3A_24 = arith.constant 8320 : i32
    %dma_start3A_25 = tpu.memref_slice %arg2[%dma_start3A_24] : memref<9216xf32, #tpu.memory_space<hbm>> -> memref<16xf32, #tpu.memory_space<hbm>>
    tpu.enqueue_dma source(%dma_start3A_25 : memref<16xf32, #tpu.memory_space<hbm>>) target(%dma_start3A_23 : memref<16xf32, #tpu.memory_space<vmem>>) target_semaphore(%arg16 : memref<!tpu.dma_semaphore, #tpu.memory_space<semaphore_mem>>)
    %dma_start3A_26 = arith.constant 0 : i32
    %dma_start3A_27 = arith.constant 0 : i32
    %dma_start3A_28 = tpu.memref_slice %arg3[%dma_start3A_26, %dma_start3A_27] : memref<64x1024xf32, #tpu.memory_space<hbm>> -> memref<2x1024xf32, #tpu.memory_space<hbm>>
    %dma_start3A_29 = arith.constant 0 : i32
    %dma_start3A_30 = arith.constant 0 : i32
    %dma_start3A_31 = tpu.memref_slice %arg3[%dma_start3A_29, %dma_start3A_30] : memref<64x1024xf32, #tpu.memory_space<hbm>> -> memref<2x1024xf32, #tpu.memory_space<hbm>>
    tpu.enqueue_dma source(%dma_start3A_31 : memref<2x1024xf32, #tpu.memory_space<hbm>>) target(%arg10 : memref<2x1024xf32, #tpu.memory_space<vmem>>) target_semaphore(%arg16 : memref<!tpu.dma_semaphore, #tpu.memory_space<semaphore_mem>>)
    %dma_start3A_32 = arith.constant 0 : i32
    %dma_start3A_33 = tpu.memref_slice %arg4[%mul3A_2, %dma_start3A_32] : memref<4096x8192xf32, #tpu.memory_space<hbm>> -> memref<128x128xf32, #tpu.memory_space<hbm>>
    %dma_start3A_34 = arith.constant 0 : i32
    %dma_start3A_35 = tpu.memref_slice %arg4[%mul3A_2, %dma_start3A_34] : memref<4096x8192xf32, #tpu.memory_space<hbm>> -> memref<128x128xf32, #tpu.memory_space<hbm>>
    tpu.enqueue_dma source(%dma_start3A_35 : memref<128x128xf32, #tpu.memory_space<hbm>>) target(%arg9 : memref<128x128xf32, #tpu.memory_space<vmem>>) target_semaphore(%arg16 : memref<!tpu.dma_semaphore, #tpu.memory_space<semaphore_mem>>)
    %dma_wait3A = arith.constant 0 : i32
    %dma_wait3A_36 = tpu.memref_slice %arg8[%dma_wait3A] : memref<160xf32, #tpu.memory_space<vmem>> -> memref<128xf32, #tpu.memory_space<vmem>>
    %dma_wait3A_37 = arith.constant 0 : i32
    %dma_wait3A_38 = tpu.memref_slice %arg2[%dma_wait3A_37] : memref<9216xf32, #tpu.memory_space<hbm>> -> memref<128xf32, #tpu.memory_space<hbm>>
    %dma_wait3A_39 = arith.constant 0 : i32
    %dma_wait3A_40 = tpu.memref_slice %arg8[%dma_wait3A_39] : memref<160xf32, #tpu.memory_space<vmem>> -> memref<128xf32, #tpu.memory_space<vmem>>
    %dma_wait3A_41 = arith.constant 0 : i32
    %dma_wait3A_42 = tpu.memref_slice %arg2[%dma_wait3A_41] : memref<9216xf32, #tpu.memory_space<hbm>> -> memref<128xf32, #tpu.memory_space<hbm>>
    tpu.wait_dma2 semaphore(%arg16 : memref<!tpu.dma_semaphore, #tpu.memory_space<semaphore_mem>>) src(%dma_wait3A_42 : memref<128xf32, #tpu.memory_space<hbm>>) dst(%dma_wait3A_40 : memref<128xf32, #tpu.memory_space<vmem>>)
    %dma_wait3A_43 = arith.constant 128 : i32
    %dma_wait3A_44 = tpu.memref_slice %arg8[%dma_wait3A_43] : memref<160xf32, #tpu.memory_space<vmem>> -> memref<16xf32, #tpu.memory_space<vmem>>
    %dma_wait3A_45 = arith.constant 8192 : i32
    %dma_wait3A_46 = tpu.memref_slice %arg2[%dma_wait3A_45] : memref<9216xf32, #tpu.memory_space<hbm>> -> memref<16xf32, #tpu.memory_space<hbm>>
    %dma_wait3A_47 = arith.constant 128 : i32
    %dma_wait3A_48 = tpu.memref_slice %arg8[%dma_wait3A_47] : memref<160xf32, #tpu.memory_space<vmem>> -> memref<16xf32, #tpu.memory_space<vmem>>
    %dma_wait3A_49 = arith.constant 8192 : i32
    %dma_wait3A_50 = tpu.memref_slice %arg2[%dma_wait3A_49] : memref<9216xf32, #tpu.memory_space<hbm>> -> memref<16xf32, #tpu.memory_space<hbm>>
    tpu.wait_dma2 semaphore(%arg16 : memref<!tpu.dma_semaphore, #tpu.memory_space<semaphore_mem>>) src(%dma_wait3A_50 : memref<16xf32, #tpu.memory_space<hbm>>) dst(%dma_wait3A_48 : memref<16xf32, #tpu.memory_space<vmem>>)
    %dma_wait3A_51 = arith.constant 144 : i32
    %dma_wait3A_52 = tpu.memref_slice %arg8[%dma_wait3A_51] : memref<160xf32, #tpu.memory_space<vmem>> -> memref<16xf32, #tpu.memory_space<vmem>>
    %dma_wait3A_53 = arith.constant 8320 : i32
    %dma_wait3A_54 = tpu.memref_slice %arg2[%dma_wait3A_53] : memref<9216xf32, #tpu.memory_space<hbm>> -> memref<16xf32, #tpu.memory_space<hbm>>
    %dma_wait3A_55 = arith.constant 144 : i32
    %dma_wait3A_56 = tpu.memref_slice %arg8[%dma_wait3A_55] : memref<160xf32, #tpu.memory_space<vmem>> -> memref<16xf32, #tpu.memory_space<vmem>>
    %dma_wait3A_57 = arith.constant 8320 : i32
    %dma_wait3A_58 = tpu.memref_slice %arg2[%dma_wait3A_57] : memref<9216xf32, #tpu.memory_space<hbm>> -> memref<16xf32, #tpu.memory_space<hbm>>
    tpu.wait_dma2 semaphore(%arg16 : memref<!tpu.dma_semaphore, #tpu.memory_space<semaphore_mem>>) src(%dma_wait3A_58 : memref<16xf32, #tpu.memory_space<hbm>>) dst(%dma_wait3A_56 : memref<16xf32, #tpu.memory_space<vmem>>)
    %dma_wait3A_59 = arith.constant 0 : i32
    %dma_wait3A_60 = arith.constant 0 : i32
    %dma_wait3A_61 = tpu.memref_slice %arg3[%dma_wait3A_59, %dma_wait3A_60] : memref<64x1024xf32, #tpu.memory_space<hbm>> -> memref<2x1024xf32, #tpu.memory_space<hbm>>
    %dma_wait3A_62 = arith.constant 0 : i32
    %dma_wait3A_63 = arith.constant 0 : i32
    %dma_wait3A_64 = tpu.memref_slice %arg3[%dma_wait3A_62, %dma_wait3A_63] : memref<64x1024xf32, #tpu.memory_space<hbm>> -> memref<2x1024xf32, #tpu.memory_space<hbm>>
    tpu.wait_dma2 semaphore(%arg16 : memref<!tpu.dma_semaphore, #tpu.memory_space<semaphore_mem>>) src(%dma_wait3A_64 : memref<2x1024xf32, #tpu.memory_space<hbm>>) dst(%arg10 : memref<2x1024xf32, #tpu.memory_space<vmem>>)
    %get3A = arith.constant 128 : index
    %get3A_65 = tpu.vector_load %arg8[%get3A] {strides = array<i32>} : memref<160xf32, #tpu.memory_space<vmem>>, vector<16xf32>,
    %slice3A = vector.extract_strided_slice %get3A_65 {offsets = [0], sizes = [1], strides = [1]} : vector<16xf32> to vector<1xf32>
    %squeeze3A = vector.extract %slice3A[0] : f32 from vector<1xf32>
    %broadcast_in_dim3A = vector.broadcast %squeeze3A : f32 to vector<16xf32>
    %get3A_66 = arith.constant 144 : index
    %get3A_67 = tpu.vector_load %arg8[%get3A_66] {strides = array<i32>} : memref<160xf32, #tpu.memory_space<vmem>>, vector<16xf32>,
    %slice3A_68 = vector.extract_strided_slice %get3A_67 {offsets = [0], sizes = [1], strides = [1]} : vector<16xf32> to vector<1xf32>
    %squeeze3A_69 = vector.extract %slice3A_68[0] : f32 from vector<1xf32>
    %broadcast_in_dim3A_70 = arith.constant 0.000000e+00 : f32
    %broadcast_in_dim3A_71 = vector.broadcast %broadcast_in_dim3A_70 : f32 to vector<16xf32>
    %broadcast_in_dim3A_72 = arith.constant 0 : i32
    %broadcast_in_dim3A_73 = vector.broadcast %broadcast_in_dim3A_72 : i32 to vector<16xi32>
    %add3A_74 = arith.addi %broadcast_in_dim3A_73, %iota3A : vector<16xi32>
    %mul3A_75 = arith.constant 8 : i32
    %mul3A_76 = vector.broadcast %mul3A_75 : i32 to vector<16xi32>
    %mul3A_77 = arith.muli %add3A_74, %mul3A_76 : vector<16xi32>
    %add3A_78 = arith.constant 0 : i32
    %add3A_79 = vector.broadcast %add3A_78 : i32 to vector<16xi32>
    %add3A_80 = arith.addi %mul3A_77, %add3A_79 : vector<16xi32>
    %shift_right_arithmetic3A = arith.constant 10 : i32
    %shift_right_arithmetic3A_81 = vector.broadcast %shift_right_arithmetic3A : i32 to vector<16xi32>
    %shift_right_arithmetic3A_82 = arith.shrsi %add3A_80, %shift_right_arithmetic3A_81 : vector<16xi32>
    %and3A = arith.constant 1023 : i32
    %and3A_83 = vector.broadcast %and3A : i32 to vector<16xi32>
    %and3A_84 = arith.andi %add3A_80, %and3A_83 : vector<16xi32>
    %gather3A = tpu.vector_load_idx %arg10[%shift_right_arithmetic3A_82, %and3A_84] : memref<2x1024xf32, #tpu.memory_space<vmem>>[vector<16xi32>, vector<16xi32>], vector<16xf32>,
    %add3A_85 = arith.addf %broadcast_in_dim3A_71, %gather3A : vector<16xf32>
    %add3A_86 = arith.constant 1 : i32
    %add3A_87 = vector.broadcast %add3A_86 : i32 to vector<16xi32>
    %add3A_88 = arith.addi %mul3A_77, %add3A_87 : vector<16xi32>
    %shift_right_arithmetic3A_89 = arith.constant 10 : i32
    %shift_right_arithmetic3A_90 = vector.broadcast %shift_right_arithmetic3A_89 : i32 to vector<16xi32>
    %shift_right_arithmetic3A_91 = arith.shrsi %add3A_88, %shift_right_arithmetic3A_90 : vector<16xi32>
    %and3A_92 = arith.constant 1023 : i32
    %and3A_93 = vector.broadcast %and3A_92 : i32 to vector<16xi32>
    %and3A_94 = arith.andi %add3A_88, %and3A_93 : vector<16xi32>
    %gather3A_95 = tpu.vector_load_idx %arg10[%shift_right_arithmetic3A_91, %and3A_94] : memref<2x1024xf32, #tpu.memory_space<vmem>>[vector<16xi32>, vector<16xi32>], vector<16xf32>,
    %add3A_96 = arith.addf %add3A_85, %gather3A_95 : vector<16xf32>
    %add3A_97 = arith.constant 2 : i32
    %add3A_98 = vector.broadcast %add3A_97 : i32 to vector<16xi32>
    %add3A_99 = arith.addi %mul3A_77, %add3A_98 : vector<16xi32>
    %shift_right_arithmetic3A_100 = arith.constant 10 : i32
    %shift_right_arithmetic3A_101 = vector.broadcast %shift_right_arithmetic3A_100 : i32 to vector<16xi32>
    %shift_right_arithmetic3A_102 = arith.shrsi %add3A_99, %shift_right_arithmetic3A_101 : vector<16xi32>
    %and3A_103 = arith.constant 1023 : i32
    %and3A_104 = vector.broadcast %and3A_103 : i32 to vector<16xi32>
    %and3A_105 = arith.andi %add3A_99, %and3A_104 : vector<16xi32>
    %gather3A_106 = tpu.vector_load_idx %arg10[%shift_right_arithmetic3A_102, %and3A_105] : memref<2x1024xf32, #tpu.memory_space<vmem>>[vector<16xi32>, vector<16xi32>], vector<16xf32>,
    %add3A_107 = arith.addf %add3A_96, %gather3A_106 : vector<16xf32>
    %add3A_108 = arith.constant 3 : i32
    %add3A_109 = vector.broadcast %add3A_108 : i32 to vector<16xi32>
    %add3A_110 = arith.addi %mul3A_77, %add3A_109 : vector<16xi32>
    %shift_right_arithmetic3A_111 = arith.constant 10 : i32
    %shift_right_arithmetic3A_112 = vector.broadcast %shift_right_arithmetic3A_111 : i32 to vector<16xi32>
    %shift_right_arithmetic3A_113 = arith.shrsi %add3A_110, %shift_right_arithmetic3A_112 : vector<16xi32>
    %and3A_114 = arith.constant 1023 : i32
    %and3A_115 = vector.broadcast %and3A_114 : i32 to vector<16xi32>
    %and3A_116 = arith.andi %add3A_110, %and3A_115 : vector<16xi32>
    %gather3A_117 = tpu.vector_load_idx %arg10[%shift_right_arithmetic3A_113, %and3A_116] : memref<2x1024xf32, #tpu.memory_space<vmem>>[vector<16xi32>, vector<16xi32>], vector<16xf32>,
    %add3A_118 = arith.addf %add3A_107, %gather3A_117 : vector<16xf32>
    %add3A_119 = arith.constant 4 : i32
    %add3A_120 = vector.broadcast %add3A_119 : i32 to vector<16xi32>
    %add3A_121 = arith.addi %mul3A_77, %add3A_120 : vector<16xi32>
    %shift_right_arithmetic3A_122 = arith.constant 10 : i32
    %shift_right_arithmetic3A_123 = vector.broadcast %shift_right_arithmetic3A_122 : i32 to vector<16xi32>
    %shift_right_arithmetic3A_124 = arith.shrsi %add3A_121, %shift_right_arithmetic3A_123 : vector<16xi32>
    %and3A_125 = arith.constant 1023 : i32
    %and3A_126 = vector.broadcast %and3A_125 : i32 to vector<16xi32>
    %and3A_127 = arith.andi %add3A_121, %and3A_126 : vector<16xi32>
    %gather3A_128 = tpu.vector_load_idx %arg10[%shift_right_arithmetic3A_124, %and3A_127] : memref<2x1024xf32, #tpu.memory_space<vmem>>[vector<16xi32>, vector<16xi32>], vector<16xf32>,
    %add3A_129 = arith.addf %add3A_118, %gather3A_128 : vector<16xf32>
    %add3A_130 = arith.constant 5 : i32
    %add3A_131 = vector.broadcast %add3A_130 : i32 to vector<16xi32>
    %add3A_132 = arith.addi %mul3A_77, %add3A_131 : vector<16xi32>
    %shift_right_arithmetic3A_133 = arith.constant 10 : i32
    %shift_right_arithmetic3A_134 = vector.broadcast %shift_right_arithmetic3A_133 : i32 to vector<16xi32>
    %shift_right_arithmetic3A_135 = arith.shrsi %add3A_132, %shift_right_arithmetic3A_134 : vector<16xi32>
    %and3A_136 = arith.constant 1023 : i32
    %and3A_137 = vector.broadcast %and3A_136 : i32 to vector<16xi32>
    %and3A_138 = arith.andi %add3A_132, %and3A_137 : vector<16xi32>
    %gather3A_139 = tpu.vector_load_idx %arg10[%shift_right_arithmetic3A_135, %and3A_138] : memref<2x1024xf32, #tpu.memory_space<vmem>>[vector<16xi32>, vector<16xi32>], vector<16xf32>,
    %add3A_140 = arith.addf %add3A_129, %gather3A_139 : vector<16xf32>
    %add3A_141 = arith.constant 6 : i32
    %add3A_142 = vector.broadcast %add3A_141 : i32 to vector<16xi32>
    %add3A_143 = arith.addi %mul3A_77, %add3A_142 : vector<16xi32>
    %shift_right_arithmetic3A_144 = arith.constant 10 : i32
    %shift_right_arithmetic3A_145 = vector.broadcast %shift_right_arithmetic3A_144 : i32 to vector<16xi32>
    %shift_right_arithmetic3A_146 = arith.shrsi %add3A_143, %shift_right_arithmetic3A_145 : vector<16xi32>
    %and3A_147 = arith.constant 1023 : i32
    %and3A_148 = vector.broadcast %and3A_147 : i32 to vector<16xi32>
    %and3A_149 = arith.andi %add3A_143, %and3A_148 : vector<16xi32>
    %gather3A_150 = tpu.vector_load_idx %arg10[%shift_right_arithmetic3A_146, %and3A_149] : memref<2x1024xf32, #tpu.memory_space<vmem>>[vector<16xi32>, vector<16xi32>], vector<16xf32>,
    %add3A_151 = arith.addf %add3A_140, %gather3A_150 : vector<16xf32>
    %add3A_152 = arith.constant 7 : i32
    %add3A_153 = vector.broadcast %add3A_152 : i32 to vector<16xi32>
    %add3A_154 = arith.addi %mul3A_77, %add3A_153 : vector<16xi32>
    %shift_right_arithmetic3A_155 = arith.constant 10 : i32
    %shift_right_arithmetic3A_156 = vector.broadcast %shift_right_arithmetic3A_155 : i32 to vector<16xi32>
    %shift_right_arithmetic3A_157 = arith.shrsi %add3A_154, %shift_right_arithmetic3A_156 : vector<16xi32>
    %and3A_158 = arith.constant 1023 : i32
    %and3A_159 = vector.broadcast %and3A_158 : i32 to vector<16xi32>
    %and3A_160 = arith.andi %add3A_154, %and3A_159 : vector<16xi32>
    %gather3A_161 = tpu.vector_load_idx %arg10[%shift_right_arithmetic3A_157, %and3A_160] : memref<2x1024xf32, #tpu.memory_space<vmem>>[vector<16xi32>, vector<16xi32>], vector<16xf32>,
    %add3A_162 = arith.addf %add3A_151, %gather3A_161 : vector<16xf32>
    %mul3A_163 = vector.broadcast %squeeze3A_69 : f32 to vector<16xf32>
    %mul3A_164 = arith.mulf %add3A_162, %mul3A_163 : vector<16xf32>
    %swap3A = arith.constant 0 : index
    %swap3A_165 = tpu.vector_load %arg7[%swap3A] {strides = array<i32>} : memref<144xf32, #tpu.memory_space<vmem>>, vector<16xf32>,
    tpu.vector_store %arg7[%swap3A], %mul3A_164 {strides = array<i32>} : memref<144xf32, #tpu.memory_space<vmem>>, vector<16xf32>,
    %broadcast_in_dim3A_166 = arith.constant 0.000000e+00 : f32
    %broadcast_in_dim3A_167 = vector.broadcast %broadcast_in_dim3A_166 : f32 to vector<16xf32>
    %broadcast_in_dim3A_168 = arith.constant 16 : i32
    %broadcast_in_dim3A_169 = vector.broadcast %broadcast_in_dim3A_168 : i32 to vector<16xi32>
    %add3A_170 = arith.addi %broadcast_in_dim3A_169, %iota3A : vector<16xi32>
    %mul3A_171 = arith.constant 8 : i32
    %mul3A_172 = vector.broadcast %mul3A_171 : i32 to vector<16xi32>
    %mul3A_173 = arith.muli %add3A_170, %mul3A_172 : vector<16xi32>
    %add3A_174 = arith.constant 0 : i32
    %add3A_175 = vector.broadcast %add3A_174 : i32 to vector<16xi32>
    %add3A_176 = arith.addi %mul3A_173, %add3A_175 : vector<16xi32>
    %shift_right_arithmetic3A_177 = arith.constant 10 : i32
    %shift_right_arithmetic3A_178 = vector.broadcast %shift_right_arithmetic3A_177 : i32 to vector<16xi32>
    %shift_right_arithmetic3A_179 = arith.shrsi %add3A_176, %shift_right_arithmetic3A_178 : vector<16xi32>
    %and3A_180 = arith.constant 1023 : i32
    %and3A_181 = vector.broadcast %and3A_180 : i32 to vector<16xi32>
    %and3A_182 = arith.andi %add3A_176, %and3A_181 : vector<16xi32>
    %gather3A_183 = tpu.vector_load_idx %arg10[%shift_right_arithmetic3A_179, %and3A_182] : memref<2x1024xf32, #tpu.memory_space<vmem>>[vector<16xi32>, vector<16xi32>], vector<16xf32>,
    %add3A_184 = arith.addf %broadcast_in_dim3A_167, %gather3A_183 : vector<16xf32>
    %add3A_185 = arith.constant 1 : i32
    %add3A_186 = vector.broadcast %add3A_185 : i32 to vector<16xi32>
    %add3A_187 = arith.addi %mul3A_173, %add3A_186 : vector<16xi32>
    %shift_right_arithmetic3A_188 = arith.constant 10 : i32
    %shift_right_arithmetic3A_189 = vector.broadcast %shift_right_arithmetic3A_188 : i32 to vector<16xi32>
    %shift_right_arithmetic3A_190 = arith.shrsi %add3A_187, %shift_right_arithmetic3A_189 : vector<16xi32>
    %and3A_191 = arith.constant 1023 : i32
    %and3A_192 = vector.broadcast %and3A_191 : i32 to vector<16xi32>
    %and3A_193 = arith.andi %add3A_187, %and3A_192 : vector<16xi32>
    %gather3A_194 = tpu.vector_load_idx %arg10[%shift_right_arithmetic3A_190, %and3A_193] : memref<2x1024xf32, #tpu.memory_space<vmem>>[vector<16xi32>, vector<16xi32>], vector<16xf32>,
    %add3A_195 = arith.addf %add3A_184, %gather3A_194 : vector<16xf32>
    %add3A_196 = arith.constant 2 : i32
    %add3A_197 = vector.broadcast %add3A_196 : i32 to vector<16xi32>
    %add3A_198 = arith.addi %mul3A_173, %add3A_197 : vector<16xi32>
    %shift_right_arithmetic3A_199 = arith.constant 10 : i32
    %shift_right_arithmetic3A_200 = vector.broadcast %shift_right_arithmetic3A_199 : i32 to vector<16xi32>
    %shift_right_arithmetic3A_201 = arith.shrsi %add3A_198, %shift_right_arithmetic3A_200 : vector<16xi32>
    %and3A_202 = arith.constant 1023 : i32
    %and3A_203 = vector.broadcast %and3A_202 : i32 to vector<16xi32>
    %and3A_204 = arith.andi %add3A_198, %and3A_203 : vector<16xi32>
    %gather3A_205 = tpu.vector_load_idx %arg10[%shift_right_arithmetic3A_201, %and3A_204] : memref<2x1024xf32, #tpu.memory_space<vmem>>[vector<16xi32>, vector<16xi32>], vector<16xf32>,
    %add3A_206 = arith.addf %add3A_195, %gather3A_205 : vector<16xf32>
    %add3A_207 = arith.constant 3 : i32
    %add3A_208 = vector.broadcast %add3A_207 : i32 to vector<16xi32>
    %add3A_209 = arith.addi %mul3A_173, %add3A_208 : vector<16xi32>
    %shift_right_arithmetic3A_210 = arith.constant 10 : i32
    %shift_right_arithmetic3A_211 = vector.broadcast %shift_right_arithmetic3A_210 : i32 to vector<16xi32>
    %shift_right_arithmetic3A_212 = arith.shrsi %add3A_209, %shift_right_arithmetic3A_211 : vector<16xi32>
    %and3A_213 = arith.constant 1023 : i32
    %and3A_214 = vector.broadcast %and3A_213 : i32 to vector<16xi32>
    %and3A_215 = arith.andi %add3A_209, %and3A_214 : vector<16xi32>
    %gather3A_216 = tpu.vector_load_idx %arg10[%shift_right_arithmetic3A_212, %and3A_215] : memref<2x1024xf32, #tpu.memory_space<vmem>>[vector<16xi32>, vector<16xi32>], vector<16xf32>,
    %add3A_217 = arith.addf %add3A_206, %gather3A_216 : vector<16xf32>
    %add3A_218 = arith.constant 4 : i32
    %add3A_219 = vector.broadcast %add3A_218 : i32 to vector<16xi32>
    %add3A_220 = arith.addi %mul3A_173, %add3A_219 : vector<16xi32>
    %shift_right_arithmetic3A_221 = arith.constant 10 : i32
    %shift_right_arithmetic3A_222 = vector.broadcast %shift_right_arithmetic3A_221 : i32 to vector<16xi32>
    %shift_right_arithmetic3A_223 = arith.shrsi %add3A_220, %shift_right_arithmetic3A_222 : vector<16xi32>
    %and3A_224 = arith.constant 1023 : i32
    %and3A_225 = vector.broadcast %and3A_224 : i32 to vector<16xi32>
    %and3A_226 = arith.andi %add3A_220, %and3A_225 : vector<16xi32>
    %gather3A_227 = tpu.vector_load_idx %arg10[%shift_right_arithmetic3A_223, %and3A_226] : memref<2x1024xf32, #tpu.memory_space<vmem>>[vector<16xi32>, vector<16xi32>], vector<16xf32>,
    %add3A_228 = arith.addf %add3A_217, %gather3A_227 : vector<16xf32>
    %add3A_229 = arith.constant 5 : i32
    %add3A_230 = vector.broadcast %add3A_229 : i32 to vector<16xi32>
    %add3A_231 = arith.addi %mul3A_173, %add3A_230 : vector<16xi32>
    %shift_right_arithmetic3A_232 = arith.constant 10 : i32
    %shift_right_arithmetic3A_233 = vector.broadcast %shift_right_arithmetic3A_232 : i32 to vector<16xi32>
    %shift_right_arithmetic3A_234 = arith.shrsi %add3A_231, %shift_right_arithmetic3A_233 : vector<16xi32>
    %and3A_235 = arith.constant 1023 : i32
    %and3A_236 = vector.broadcast %and3A_235 : i32 to vector<16xi32>
    %and3A_237 = arith.andi %add3A_231, %and3A_236 : vector<16xi32>
    %gather3A_238 = tpu.vector_load_idx %arg10[%shift_right_arithmetic3A_234, %and3A_237] : memref<2x1024xf32, #tpu.memory_space<vmem>>[vector<16xi32>, vector<16xi32>], vector<16xf32>,
    %add3A_239 = arith.addf %add3A_228, %gather3A_238 : vector<16xf32>
    %add3A_240 = arith.constant 6 : i32
    %add3A_241 = vector.broadcast %add3A_240 : i32 to vector<16xi32>
    %add3A_242 = arith.addi %mul3A_173, %add3A_241 : vector<16xi32>
    %shift_right_arithmetic3A_243 = arith.constant 10 : i32
    %shift_right_arithmetic3A_244 = vector.broadcast %shift_right_arithmetic3A_243 : i32 to vector<16xi32>
    %shift_right_arithmetic3A_245 = arith.shrsi %add3A_242, %shift_right_arithmetic3A_244 : vector<16xi32>
    %and3A_246 = arith.constant 1023 : i32
    %and3A_247 = vector.broadcast %and3A_246 : i32 to vector<16xi32>
    %and3A_248 = arith.andi %add3A_242, %and3A_247 : vector<16xi32>
    %gather3A_249 = tpu.vector_load_idx %arg10[%shift_right_arithmetic3A_245, %and3A_248] : memref<2x1024xf32, #tpu.memory_space<vmem>>[vector<16xi32>, vector<16xi32>], vector<16xf32>,
    %add3A_250 = arith.addf %add3A_239, %gather3A_249 : vector<16xf32>
    %add3A_251 = arith.constant 7 : i32
    %add3A_252 = vector.broadcast %add3A_251 : i32 to vector<16xi32>
    %add3A_253 = arith.addi %mul3A_173, %add3A_252 : vector<16xi32>
    %shift_right_arithmetic3A_254 = arith.constant 10 : i32
    %shift_right_arithmetic3A_255 = vector.broadcast %shift_right_arithmetic3A_254 : i32 to vector<16xi32>
    %shift_right_arithmetic3A_256 = arith.shrsi %add3A_253, %shift_right_arithmetic3A_255 : vector<16xi32>
    %and3A_257 = arith.constant 1023 : i32
    %and3A_258 = vector.broadcast %and3A_257 : i32 to vector<16xi32>
    %and3A_259 = arith.andi %add3A_253, %and3A_258 : vector<16xi32>
    %gather3A_260 = tpu.vector_load_idx %arg10[%shift_right_arithmetic3A_256, %and3A_259] : memref<2x1024xf32, #tpu.memory_space<vmem>>[vector<16xi32>, vector<16xi32>], vector<16xf32>,
    %add3A_261 = arith.addf %add3A_250, %gather3A_260 : vector<16xf32>
    %mul3A_262 = vector.broadcast %squeeze3A_69 : f32 to vector<16xf32>
    %mul3A_263 = arith.mulf %add3A_261, %mul3A_262 : vector<16xf32>
    %swap3A_264 = arith.constant 16 : index
    %swap3A_265 = tpu.vector_load %arg7[%swap3A_264] {strides = array<i32>} : memref<144xf32, #tpu.memory_space<vmem>>, vector<16xf32>,
    tpu.vector_store %arg7[%swap3A_264], %mul3A_263 {strides = array<i32>} : memref<144xf32, #tpu.memory_space<vmem>>, vector<16xf32>,
    %broadcast_in_dim3A_266 = arith.constant 0.000000e+00 : f32
    %broadcast_in_dim3A_267 = vector.broadcast %broadcast_in_dim3A_266 : f32 to vector<16xf32>
    %broadcast_in_dim3A_268 = arith.constant 32 : i32
    %broadcast_in_dim3A_269 = vector.broadcast %broadcast_in_dim3A_268 : i32 to vector<16xi32>
    %add3A_270 = arith.addi %broadcast_in_dim3A_269, %iota3A : vector<16xi32>
    %mul3A_271 = arith.constant 8 : i32
    %mul3A_272 = vector.broadcast %mul3A_271 : i32 to vector<16xi32>
    %mul3A_273 = arith.muli %add3A_270, %mul3A_272 : vector<16xi32>
    %add3A_274 = arith.constant 0 : i32
    %add3A_275 = vector.broadcast %add3A_274 : i32 to vector<16xi32>
    %add3A_276 = arith.addi %mul3A_273, %add3A_275 : vector<16xi32>
    %shift_right_arithmetic3A_277 = arith.constant 10 : i32
    %shift_right_arithmetic3A_278 = vector.broadcast %shift_right_arithmetic3A_277 : i32 to vector<16xi32>
    %shift_right_arithmetic3A_279 = arith.shrsi %add3A_276, %shift_right_arithmetic3A_278 : vector<16xi32>
    %and3A_280 = arith.constant 1023 : i32
    %and3A_281 = vector.broadcast %and3A_280 : i32 to vector<16xi32>
    %and3A_282 = arith.andi %add3A_276, %and3A_281 : vector<16xi32>
    %gather3A_283 = tpu.vector_load_idx %arg10[%shift_right_arithmetic3A_279, %and3A_282] : memref<2x1024xf32, #tpu.memory_space<vmem>>[vector<16xi32>, vector<16xi32>], vector<16xf32>,
    %add3A_284 = arith.addf %broadcast_in_dim3A_267, %gather3A_283 : vector<16xf32>
    %add3A_285 = arith.constant 1 : i32
    %add3A_286 = vector.broadcast %add3A_285 : i32 to vector<16xi32>
    %add3A_287 = arith.addi %mul3A_273, %add3A_286 : vector<16xi32>
    %shift_right_arithmetic3A_288 = arith.constant 10 : i32
    %shift_right_arithmetic3A_289 = vector.broadcast %shift_right_arithmetic3A_288 : i32 to vector<16xi32>
    %shift_right_arithmetic3A_290 = arith.shrsi %add3A_287, %shift_right_arithmetic3A_289 : vector<16xi32>
    %and3A_291 = arith.constant 1023 : i32
    %and3A_292 = vector.broadcast %and3A_291 : i32 to vector<16xi32>
    %and3A_293 = arith.andi %add3A_287, %and3A_292 : vector<16xi32>
    %gather3A_294 = tpu.vector_load_idx %arg10[%shift_right_arithmetic3A_290, %and3A_293] : memref<2x1024xf32, #tpu.memory_space<vmem>>[vector<16xi32>, vector<16xi32>], vector<16xf32>,
    %add3A_295 = arith.addf %add3A_284, %gather3A_294 : vector<16xf32>
    %add3A_296 = arith.constant 2 : i32
    %add3A_297 = vector.broadcast %add3A_296 : i32 to vector<16xi32>
    %add3A_298 = arith.addi %mul3A_273, %add3A_297 : vector<16xi32>
    %shift_right_arithmetic3A_299 = arith.constant 10 : i32
    %shift_right_arithmetic3A_300 = vector.broadcast %shift_right_arithmetic3A_299 : i32 to vector<16xi32>
    %shift_right_arithmetic3A_301 = arith.shrsi %add3A_298, %shift_right_arithmetic3A_300 : vector<16xi32>
    %and3A_302 = arith.constant 1023 : i32
    %and3A_303 = vector.broadcast %and3A_302 : i32 to vector<16xi32>
    %and3A_304 = arith.andi %add3A_298, %and3A_303 : vector<16xi32>
    %gather3A_305 = tpu.vector_load_idx %arg10[%shift_right_arithmetic3A_301, %and3A_304] : memref<2x1024xf32, #tpu.memory_space<vmem>>[vector<16xi32>, vector<16xi32>], vector<16xf32>,
    %add3A_306 = arith.addf %add3A_295, %gather3A_305 : vector<16xf32>
    %add3A_307 = arith.constant 3 : i32
    %add3A_308 = vector.broadcast %add3A_307 : i32 to vector<16xi32>
    %add3A_309 = arith.addi %mul3A_273, %add3A_308 : vector<16xi32>
    %shift_right_arithmetic3A_310 = arith.constant 10 : i32
    %shift_right_arithmetic3A_311 = vector.broadcast %shift_right_arithmetic3A_310 : i32 to vector<16xi32>
    %shift_right_arithmetic3A_312 = arith.shrsi %add3A_309, %shift_right_arithmetic3A_311 : vector<16xi32>
    %and3A_313 = arith.constant 1023 : i32
    %and3A_314 = vector.broadcast %and3A_313 : i32 to vector<16xi32>
    %and3A_315 = arith.andi %add3A_309, %and3A_314 : vector<16xi32>
    %gather3A_316 = tpu.vector_load_idx %arg10[%shift_right_arithmetic3A_312, %and3A_315] : memref<2x1024xf32, #tpu.memory_space<vmem>>[vector<16xi32>, vector<16xi32>], vector<16xf32>,
    %add3A_317 = arith.addf %add3A_306, %gather3A_316 : vector<16xf32>
    %add3A_318 = arith.constant 4 : i32
    %add3A_319 = vector.broadcast %add3A_318 : i32 to vector<16xi32>
    %add3A_320 = arith.addi %mul3A_273, %add3A_319 : vector<16xi32>
    %shift_right_arithmetic3A_321 = arith.constant 10 : i32
    %shift_right_arithmetic3A_322 = vector.broadcast %shift_right_arithmetic3A_321 : i32 to vector<16xi32>
    %shift_right_arithmetic3A_323 = arith.shrsi %add3A_320, %shift_right_arithmetic3A_322 : vector<16xi32>
    %and3A_324 = arith.constant 1023 : i32
    %and3A_325 = vector.broadcast %and3A_324 : i32 to vector<16xi32>
    %and3A_326 = arith.andi %add3A_320, %and3A_325 : vector<16xi32>
    %gather3A_327 = tpu.vector_load_idx %arg10[%shift_right_arithmetic3A_323, %and3A_326] : memref<2x1024xf32, #tpu.memory_space<vmem>>[vector<16xi32>, vector<16xi32>], vector<16xf32>,
    %add3A_328 = arith.addf %add3A_317, %gather3A_327 : vector<16xf32>
    %add3A_329 = arith.constant 5 : i32
    %add3A_330 = vector.broadcast %add3A_329 : i32 to vector<16xi32>
    %add3A_331 = arith.addi %mul3A_273, %add3A_330 : vector<16xi32>
    %shift_right_arithmetic3A_332 = arith.constant 10 : i32
    %shift_right_arithmetic3A_333 = vector.broadcast %shift_right_arithmetic3A_332 : i32 to vector<16xi32>
    %shift_right_arithmetic3A_334 = arith.shrsi %add3A_331, %shift_right_arithmetic3A_333 : vector<16xi32>
    %and3A_335 = arith.constant 1023 : i32
    %and3A_336 = vector.broadcast %and3A_335 : i32 to vector<16xi32>
    %and3A_337 = arith.andi %add3A_331, %and3A_336 : vector<16xi32>
    %gather3A_338 = tpu.vector_load_idx %arg10[%shift_right_arithmetic3A_334, %and3A_337] : memref<2x1024xf32, #tpu.memory_space<vmem>>[vector<16xi32>, vector<16xi32>], vector<16xf32>,
    %add3A_339 = arith.addf %add3A_328, %gather3A_338 : vector<16xf32>
    %add3A_340 = arith.constant 6 : i32
    %add3A_341 = vector.broadcast %add3A_340 : i32 to vector<16xi32>
    %add3A_342 = arith.addi %mul3A_273, %add3A_341 : vector<16xi32>
    %shift_right_arithmetic3A_343 = arith.constant 10 : i32
    %shift_right_arithmetic3A_344 = vector.broadcast %shift_right_arithmetic3A_343 : i32 to vector<16xi32>
    %shift_right_arithmetic3A_345 = arith.shrsi %add3A_342, %shift_right_arithmetic3A_344 : vector<16xi32>
    %and3A_346 = arith.constant 1023 : i32
    %and3A_347 = vector.broadcast %and3A_346 : i32 to vector<16xi32>
    %and3A_348 = arith.andi %add3A_342, %and3A_347 : vector<16xi32>
    %gather3A_349 = tpu.vector_load_idx %arg10[%shift_right_arithmetic3A_345, %and3A_348] : memref<2x1024xf32, #tpu.memory_space<vmem>>[vector<16xi32>, vector<16xi32>], vector<16xf32>,
    %add3A_350 = arith.addf %add3A_339, %gather3A_349 : vector<16xf32>
    %add3A_351 = arith.constant 7 : i32
    %add3A_352 = vector.broadcast %add3A_351 : i32 to vector<16xi32>
    %add3A_353 = arith.addi %mul3A_273, %add3A_352 : vector<16xi32>
    %shift_right_arithmetic3A_354 = arith.constant 10 : i32
    %shift_right_arithmetic3A_355 = vector.broadcast %shift_right_arithmetic3A_354 : i32 to vector<16xi32>
    %shift_right_arithmetic3A_356 = arith.shrsi %add3A_353, %shift_right_arithmetic3A_355 : vector<16xi32>
    %and3A_357 = arith.constant 1023 : i32
    %and3A_358 = vector.broadcast %and3A_357 : i32 to vector<16xi32>
    %and3A_359 = arith.andi %add3A_353, %and3A_358 : vector<16xi32>
    %gather3A_360 = tpu.vector_load_idx %arg10[%shift_right_arithmetic3A_356, %and3A_359] : memref<2x1024xf32, #tpu.memory_space<vmem>>[vector<16xi32>, vector<16xi32>], vector<16xf32>,
    %add3A_361 = arith.addf %add3A_350, %gather3A_360 : vector<16xf32>
    %mul3A_362 = vector.broadcast %squeeze3A_69 : f32 to vector<16xf32>
    %mul3A_363 = arith.mulf %add3A_361, %mul3A_362 : vector<16xf32>
    %swap3A_364 = arith.constant 32 : index
    %swap3A_365 = tpu.vector_load %arg7[%swap3A_364] {strides = array<i32>} : memref<144xf32, #tpu.memory_space<vmem>>, vector<16xf32>,
    tpu.vector_store %arg7[%swap3A_364], %mul3A_363 {strides = array<i32>} : memref<144xf32, #tpu.memory_space<vmem>>, vector<16xf32>,
    %broadcast_in_dim3A_366 = arith.constant 0.000000e+00 : f32
    %broadcast_in_dim3A_367 = vector.broadcast %broadcast_in_dim3A_366 : f32 to vector<16xf32>
    %broadcast_in_dim3A_368 = arith.constant 48 : i32
    %broadcast_in_dim3A_369 = vector.broadcast %broadcast_in_dim3A_368 : i32 to vector<16xi32>
    %add3A_370 = arith.addi %broadcast_in_dim3A_369, %iota3A : vector<16xi32>
    %mul3A_371 = arith.constant 8 : i32
    %mul3A_372 = vector.broadcast %mul3A_371 : i32 to vector<16xi32>
    %mul3A_373 = arith.muli %add3A_370, %mul3A_372 : vector<16xi32>
    %add3A_374 = arith.constant 0 : i32
    %add3A_375 = vector.broadcast %add3A_374 : i32 to vector<16xi32>
    %add3A_376 = arith.addi %mul3A_373, %add3A_375 : vector<16xi32>
    %shift_right_arithmetic3A_377 = arith.constant 10 : i32
    %shift_right_arithmetic3A_378 = vector.broadcast %shift_right_arithmetic3A_377 : i32 to vector<16xi32>
    %shift_right_arithmetic3A_379 = arith.shrsi %add3A_376, %shift_right_arithmetic3A_378 : vector<16xi32>
    %and3A_380 = arith.constant 1023 : i32
    %and3A_381 = vector.broadcast %and3A_380 : i32 to vector<16xi32>
    %and3A_382 = arith.andi %add3A_376, %and3A_381 : vector<16xi32>
    %gather3A_383 = tpu.vector_load_idx %arg10[%shift_right_arithmetic3A_379, %and3A_382] : memref<2x1024xf32, #tpu.memory_space<vmem>>[vector<16xi32>, vector<16xi32>], vector<16xf32>,
    %add3A_384 = arith.addf %broadcast_in_dim3A_367, %gather3A_383 : vector<16xf32>
    %add3A_385 = arith.constant 1 : i32
    %add3A_386 = vector.broadcast %add3A_385 : i32 to vector<16xi32>
    %add3A_387 = arith.addi %mul3A_373, %add3A_386 : vector<16xi32>
    %shift_right_arithmetic3A_388 = arith.constant 10 : i32
    %shift_right_arithmetic3A_389 = vector.broadcast %shift_right_arithmetic3A_388 : i32 to vector<16xi32>
    %shift_right_arithmetic3A_390 = arith.shrsi %add3A_387, %shift_right_arithmetic3A_389 : vector<16xi32>
    %and3A_391 = arith.constant 1023 : i32
    %and3A_392 = vector.broadcast %and3A_391 : i32 to vector<16xi32>
    %and3A_393 = arith.andi %add3A_387, %and3A_392 : vector<16xi32>
    %gather3A_394 = tpu.vector_load_idx %arg10[%shift_right_arithmetic3A_390, %and3A_393] : memref<2x1024xf32, #tpu.memory_space<vmem>>[vector<16xi32>, vector<16xi32>], vector<16xf32>,
    %add3A_395 = arith.addf %add3A_384, %gather3A_394 : vector<16xf32>
    %add3A_396 = arith.constant 2 : i32
    %add3A_397 = vector.broadcast %add3A_396 : i32 to vector<16xi32>
    %add3A_398 = arith.addi %mul3A_373, %add3A_397 : vector<16xi32>
    %shift_right_arithmetic3A_399 = arith.constant 10 : i32
    %shift_right_arithmetic3A_400 = vector.broadcast %shift_right_arithmetic3A_399 : i32 to vector<16xi32>
    %shift_right_arithmetic3A_401 = arith.shrsi %add3A_398, %shift_right_arithmetic3A_400 : vector<16xi32>
    %and3A_402 = arith.constant 1023 : i32
    %and3A_403 = vector.broadcast %and3A_402 : i32 to vector<16xi32>
    %and3A_404 = arith.andi %add3A_398, %and3A_403 : vector<16xi32>
    %gather3A_405 = tpu.vector_load_idx %arg10[%shift_right_arithmetic3A_401, %and3A_404] : memref<2x1024xf32, #tpu.memory_space<vmem>>[vector<16xi32>, vector<16xi32>], vector<16xf32>,
    %add3A_406 = arith.addf %add3A_395, %gather3A_405 : vector<16xf32>
    %add3A_407 = arith.constant 3 : i32
    %add3A_408 = vector.broadcast %add3A_407 : i32 to vector<16xi32>
    %add3A_409 = arith.addi %mul3A_373, %add3A_408 : vector<16xi32>
    %shift_right_arithmetic3A_410 = arith.constant 10 : i32
    %shift_right_arithmetic3A_411 = vector.broadcast %shift_right_arithmetic3A_410 : i32 to vector<16xi32>
    %shift_right_arithmetic3A_412 = arith.shrsi %add3A_409, %shift_right_arithmetic3A_411 : vector<16xi32>
    %and3A_413 = arith.constant 1023 : i32
    %and3A_414 = vector.broadcast %and3A_413 : i32 to vector<16xi32>
    %and3A_415 = arith.andi %add3A_409, %and3A_414 : vector<16xi32>
    %gather3A_416 = tpu.vector_load_idx %arg10[%shift_right_arithmetic3A_412, %and3A_415] : memref<2x1024xf32, #tpu.memory_space<vmem>>[vector<16xi32>, vector<16xi32>], vector<16xf32>,
    %add3A_417 = arith.addf %add3A_406, %gather3A_416 : vector<16xf32>
    %add3A_418 = arith.constant 4 : i32
    %add3A_419 = vector.broadcast %add3A_418 : i32 to vector<16xi32>
    %add3A_420 = arith.addi %mul3A_373, %add3A_419 : vector<16xi32>
    %shift_right_arithmetic3A_421 = arith.constant 10 : i32
    %shift_right_arithmetic3A_422 = vector.broadcast %shift_right_arithmetic3A_421 : i32 to vector<16xi32>
    %shift_right_arithmetic3A_423 = arith.shrsi %add3A_420, %shift_right_arithmetic3A_422 : vector<16xi32>
    %and3A_424 = arith.constant 1023 : i32
    %and3A_425 = vector.broadcast %and3A_424 : i32 to vector<16xi32>
    %and3A_426 = arith.andi %add3A_420, %and3A_425 : vector<16xi32>
    %gather3A_427 = tpu.vector_load_idx %arg10[%shift_right_arithmetic3A_423, %and3A_426] : memref<2x1024xf32, #tpu.memory_space<vmem>>[vector<16xi32>, vector<16xi32>], vector<16xf32>,
    %add3A_428 = arith.addf %add3A_417, %gather3A_427 : vector<16xf32>
    %add3A_429 = arith.constant 5 : i32
    %add3A_430 = vector.broadcast %add3A_429 : i32 to vector<16xi32>
    %add3A_431 = arith.addi %mul3A_373, %add3A_430 : vector<16xi32>
    %shift_right_arithmetic3A_432 = arith.constant 10 : i32
    %shift_right_arithmetic3A_433 = vector.broadcast %shift_right_arithmetic3A_432 : i32 to vector<16xi32>
    %shift_right_arithmetic3A_434 = arith.shrsi %add3A_431, %shift_right_arithmetic3A_433 : vector<16xi32>
    %and3A_435 = arith.constant 1023 : i32
    %and3A_436 = vector.broadcast %and3A_435 : i32 to vector<16xi32>
    %and3A_437 = arith.andi %add3A_431, %and3A_436 : vector<16xi32>
    %gather3A_438 = tpu.vector_load_idx %arg10[%shift_right_arithmetic3A_434, %and3A_437] : memref<2x1024xf32, #tpu.memory_space<vmem>>[vector<16xi32>, vector<16xi32>], vector<16xf32>,
    %add3A_439 = arith.addf %add3A_428, %gather3A_438 : vector<16xf32>
    %add3A_440 = arith.constant 6 : i32
    %add3A_441 = vector.broadcast %add3A_440 : i32 to vector<16xi32>
    %add3A_442 = arith.addi %mul3A_373, %add3A_441 : vector<16xi32>
    %shift_right_arithmetic3A_443 = arith.constant 10 : i32
    %shift_right_arithmetic3A_444 = vector.broadcast %shift_right_arithmetic3A_443 : i32 to vector<16xi32>
    %shift_right_arithmetic3A_445 = arith.shrsi %add3A_442, %shift_right_arithmetic3A_444 : vector<16xi32>
    %and3A_446 = arith.constant 1023 : i32
    %and3A_447 = vector.broadcast %and3A_446 : i32 to vector<16xi32>
    %and3A_448 = arith.andi %add3A_442, %and3A_447 : vector<16xi32>
    %gather3A_449 = tpu.vector_load_idx %arg10[%shift_right_arithmetic3A_445, %and3A_448] : memref<2x1024xf32, #tpu.memory_space<vmem>>[vector<16xi32>, vector<16xi32>], vector<16xf32>,
    %add3A_450 = arith.addf %add3A_439, %gather3A_449 : vector<16xf32>
    %add3A_451 = arith.constant 7 : i32
    %add3A_452 = vector.broadcast %add3A_451 : i32 to vector<16xi32>
    %add3A_453 = arith.addi %mul3A_373, %add3A_452 : vector<16xi32>
    %shift_right_arithmetic3A_454 = arith.constant 10 : i32
    %shift_right_arithmetic3A_455 = vector.broadcast %shift_right_arithmetic3A_454 : i32 to vector<16xi32>
    %shift_right_arithmetic3A_456 = arith.shrsi %add3A_453, %shift_right_arithmetic3A_455 : vector<16xi32>
    %and3A_457 = arith.constant 1023 : i32
    %and3A_458 = vector.broadcast %and3A_457 : i32 to vector<16xi32>
    %and3A_459 = arith.andi %add3A_453, %and3A_458 : vector<16xi32>
    %gather3A_460 = tpu.vector_load_idx %arg10[%shift_right_arithmetic3A_456, %and3A_459] : memref<2x1024xf32, #tpu.memory_space<vmem>>[vector<16xi32>, vector<16xi32>], vector<16xf32>,
    %add3A_461 = arith.addf %add3A_450, %gather3A_460 : vector<16xf32>
    %mul3A_462 = vector.broadcast %squeeze3A_69 : f32 to vector<16xf32>
    %mul3A_463 = arith.mulf %add3A_461, %mul3A_462 : vector<16xf32>
    %swap3A_464 = arith.constant 48 : index
    %swap3A_465 = tpu.vector_load %arg7[%swap3A_464] {strides = array<i32>} : memref<144xf32, #tpu.memory_space<vmem>>, vector<16xf32>,
    tpu.vector_store %arg7[%swap3A_464], %mul3A_463 {strides = array<i32>} : memref<144xf32, #tpu.memory_space<vmem>>, vector<16xf32>,
    %broadcast_in_dim3A_466 = arith.constant 0.000000e+00 : f32
    %broadcast_in_dim3A_467 = vector.broadcast %broadcast_in_dim3A_466 : f32 to vector<16xf32>
    %broadcast_in_dim3A_468 = arith.constant 64 : i32
    %broadcast_in_dim3A_469 = vector.broadcast %broadcast_in_dim3A_468 : i32 to vector<16xi32>
    %add3A_470 = arith.addi %broadcast_in_dim3A_469, %iota3A : vector<16xi32>
    %mul3A_471 = arith.constant 8 : i32
    %mul3A_472 = vector.broadcast %mul3A_471 : i32 to vector<16xi32>
    %mul3A_473 = arith.muli %add3A_470, %mul3A_472 : vector<16xi32>
    %add3A_474 = arith.constant 0 : i32
    %add3A_475 = vector.broadcast %add3A_474 : i32 to vector<16xi32>
    %add3A_476 = arith.addi %mul3A_473, %add3A_475 : vector<16xi32>
    %shift_right_arithmetic3A_477 = arith.constant 10 : i32
    %shift_right_arithmetic3A_478 = vector.broadcast %shift_right_arithmetic3A_477 : i32 to vector<16xi32>
    %shift_right_arithmetic3A_479 = arith.shrsi %add3A_476, %shift_right_arithmetic3A_478 : vector<16xi32>
    %and3A_480 = arith.constant 1023 : i32
    %and3A_481 = vector.broadcast %and3A_480 : i32 to vector<16xi32>
    %and3A_482 = arith.andi %add3A_476, %and3A_481 : vector<16xi32>
    %gather3A_483 = tpu.vector_load_idx %arg10[%shift_right_arithmetic3A_479, %and3A_482] : memref<2x1024xf32, #tpu.memory_space<vmem>>[vector<16xi32>, vector<16xi32>], vector<16xf32>,
    %add3A_484 = arith.addf %broadcast_in_dim3A_467, %gather3A_483 : vector<16xf32>
    %add3A_485 = arith.constant 1 : i32
    %add3A_486 = vector.broadcast %add3A_485 : i32 to vector<16xi32>
    %add3A_487 = arith.addi %mul3A_473, %add3A_486 : vector<16xi32>
    %shift_right_arithmetic3A_488 = arith.constant 10 : i32
    %shift_right_arithmetic3A_489 = vector.broadcast %shift_right_arithmetic3A_488 : i32 to vector<16xi32>
    %shift_right_arithmetic3A_490 = arith.shrsi %add3A_487, %shift_right_arithmetic3A_489 : vector<16xi32>
    %and3A_491 = arith.constant 1023 : i32
    %and3A_492 = vector.broadcast %and3A_491 : i32 to vector<16xi32>
    %and3A_493 = arith.andi %add3A_487, %and3A_492 : vector<16xi32>
    %gather3A_494 = tpu.vector_load_idx %arg10[%shift_right_arithmetic3A_490, %and3A_493] : memref<2x1024xf32, #tpu.memory_space<vmem>>[vector<16xi32>, vector<16xi32>], vector<16xf32>,
    %add3A_495 = arith.addf %add3A_484, %gather3A_494 : vector<16xf32>
    %add3A_496 = arith.constant 2 : i32
    %add3A_497 = vector.broadcast %add3A_496 : i32 to vector<16xi32>
    %add3A_498 = arith.addi %mul3A_473, %add3A_497 : vector<16xi32>
    %shift_right_arithmetic3A_499 = arith.constant 10 : i32
    %shift_right_arithmetic3A_500 = vector.broadcast %shift_right_arithmetic3A_499 : i32 to vector<16xi32>
    %shift_right_arithmetic3A_501 = arith.shrsi %add3A_498, %shift_right_arithmetic3A_500 : vector<16xi32>
    %and3A_502 = arith.constant 1023 : i32
    %and3A_503 = vector.broadcast %and3A_502 : i32 to vector<16xi32>
    %and3A_504 = arith.andi %add3A_498, %and3A_503 : vector<16xi32>
    %gather3A_505 = tpu.vector_load_idx %arg10[%shift_right_arithmetic3A_501, %and3A_504] : memref<2x1024xf32, #tpu.memory_space<vmem>>[vector<16xi32>, vector<16xi32>], vector<16xf32>,
    %add3A_506 = arith.addf %add3A_495, %gather3A_505 : vector<16xf32>
    %add3A_507 = arith.constant 3 : i32
    %add3A_508 = vector.broadcast %add3A_507 : i32 to vector<16xi32>
    %add3A_509 = arith.addi %mul3A_473, %add3A_508 : vector<16xi32>
    %shift_right_arithmetic3A_510 = arith.constant 10 : i32
    %shift_right_arithmetic3A_511 = vector.broadcast %shift_right_arithmetic3A_510 : i32 to vector<16xi32>
    %shift_right_arithmetic3A_512 = arith.shrsi %add3A_509, %shift_right_arithmetic3A_511 : vector<16xi32>
    %and3A_513 = arith.constant 1023 : i32
    %and3A_514 = vector.broadcast %and3A_513 : i32 to vector<16xi32>
    %and3A_515 = arith.andi %add3A_509, %and3A_514 : vector<16xi32>
    %gather3A_516 = tpu.vector_load_idx %arg10[%shift_right_arithmetic3A_512, %and3A_515] : memref<2x1024xf32, #tpu.memory_space<vmem>>[vector<16xi32>, vector<16xi32>], vector<16xf32>,
    %add3A_517 = arith.addf %add3A_506, %gather3A_516 : vector<16xf32>
    %add3A_518 = arith.constant 4 : i32
    %add3A_519 = vector.broadcast %add3A_518 : i32 to vector<16xi32>
    %add3A_520 = arith.addi %mul3A_473, %add3A_519 : vector<16xi32>
    %shift_right_arithmetic3A_521 = arith.constant 10 : i32
    %shift_right_arithmetic3A_522 = vector.broadcast %shift_right_arithmetic3A_521 : i32 to vector<16xi32>
    %shift_right_arithmetic3A_523 = arith.shrsi %add3A_520, %shift_right_arithmetic3A_522 : vector<16xi32>
    %and3A_524 = arith.constant 1023 : i32
    %and3A_525 = vector.broadcast %and3A_524 : i32 to vector<16xi32>
    %and3A_526 = arith.andi %add3A_520, %and3A_525 : vector<16xi32>
    %gather3A_527 = tpu.vector_load_idx %arg10[%shift_right_arithmetic3A_523, %and3A_526] : memref<2x1024xf32, #tpu.memory_space<vmem>>[vector<16xi32>, vector<16xi32>], vector<16xf32>,
    %add3A_528 = arith.addf %add3A_517, %gather3A_527 : vector<16xf32>
    %add3A_529 = arith.constant 5 : i32
    %add3A_530 = vector.broadcast %add3A_529 : i32 to vector<16xi32>
    %add3A_531 = arith.addi %mul3A_473, %add3A_530 : vector<16xi32>
    %shift_right_arithmetic3A_532 = arith.constant 10 : i32
    %shift_right_arithmetic3A_533 = vector.broadcast %shift_right_arithmetic3A_532 : i32 to vector<16xi32>
    %shift_right_arithmetic3A_534 = arith.shrsi %add3A_531, %shift_right_arithmetic3A_533 : vector<16xi32>
    %and3A_535 = arith.constant 1023 : i32
    %and3A_536 = vector.broadcast %and3A_535 : i32 to vector<16xi32>
    %and3A_537 = arith.andi %add3A_531, %and3A_536 : vector<16xi32>
    %gather3A_538 = tpu.vector_load_idx %arg10[%shift_right_arithmetic3A_534, %and3A_537] : memref<2x1024xf32, #tpu.memory_space<vmem>>[vector<16xi32>, vector<16xi32>], vector<16xf32>,
    %add3A_539 = arith.addf %add3A_528, %gather3A_538 : vector<16xf32>
    %add3A_540 = arith.constant 6 : i32
    %add3A_541 = vector.broadcast %add3A_540 : i32 to vector<16xi32>
    %add3A_542 = arith.addi %mul3A_473, %add3A_541 : vector<16xi32>
    %shift_right_arithmetic3A_543 = arith.constant 10 : i32
    %shift_right_arithmetic3A_544 = vector.broadcast %shift_right_arithmetic3A_543 : i32 to vector<16xi32>
    %shift_right_arithmetic3A_545 = arith.shrsi %add3A_542, %shift_right_arithmetic3A_544 : vector<16xi32>
    %and3A_546 = arith.constant 1023 : i32
    %and3A_547 = vector.broadcast %and3A_546 : i32 to vector<16xi32>
    %and3A_548 = arith.andi %add3A_542, %and3A_547 : vector<16xi32>
    %gather3A_549 = tpu.vector_load_idx %arg10[%shift_right_arithmetic3A_545, %and3A_548] : memref<2x1024xf32, #tpu.memory_space<vmem>>[vector<16xi32>, vector<16xi32>], vector<16xf32>,
    %add3A_550 = arith.addf %add3A_539, %gather3A_549 : vector<16xf32>
    %add3A_551 = arith.constant 7 : i32
    %add3A_552 = vector.broadcast %add3A_551 : i32 to vector<16xi32>
    %add3A_553 = arith.addi %mul3A_473, %add3A_552 : vector<16xi32>
    %shift_right_arithmetic3A_554 = arith.constant 10 : i32
    %shift_right_arithmetic3A_555 = vector.broadcast %shift_right_arithmetic3A_554 : i32 to vector<16xi32>
    %shift_right_arithmetic3A_556 = arith.shrsi %add3A_553, %shift_right_arithmetic3A_555 : vector<16xi32>
    %and3A_557 = arith.constant 1023 : i32
    %and3A_558 = vector.broadcast %and3A_557 : i32 to vector<16xi32>
    %and3A_559 = arith.andi %add3A_553, %and3A_558 : vector<16xi32>
    %gather3A_560 = tpu.vector_load_idx %arg10[%shift_right_arithmetic3A_556, %and3A_559] : memref<2x1024xf32, #tpu.memory_space<vmem>>[vector<16xi32>, vector<16xi32>], vector<16xf32>,
    %add3A_561 = arith.addf %add3A_550, %gather3A_560 : vector<16xf32>
    %mul3A_562 = vector.broadcast %squeeze3A_69 : f32 to vector<16xf32>
    %mul3A_563 = arith.mulf %add3A_561, %mul3A_562 : vector<16xf32>
    %swap3A_564 = arith.constant 64 : index
    %swap3A_565 = tpu.vector_load %arg7[%swap3A_564] {strides = array<i32>} : memref<144xf32, #tpu.memory_space<vmem>>, vector<16xf32>,
    tpu.vector_store %arg7[%swap3A_564], %mul3A_563 {strides = array<i32>} : memref<144xf32, #tpu.memory_space<vmem>>, vector<16xf32>,
    %broadcast_in_dim3A_566 = arith.constant 0.000000e+00 : f32
    %broadcast_in_dim3A_567 = vector.broadcast %broadcast_in_dim3A_566 : f32 to vector<16xf32>
    %broadcast_in_dim3A_568 = arith.constant 80 : i32
    %broadcast_in_dim3A_569 = vector.broadcast %broadcast_in_dim3A_568 : i32 to vector<16xi32>
    %add3A_570 = arith.addi %broadcast_in_dim3A_569, %iota3A : vector<16xi32>
    %mul3A_571 = arith.constant 8 : i32
    %mul3A_572 = vector.broadcast %mul3A_571 : i32 to vector<16xi32>
    %mul3A_573 = arith.muli %add3A_570, %mul3A_572 : vector<16xi32>
    %add3A_574 = arith.constant 0 : i32
    %add3A_575 = vector.broadcast %add3A_574 : i32 to vector<16xi32>
    %add3A_576 = arith.addi %mul3A_573, %add3A_575 : vector<16xi32>
    %shift_right_arithmetic3A_577 = arith.constant 10 : i32
    %shift_right_arithmetic3A_578 = vector.broadcast %shift_right_arithmetic3A_577 : i32 to vector<16xi32>
    %shift_right_arithmetic3A_579 = arith.shrsi %add3A_576, %shift_right_arithmetic3A_578 : vector<16xi32>
    %and3A_580 = arith.constant 1023 : i32
    %and3A_581 = vector.broadcast %and3A_580 : i32 to vector<16xi32>
    %and3A_582 = arith.andi %add3A_576, %and3A_581 : vector<16xi32>
    %gather3A_583 = tpu.vector_load_idx %arg10[%shift_right_arithmetic3A_579, %and3A_582] : memref<2x1024xf32, #tpu.memory_space<vmem>>[vector<16xi32>, vector<16xi32>], vector<16xf32>,
    %add3A_584 = arith.addf %broadcast_in_dim3A_567, %gather3A_583 : vector<16xf32>
    %add3A_585 = arith.constant 1 : i32
    %add3A_586 = vector.broadcast %add3A_585 : i32 to vector<16xi32>
    %add3A_587 = arith.addi %mul3A_573, %add3A_586 : vector<16xi32>
    %shift_right_arithmetic3A_588 = arith.constant 10 : i32
    %shift_right_arithmetic3A_589 = vector.broadcast %shift_right_arithmetic3A_588 : i32 to vector<16xi32>
    %shift_right_arithmetic3A_590 = arith.shrsi %add3A_587, %shift_right_arithmetic3A_589 : vector<16xi32>
    %and3A_591 = arith.constant 1023 : i32
    %and3A_592 = vector.broadcast %and3A_591 : i32 to vector<16xi32>
    %and3A_593 = arith.andi %add3A_587, %and3A_592 : vector<16xi32>
    %gather3A_594 = tpu.vector_load_idx %arg10[%shift_right_arithmetic3A_590, %and3A_593] : memref<2x1024xf32, #tpu.memory_space<vmem>>[vector<16xi32>, vector<16xi32>], vector<16xf32>,
    %add3A_595 = arith.addf %add3A_584, %gather3A_594 : vector<16xf32>
    %add3A_596 = arith.constant 2 : i32
    %add3A_597 = vector.broadcast %add3A_596 : i32 to vector<16xi32>
    %add3A_598 = arith.addi %mul3A_573, %add3A_597 : vector<16xi32>
    %shift_right_arithmetic3A_599 = arith.constant 10 : i32
    %shift_right_arithmetic3A_600 = vector.broadcast %shift_right_arithmetic3A_599 : i32 to vector<16xi32>
    %shift_right_arithmetic3A_601 = arith.shrsi %add3A_598, %shift_right_arithmetic3A_600 : vector<16xi32>
    %and3A_602 = arith.constant 1023 : i32
    %and3A_603 = vector.broadcast %and3A_602 : i32 to vector<16xi32>
    %and3A_604 = arith.andi %add3A_598, %and3A_603 : vector<16xi32>
    %gather3A_605 = tpu.vector_load_idx %arg10[%shift_right_arithmetic3A_601, %and3A_604] : memref<2x1024xf32, #tpu.memory_space<vmem>>[vector<16xi32>, vector<16xi32>], vector<16xf32>,
    %add3A_606 = arith.addf %add3A_595, %gather3A_605 : vector<16xf32>
    %add3A_607 = arith.constant 3 : i32
    %add3A_608 = vector.broadcast %add3A_607 : i32 to vector<16xi32>
    %add3A_609 = arith.addi %mul3A_573, %add3A_608 : vector<16xi32>
    %shift_right_arithmetic3A_610 = arith.constant 10 : i32
    %shift_right_arithmetic3A_611 = vector.broadcast %shift_right_arithmetic3A_610 : i32 to vector<16xi32>
    %shift_right_arithmetic3A_612 = arith.shrsi %add3A_609, %shift_right_arithmetic3A_611 : vector<16xi32>
    %and3A_613 = arith.constant 1023 : i32
    %and3A_614 = vector.broadcast %and3A_613 : i32 to vector<16xi32>
    %and3A_615 = arith.andi %add3A_609, %and3A_614 : vector<16xi32>
    %gather3A_616 = tpu.vector_load_idx %arg10[%shift_right_arithmetic3A_612, %and3A_615] : memref<2x1024xf32, #tpu.memory_space<vmem>>[vector<16xi32>, vector<16xi32>], vector<16xf32>,
    %add3A_617 = arith.addf %add3A_606, %gather3A_616 : vector<16xf32>
    %add3A_618 = arith.constant 4 : i32
    %add3A_619 = vector.broadcast %add3A_618 : i32 to vector<16xi32>
    %add3A_620 = arith.addi %mul3A_573, %add3A_619 : vector<16xi32>
    %shift_right_arithmetic3A_621 = arith.constant 10 : i32
    %shift_right_arithmetic3A_622 = vector.broadcast %shift_right_arithmetic3A_621 : i32 to vector<16xi32>
    %shift_right_arithmetic3A_623 = arith.shrsi %add3A_620, %shift_right_arithmetic3A_622 : vector<16xi32>
    %and3A_624 = arith.constant 1023 : i32
    %and3A_625 = vector.broadcast %and3A_624 : i32 to vector<16xi32>
    %and3A_626 = arith.andi %add3A_620, %and3A_625 : vector<16xi32>
    %gather3A_627 = tpu.vector_load_idx %arg10[%shift_right_arithmetic3A_623, %and3A_626] : memref<2x1024xf32, #tpu.memory_space<vmem>>[vector<16xi32>, vector<16xi32>], vector<16xf32>,
    %add3A_628 = arith.addf %add3A_617, %gather3A_627 : vector<16xf32>
    %add3A_629 = arith.constant 5 : i32
    %add3A_630 = vector.broadcast %add3A_629 : i32 to vector<16xi32>
    %add3A_631 = arith.addi %mul3A_573, %add3A_630 : vector<16xi32>
    %shift_right_arithmetic3A_632 = arith.constant 10 : i32
    %shift_right_arithmetic3A_633 = vector.broadcast %shift_right_arithmetic3A_632 : i32 to vector<16xi32>
    %shift_right_arithmetic3A_634 = arith.shrsi %add3A_631, %shift_right_arithmetic3A_633 : vector<16xi32>
    %and3A_635 = arith.constant 1023 : i32
    %and3A_636 = vector.broadcast %and3A_635 : i32 to vector<16xi32>
    %and3A_637 = arith.andi %add3A_631, %and3A_636 : vector<16xi32>
    %gather3A_638 = tpu.vector_load_idx %arg10[%shift_right_arithmetic3A_634, %and3A_637] : memref<2x1024xf32, #tpu.memory_space<vmem>>[vector<16xi32>, vector<16xi32>], vector<16xf32>,
    %add3A_639 = arith.addf %add3A_628, %gather3A_638 : vector<16xf32>
    %add3A_640 = arith.constant 6 : i32
    %add3A_641 = vector.broadcast %add3A_640 : i32 to vector<16xi32>
    %add3A_642 = arith.addi %mul3A_573, %add3A_641 : vector<16xi32>
    %shift_right_arithmetic3A_643 = arith.constant 10 : i32
    %shift_right_arithmetic3A_644 = vector.broadcast %shift_right_arithmetic3A_643 : i32 to vector<16xi32>
    %shift_right_arithmetic3A_645 = arith.shrsi %add3A_642, %shift_right_arithmetic3A_644 : vector<16xi32>
    %and3A_646 = arith.constant 1023 : i32
    %and3A_647 = vector.broadcast %and3A_646 : i32 to vector<16xi32>
    %and3A_648 = arith.andi %add3A_642, %and3A_647 : vector<16xi32>
    %gather3A_649 = tpu.vector_load_idx %arg10[%shift_right_arithmetic3A_645, %and3A_648] : memref<2x1024xf32, #tpu.memory_space<vmem>>[vector<16xi32>, vector<16xi32>], vector<16xf32>,
    %add3A_650 = arith.addf %add3A_639, %gather3A_649 : vector<16xf32>
    %add3A_651 = arith.constant 7 : i32
    %add3A_652 = vector.broadcast %add3A_651 : i32 to vector<16xi32>
    %add3A_653 = arith.addi %mul3A_573, %add3A_652 : vector<16xi32>
    %shift_right_arithmetic3A_654 = arith.constant 10 : i32
    %shift_right_arithmetic3A_655 = vector.broadcast %shift_right_arithmetic3A_654 : i32 to vector<16xi32>
    %shift_right_arithmetic3A_656 = arith.shrsi %add3A_653, %shift_right_arithmetic3A_655 : vector<16xi32>
    %and3A_657 = arith.constant 1023 : i32
    %and3A_658 = vector.broadcast %and3A_657 : i32 to vector<16xi32>
    %and3A_659 = arith.andi %add3A_653, %and3A_658 : vector<16xi32>
    %gather3A_660 = tpu.vector_load_idx %arg10[%shift_right_arithmetic3A_656, %and3A_659] : memref<2x1024xf32, #tpu.memory_space<vmem>>[vector<16xi32>, vector<16xi32>], vector<16xf32>,
    %add3A_661 = arith.addf %add3A_650, %gather3A_660 : vector<16xf32>
    %mul3A_662 = vector.broadcast %squeeze3A_69 : f32 to vector<16xf32>
    %mul3A_663 = arith.mulf %add3A_661, %mul3A_662 : vector<16xf32>
    %swap3A_664 = arith.constant 80 : index
    %swap3A_665 = tpu.vector_load %arg7[%swap3A_664] {strides = array<i32>} : memref<144xf32, #tpu.memory_space<vmem>>, vector<16xf32>,
    tpu.vector_store %arg7[%swap3A_664], %mul3A_663 {strides = array<i32>} : memref<144xf32, #tpu.memory_space<vmem>>, vector<16xf32>,
    %broadcast_in_dim3A_666 = arith.constant 0.000000e+00 : f32
    %broadcast_in_dim3A_667 = vector.broadcast %broadcast_in_dim3A_666 : f32 to vector<16xf32>
    %broadcast_in_dim3A_668 = arith.constant 96 : i32
    %broadcast_in_dim3A_669 = vector.broadcast %broadcast_in_dim3A_668 : i32 to vector<16xi32>
    %add3A_670 = arith.addi %broadcast_in_dim3A_669, %iota3A : vector<16xi32>
    %mul3A_671 = arith.constant 8 : i32
    %mul3A_672 = vector.broadcast %mul3A_671 : i32 to vector<16xi32>
    %mul3A_673 = arith.muli %add3A_670, %mul3A_672 : vector<16xi32>
    %add3A_674 = arith.constant 0 : i32
    %add3A_675 = vector.broadcast %add3A_674 : i32 to vector<16xi32>
    %add3A_676 = arith.addi %mul3A_673, %add3A_675 : vector<16xi32>
    %shift_right_arithmetic3A_677 = arith.constant 10 : i32
    %shift_right_arithmetic3A_678 = vector.broadcast %shift_right_arithmetic3A_677 : i32 to vector<16xi32>
    %shift_right_arithmetic3A_679 = arith.shrsi %add3A_676, %shift_right_arithmetic3A_678 : vector<16xi32>
    %and3A_680 = arith.constant 1023 : i32
    %and3A_681 = vector.broadcast %and3A_680 : i32 to vector<16xi32>
    %and3A_682 = arith.andi %add3A_676, %and3A_681 : vector<16xi32>
    %gather3A_683 = tpu.vector_load_idx %arg10[%shift_right_arithmetic3A_679, %and3A_682] : memref<2x1024xf32, #tpu.memory_space<vmem>>[vector<16xi32>, vector<16xi32>], vector<16xf32>,
    %add3A_684 = arith.addf %broadcast_in_dim3A_667, %gather3A_683 : vector<16xf32>
    %add3A_685 = arith.constant 1 : i32
    %add3A_686 = vector.broadcast %add3A_685 : i32 to vector<16xi32>
    %add3A_687 = arith.addi %mul3A_673, %add3A_686 : vector<16xi32>
    %shift_right_arithmetic3A_688 = arith.constant 10 : i32
    %shift_right_arithmetic3A_689 = vector.broadcast %shift_right_arithmetic3A_688 : i32 to vector<16xi32>
    %shift_right_arithmetic3A_690 = arith.shrsi %add3A_687, %shift_right_arithmetic3A_689 : vector<16xi32>
    %and3A_691 = arith.constant 1023 : i32
    %and3A_692 = vector.broadcast %and3A_691 : i32 to vector<16xi32>
    %and3A_693 = arith.andi %add3A_687, %and3A_692 : vector<16xi32>
    %gather3A_694 = tpu.vector_load_idx %arg10[%shift_right_arithmetic3A_690, %and3A_693] : memref<2x1024xf32, #tpu.memory_space<vmem>>[vector<16xi32>, vector<16xi32>], vector<16xf32>,
    %add3A_695 = arith.addf %add3A_684, %gather3A_694 : vector<16xf32>
    %add3A_696 = arith.constant 2 : i32
    %add3A_697 = vector.broadcast %add3A_696 : i32 to vector<16xi32>
    %add3A_698 = arith.addi %mul3A_673, %add3A_697 : vector<16xi32>
    %shift_right_arithmetic3A_699 = arith.constant 10 : i32
    %shift_right_arithmetic3A_700 = vector.broadcast %shift_right_arithmetic3A_699 : i32 to vector<16xi32>
    %shift_right_arithmetic3A_701 = arith.shrsi %add3A_698, %shift_right_arithmetic3A_700 : vector<16xi32>
    %and3A_702 = arith.constant 1023 : i32
    %and3A_703 = vector.broadcast %and3A_702 : i32 to vector<16xi32>
    %and3A_704 = arith.andi %add3A_698, %and3A_703 : vector<16xi32>
    %gather3A_705 = tpu.vector_load_idx %arg10[%shift_right_arithmetic3A_701, %and3A_704] : memref<2x1024xf32, #tpu.memory_space<vmem>>[vector<16xi32>, vector<16xi32>], vector<16xf32>,
    %add3A_706 = arith.addf %add3A_695, %gather3A_705 : vector<16xf32>
    %add3A_707 = arith.constant 3 : i32
    %add3A_708 = vector.broadcast %add3A_707 : i32 to vector<16xi32>
    %add3A_709 = arith.addi %mul3A_673, %add3A_708 : vector<16xi32>
    %shift_right_arithmetic3A_710 = arith.constant 10 : i32
    %shift_right_arithmetic3A_711 = vector.broadcast %shift_right_arithmetic3A_710 : i32 to vector<16xi32>
    %shift_right_arithmetic3A_712 = arith.shrsi %add3A_709, %shift_right_arithmetic3A_711 : vector<16xi32>
    %and3A_713 = arith.constant 1023 : i32
    %and3A_714 = vector.broadcast %and3A_713 : i32 to vector<16xi32>
    %and3A_715 = arith.andi %add3A_709, %and3A_714 : vector<16xi32>
    %gather3A_716 = tpu.vector_load_idx %arg10[%shift_right_arithmetic3A_712, %and3A_715] : memref<2x1024xf32, #tpu.memory_space<vmem>>[vector<16xi32>, vector<16xi32>], vector<16xf32>,
    %add3A_717 = arith.addf %add3A_706, %gather3A_716 : vector<16xf32>
    %add3A_718 = arith.constant 4 : i32
    %add3A_719 = vector.broadcast %add3A_718 : i32 to vector<16xi32>
    %add3A_720 = arith.addi %mul3A_673, %add3A_719 : vector<16xi32>
    %shift_right_arithmetic3A_721 = arith.constant 10 : i32
    %shift_right_arithmetic3A_722 = vector.broadcast %shift_right_arithmetic3A_721 : i32 to vector<16xi32>
    %shift_right_arithmetic3A_723 = arith.shrsi %add3A_720, %shift_right_arithmetic3A_722 : vector<16xi32>
    %and3A_724 = arith.constant 1023 : i32
    %and3A_725 = vector.broadcast %and3A_724 : i32 to vector<16xi32>
    %and3A_726 = arith.andi %add3A_720, %and3A_725 : vector<16xi32>
    %gather3A_727 = tpu.vector_load_idx %arg10[%shift_right_arithmetic3A_723, %and3A_726] : memref<2x1024xf32, #tpu.memory_space<vmem>>[vector<16xi32>, vector<16xi32>], vector<16xf32>,
    %add3A_728 = arith.addf %add3A_717, %gather3A_727 : vector<16xf32>
    %add3A_729 = arith.constant 5 : i32
    %add3A_730 = vector.broadcast %add3A_729 : i32 to vector<16xi32>
    %add3A_731 = arith.addi %mul3A_673, %add3A_730 : vector<16xi32>
    %shift_right_arithmetic3A_732 = arith.constant 10 : i32
    %shift_right_arithmetic3A_733 = vector.broadcast %shift_right_arithmetic3A_732 : i32 to vector<16xi32>
    %shift_right_arithmetic3A_734 = arith.shrsi %add3A_731, %shift_right_arithmetic3A_733 : vector<16xi32>
    %and3A_735 = arith.constant 1023 : i32
    %and3A_736 = vector.broadcast %and3A_735 : i32 to vector<16xi32>
    %and3A_737 = arith.andi %add3A_731, %and3A_736 : vector<16xi32>
    %gather3A_738 = tpu.vector_load_idx %arg10[%shift_right_arithmetic3A_734, %and3A_737] : memref<2x1024xf32, #tpu.memory_space<vmem>>[vector<16xi32>, vector<16xi32>], vector<16xf32>,
    %add3A_739 = arith.addf %add3A_728, %gather3A_738 : vector<16xf32>
    %add3A_740 = arith.constant 6 : i32
    %add3A_741 = vector.broadcast %add3A_740 : i32 to vector<16xi32>
    %add3A_742 = arith.addi %mul3A_673, %add3A_741 : vector<16xi32>
    %shift_right_arithmetic3A_743 = arith.constant 10 : i32
    %shift_right_arithmetic3A_744 = vector.broadcast %shift_right_arithmetic3A_743 : i32 to vector<16xi32>
    %shift_right_arithmetic3A_745 = arith.shrsi %add3A_742, %shift_right_arithmetic3A_744 : vector<16xi32>
    %and3A_746 = arith.constant 1023 : i32
    %and3A_747 = vector.broadcast %and3A_746 : i32 to vector<16xi32>
    %and3A_748 = arith.andi %add3A_742, %and3A_747 : vector<16xi32>
    %gather3A_749 = tpu.vector_load_idx %arg10[%shift_right_arithmetic3A_745, %and3A_748] : memref<2x1024xf32, #tpu.memory_space<vmem>>[vector<16xi32>, vector<16xi32>], vector<16xf32>,
    %add3A_750 = arith.addf %add3A_739, %gather3A_749 : vector<16xf32>
    %add3A_751 = arith.constant 7 : i32
    %add3A_752 = vector.broadcast %add3A_751 : i32 to vector<16xi32>
    %add3A_753 = arith.addi %mul3A_673, %add3A_752 : vector<16xi32>
    %shift_right_arithmetic3A_754 = arith.constant 10 : i32
    %shift_right_arithmetic3A_755 = vector.broadcast %shift_right_arithmetic3A_754 : i32 to vector<16xi32>
    %shift_right_arithmetic3A_756 = arith.shrsi %add3A_753, %shift_right_arithmetic3A_755 : vector<16xi32>
    %and3A_757 = arith.constant 1023 : i32
    %and3A_758 = vector.broadcast %and3A_757 : i32 to vector<16xi32>
    %and3A_759 = arith.andi %add3A_753, %and3A_758 : vector<16xi32>
    %gather3A_760 = tpu.vector_load_idx %arg10[%shift_right_arithmetic3A_756, %and3A_759] : memref<2x1024xf32, #tpu.memory_space<vmem>>[vector<16xi32>, vector<16xi32>], vector<16xf32>,
    %add3A_761 = arith.addf %add3A_750, %gather3A_760 : vector<16xf32>
    %mul3A_762 = vector.broadcast %squeeze3A_69 : f32 to vector<16xf32>
    %mul3A_763 = arith.mulf %add3A_761, %mul3A_762 : vector<16xf32>
    %swap3A_764 = arith.constant 96 : index
    %swap3A_765 = tpu.vector_load %arg7[%swap3A_764] {strides = array<i32>} : memref<144xf32, #tpu.memory_space<vmem>>, vector<16xf32>,
    tpu.vector_store %arg7[%swap3A_764], %mul3A_763 {strides = array<i32>} : memref<144xf32, #tpu.memory_space<vmem>>, vector<16xf32>,
    %broadcast_in_dim3A_766 = arith.constant 0.000000e+00 : f32
    %broadcast_in_dim3A_767 = vector.broadcast %broadcast_in_dim3A_766 : f32 to vector<16xf32>
    %broadcast_in_dim3A_768 = arith.constant 112 : i32
    %broadcast_in_dim3A_769 = vector.broadcast %broadcast_in_dim3A_768 : i32 to vector<16xi32>
    %add3A_770 = arith.addi %broadcast_in_dim3A_769, %iota3A : vector<16xi32>
    %mul3A_771 = arith.constant 8 : i32
    %mul3A_772 = vector.broadcast %mul3A_771 : i32 to vector<16xi32>
    %mul3A_773 = arith.muli %add3A_770, %mul3A_772 : vector<16xi32>
    %add3A_774 = arith.constant 0 : i32
    %add3A_775 = vector.broadcast %add3A_774 : i32 to vector<16xi32>
    %add3A_776 = arith.addi %mul3A_773, %add3A_775 : vector<16xi32>
    %shift_right_arithmetic3A_777 = arith.constant 10 : i32
    %shift_right_arithmetic3A_778 = vector.broadcast %shift_right_arithmetic3A_777 : i32 to vector<16xi32>
    %shift_right_arithmetic3A_779 = arith.shrsi %add3A_776, %shift_right_arithmetic3A_778 : vector<16xi32>
    %and3A_780 = arith.constant 1023 : i32
    %and3A_781 = vector.broadcast %and3A_780 : i32 to vector<16xi32>
    %and3A_782 = arith.andi %add3A_776, %and3A_781 : vector<16xi32>
    %gather3A_783 = tpu.vector_load_idx %arg10[%shift_right_arithmetic3A_779, %and3A_782] : memref<2x1024xf32, #tpu.memory_space<vmem>>[vector<16xi32>, vector<16xi32>], vector<16xf32>,
    %add3A_784 = arith.addf %broadcast_in_dim3A_767, %gather3A_783 : vector<16xf32>
    %add3A_785 = arith.constant 1 : i32
    %add3A_786 = vector.broadcast %add3A_785 : i32 to vector<16xi32>
    %add3A_787 = arith.addi %mul3A_773, %add3A_786 : vector<16xi32>
    %shift_right_arithmetic3A_788 = arith.constant 10 : i32
    %shift_right_arithmetic3A_789 = vector.broadcast %shift_right_arithmetic3A_788 : i32 to vector<16xi32>
    %shift_right_arithmetic3A_790 = arith.shrsi %add3A_787, %shift_right_arithmetic3A_789 : vector<16xi32>
    %and3A_791 = arith.constant 1023 : i32
    %and3A_792 = vector.broadcast %and3A_791 : i32 to vector<16xi32>
    %and3A_793 = arith.andi %add3A_787, %and3A_792 : vector<16xi32>
    %gather3A_794 = tpu.vector_load_idx %arg10[%shift_right_arithmetic3A_790, %and3A_793] : memref<2x1024xf32, #tpu.memory_space<vmem>>[vector<16xi32>, vector<16xi32>], vector<16xf32>,
    %add3A_795 = arith.addf %add3A_784, %gather3A_794 : vector<16xf32>
    %add3A_796 = arith.constant 2 : i32
    %add3A_797 = vector.broadcast %add3A_796 : i32 to vector<16xi32>
    %add3A_798 = arith.addi %mul3A_773, %add3A_797 : vector<16xi32>
    %shift_right_arithmetic3A_799 = arith.constant 10 : i32
    %shift_right_arithmetic3A_800 = vector.broadcast %shift_right_arithmetic3A_799 : i32 to vector<16xi32>
    %shift_right_arithmetic3A_801 = arith.shrsi %add3A_798, %shift_right_arithmetic3A_800 : vector<16xi32>
    %and3A_802 = arith.constant 1023 : i32
    %and3A_803 = vector.broadcast %and3A_802 : i32 to vector<16xi32>
    %and3A_804 = arith.andi %add3A_798, %and3A_803 : vector<16xi32>
    %gather3A_805 = tpu.vector_load_idx %arg10[%shift_right_arithmetic3A_801, %and3A_804] : memref<2x1024xf32, #tpu.memory_space<vmem>>[vector<16xi32>, vector<16xi32>], vector<16xf32>,
    %add3A_806 = arith.addf %add3A_795, %gather3A_805 : vector<16xf32>
    %add3A_807 = arith.constant 3 : i32
    %add3A_808 = vector.broadcast %add3A_807 : i32 to vector<16xi32>
    %add3A_809 = arith.addi %mul3A_773, %add3A_808 : vector<16xi32>
    %shift_right_arithmetic3A_810 = arith.constant 10 : i32
    %shift_right_arithmetic3A_811 = vector.broadcast %shift_right_arithmetic3A_810 : i32 to vector<16xi32>
    %shift_right_arithmetic3A_812 = arith.shrsi %add3A_809, %shift_right_arithmetic3A_811 : vector<16xi32>
    %and3A_813 = arith.constant 1023 : i32
    %and3A_814 = vector.broadcast %and3A_813 : i32 to vector<16xi32>
    %and3A_815 = arith.andi %add3A_809, %and3A_814 : vector<16xi32>
    %gather3A_816 = tpu.vector_load_idx %arg10[%shift_right_arithmetic3A_812, %and3A_815] : memref<2x1024xf32, #tpu.memory_space<vmem>>[vector<16xi32>, vector<16xi32>], vector<16xf32>,
    %add3A_817 = arith.addf %add3A_806, %gather3A_816 : vector<16xf32>
    %add3A_818 = arith.constant 4 : i32
    %add3A_819 = vector.broadcast %add3A_818 : i32 to vector<16xi32>
    %add3A_820 = arith.addi %mul3A_773, %add3A_819 : vector<16xi32>
    %shift_right_arithmetic3A_821 = arith.constant 10 : i32
    %shift_right_arithmetic3A_822 = vector.broadcast %shift_right_arithmetic3A_821 : i32 to vector<16xi32>
    %shift_right_arithmetic3A_823 = arith.shrsi %add3A_820, %shift_right_arithmetic3A_822 : vector<16xi32>
    %and3A_824 = arith.constant 1023 : i32
    %and3A_825 = vector.broadcast %and3A_824 : i32 to vector<16xi32>
    %and3A_826 = arith.andi %add3A_820, %and3A_825 : vector<16xi32>
    %gather3A_827 = tpu.vector_load_idx %arg10[%shift_right_arithmetic3A_823, %and3A_826] : memref<2x1024xf32, #tpu.memory_space<vmem>>[vector<16xi32>, vector<16xi32>], vector<16xf32>,
    %add3A_828 = arith.addf %add3A_817, %gather3A_827 : vector<16xf32>
    %add3A_829 = arith.constant 5 : i32
    %add3A_830 = vector.broadcast %add3A_829 : i32 to vector<16xi32>
    %add3A_831 = arith.addi %mul3A_773, %add3A_830 : vector<16xi32>
    %shift_right_arithmetic3A_832 = arith.constant 10 : i32
    %shift_right_arithmetic3A_833 = vector.broadcast %shift_right_arithmetic3A_832 : i32 to vector<16xi32>
    %shift_right_arithmetic3A_834 = arith.shrsi %add3A_831, %shift_right_arithmetic3A_833 : vector<16xi32>
    %and3A_835 = arith.constant 1023 : i32
    %and3A_836 = vector.broadcast %and3A_835 : i32 to vector<16xi32>
    %and3A_837 = arith.andi %add3A_831, %and3A_836 : vector<16xi32>
    %gather3A_838 = tpu.vector_load_idx %arg10[%shift_right_arithmetic3A_834, %and3A_837] : memref<2x1024xf32, #tpu.memory_space<vmem>>[vector<16xi32>, vector<16xi32>], vector<16xf32>,
    %add3A_839 = arith.addf %add3A_828, %gather3A_838 : vector<16xf32>
    %add3A_840 = arith.constant 6 : i32
    %add3A_841 = vector.broadcast %add3A_840 : i32 to vector<16xi32>
    %add3A_842 = arith.addi %mul3A_773, %add3A_841 : vector<16xi32>
    %shift_right_arithmetic3A_843 = arith.constant 10 : i32
    %shift_right_arithmetic3A_844 = vector.broadcast %shift_right_arithmetic3A_843 : i32 to vector<16xi32>
    %shift_right_arithmetic3A_845 = arith.shrsi %add3A_842, %shift_right_arithmetic3A_844 : vector<16xi32>
    %and3A_846 = arith.constant 1023 : i32
    %and3A_847 = vector.broadcast %and3A_846 : i32 to vector<16xi32>
    %and3A_848 = arith.andi %add3A_842, %and3A_847 : vector<16xi32>
    %gather3A_849 = tpu.vector_load_idx %arg10[%shift_right_arithmetic3A_845, %and3A_848] : memref<2x1024xf32, #tpu.memory_space<vmem>>[vector<16xi32>, vector<16xi32>], vector<16xf32>,
    %add3A_850 = arith.addf %add3A_839, %gather3A_849 : vector<16xf32>
    %add3A_851 = arith.constant 7 : i32
    %add3A_852 = vector.broadcast %add3A_851 : i32 to vector<16xi32>
    %add3A_853 = arith.addi %mul3A_773, %add3A_852 : vector<16xi32>
    %shift_right_arithmetic3A_854 = arith.constant 10 : i32
    %shift_right_arithmetic3A_855 = vector.broadcast %shift_right_arithmetic3A_854 : i32 to vector<16xi32>
    %shift_right_arithmetic3A_856 = arith.shrsi %add3A_853, %shift_right_arithmetic3A_855 : vector<16xi32>
    %and3A_857 = arith.constant 1023 : i32
    %and3A_858 = vector.broadcast %and3A_857 : i32 to vector<16xi32>
    %and3A_859 = arith.andi %add3A_853, %and3A_858 : vector<16xi32>
    %gather3A_860 = tpu.vector_load_idx %arg10[%shift_right_arithmetic3A_856, %and3A_859] : memref<2x1024xf32, #tpu.memory_space<vmem>>[vector<16xi32>, vector<16xi32>], vector<16xf32>,
    %add3A_861 = arith.addf %add3A_850, %gather3A_860 : vector<16xf32>
    %mul3A_862 = vector.broadcast %squeeze3A_69 : f32 to vector<16xf32>
    %mul3A_863 = arith.mulf %add3A_861, %mul3A_862 : vector<16xf32>
    %swap3A_864 = arith.constant 112 : index
    %swap3A_865 = tpu.vector_load %arg7[%swap3A_864] {strides = array<i32>} : memref<144xf32, #tpu.memory_space<vmem>>, vector<16xf32>,
    tpu.vector_store %arg7[%swap3A_864], %mul3A_863 {strides = array<i32>} : memref<144xf32, #tpu.memory_space<vmem>>, vector<16xf32>,
    %dma_wait3A_866 = arith.constant 0 : i32
    %dma_wait3A_867 = tpu.memref_slice %arg4[%mul3A_2, %dma_wait3A_866] : memref<4096x8192xf32, #tpu.memory_space<hbm>> -> memref<128x128xf32, #tpu.memory_space<hbm>>
    %dma_wait3A_868 = arith.constant 0 : i32
    %dma_wait3A_869 = tpu.memref_slice %arg4[%mul3A_2, %dma_wait3A_868] : memref<4096x8192xf32, #tpu.memory_space<hbm>> -> memref<128x128xf32, #tpu.memory_space<hbm>>
    tpu.wait_dma2 semaphore(%arg16 : memref<!tpu.dma_semaphore, #tpu.memory_space<semaphore_mem>>) src(%dma_wait3A_869 : memref<128x128xf32, #tpu.memory_space<hbm>>) dst(%arg9 : memref<128x128xf32, #tpu.memory_space<vmem>>)
    %scan3A = arith.constant 0 : i32
    %scan3A_870 = arith.constant 0 : i32
    %scan3A_871 = arith.constant 8 : i32
    %scan3A_872 = arith.addi %scan3A_870, %scan3A_871 : i32
    %scan3A_873 = arith.constant 1 : i32
    %scan3A_874 = scf.for %scan3A_904 = %scan3A_870 to %scan3A_872 step %scan3A_873 iter_args(%scan3A_905 = %scan3A) -> (i32)  : i32 {
      %mul3A_906 = arith.constant 16 : i32
      %mul3A_907 = arith.muli %scan3A_904, %mul3A_906 : i32
      %add3A_908 = vector.broadcast %mul3A_907 : i32 to vector<16xi32>
      %add3A_909 = arith.addi %add3A_908, %iota3A : vector<16xi32>
      %broadcast_in_dim3A_910 = arith.constant false
      %broadcast_in_dim3A_911 = vector.broadcast %broadcast_in_dim3A_910 : i1 to vector<16xi1>
      %broadcast_in_dim3A_912 = arith.constant 0 : i32
      %broadcast_in_dim3A_913 = vector.broadcast %broadcast_in_dim3A_912 : i32 to vector<16xi32>
      %while3A = arith.constant 0 : i32
      %while3A_914 = arith.constant false
      %while3A_915:4 = scf.while (%while3A_930 = %while3A, %while3A_931 = %while3A_914, %while3A_932 = %broadcast_in_dim3A_911, %while3A_933 = %broadcast_in_dim3A_913) : (i32, i1, vector<16xi1>, vector<16xi32>) -> (i32, i1, vector<16xi1>, vector<16xi32>) {
        %not3A = arith.constant true
        %not3A_934 = arith.xori %while3A_931, %not3A : i1
        %lt3A = arith.constant 128 : i32
        %lt3A_935 = arith.cmpi slt, %while3A_930, %lt3A : i32
        %and3A_936 = arith.andi %not3A_934, %lt3A_935 : i1
        scf.condition(%and3A_936) %while3A_930, %while3A_931, %while3A_932, %while3A_933 : i32, i1, vector<16xi1>, vector<16xi32>
      } do {
      ^bb0(%while3A_930: i32, %while3A_931: i1, %while3A_932: vector<16xi1>, %while3A_933: vector<16xi32>):
        %get3A_934 = arith.index_cast %while3A_930 : i32 to index
        %get3A_935 = tpu.vector_load %arg7[%get3A_934] {strides = array<i32>} : memref<144xf32, #tpu.memory_space<vmem>>, vector<16xf32>,
        %add3A_936 = arith.constant 0 : i32
        %add3A_937 = arith.addi %while3A_930, %add3A_936 : i32
        %broadcast_in_dim3A_938 = vector.broadcast %add3A_937 : i32 to vector<16xi32>
        %gather3A_939 = tpu.vector_load_idx %arg9[%add3A_909, %broadcast_in_dim3A_938] : memref<128x128xf32, #tpu.memory_space<vmem>>[vector<16xi32>, vector<16xi32>], vector<16xf32>,
        %slice3A_940 = vector.extract_strided_slice %get3A_935 {offsets = [0], sizes = [1], strides = [1]} : vector<16xf32> to vector<1xf32>
        %squeeze3A_941 = vector.extract %slice3A_940[0] : f32 from vector<1xf32>
        %broadcast_in_dim3A_942 = vector.broadcast %squeeze3A_941 : f32 to vector<16xf32>
        %lt3A = arith.cmpf olt, %gather3A_939, %broadcast_in_dim3A_942 : vector<16xf32>
        %not3A = arith.constant dense<true> : vector<16xi1>
        %not3A_943 = arith.xori %while3A_932, %not3A : vector<16xi1>
        %and3A_944 = arith.andi %lt3A, %not3A_943 : vector<16xi1>
        %broadcast_in_dim3A_945 = vector.broadcast %add3A_937 : i32 to vector<16xi32>
        %select_n3A_946 = arith.select %and3A_944, %broadcast_in_dim3A_945, %while3A_933 : vector<16xi1>, vector<16xi32>
        %or3A = arith.ori %while3A_932, %lt3A : vector<16xi1>
        %add3A_947 = arith.constant 1 : i32
        %add3A_948 = arith.addi %while3A_930, %add3A_947 : i32
        %broadcast_in_dim3A_949 = vector.broadcast %add3A_948 : i32 to vector<16xi32>
        %gather3A_950 = tpu.vector_load_idx %arg9[%add3A_909, %broadcast_in_dim3A_949] : memref<128x128xf32, #tpu.memory_space<vmem>>[vector<16xi32>, vector<16xi32>], vector<16xf32>,
        %slice3A_951 = vector.extract_strided_slice %get3A_935 {offsets = [1], sizes = [1], strides = [1]} : vector<16xf32> to vector<1xf32>
        %squeeze3A_952 = vector.extract %slice3A_951[0] : f32 from vector<1xf32>
        %broadcast_in_dim3A_953 = vector.broadcast %squeeze3A_952 : f32 to vector<16xf32>
        %lt3A_954 = arith.cmpf olt, %gather3A_950, %broadcast_in_dim3A_953 : vector<16xf32>
        %not3A_955 = arith.constant dense<true> : vector<16xi1>
        %not3A_956 = arith.xori %or3A, %not3A_955 : vector<16xi1>
        %and3A_957 = arith.andi %lt3A_954, %not3A_956 : vector<16xi1>
        %broadcast_in_dim3A_958 = vector.broadcast %add3A_948 : i32 to vector<16xi32>
        %select_n3A_959 = arith.select %and3A_957, %broadcast_in_dim3A_958, %select_n3A_946 : vector<16xi1>, vector<16xi32>
        %or3A_960 = arith.ori %or3A, %lt3A_954 : vector<16xi1>
        %add3A_961 = arith.constant 2 : i32
        %add3A_962 = arith.addi %while3A_930, %add3A_961 : i32
        %broadcast_in_dim3A_963 = vector.broadcast %add3A_962 : i32 to vector<16xi32>
        %gather3A_964 = tpu.vector_load_idx %arg9[%add3A_909, %broadcast_in_dim3A_963] : memref<128x128xf32, #tpu.memory_space<vmem>>[vector<16xi32>, vector<16xi32>], vector<16xf32>,
        %slice3A_965 = vector.extract_strided_slice %get3A_935 {offsets = [2], sizes = [1], strides = [1]} : vector<16xf32> to vector<1xf32>
        %squeeze3A_966 = vector.extract %slice3A_965[0] : f32 from vector<1xf32>
        %broadcast_in_dim3A_967 = vector.broadcast %squeeze3A_966 : f32 to vector<16xf32>
        %lt3A_968 = arith.cmpf olt, %gather3A_964, %broadcast_in_dim3A_967 : vector<16xf32>
        %not3A_969 = arith.constant dense<true> : vector<16xi1>
        %not3A_970 = arith.xori %or3A_960, %not3A_969 : vector<16xi1>
        %and3A_971 = arith.andi %lt3A_968, %not3A_970 : vector<16xi1>
        %broadcast_in_dim3A_972 = vector.broadcast %add3A_962 : i32 to vector<16xi32>
        %select_n3A_973 = arith.select %and3A_971, %broadcast_in_dim3A_972, %select_n3A_959 : vector<16xi1>, vector<16xi32>
        %or3A_974 = arith.ori %or3A_960, %lt3A_968 : vector<16xi1>
        %add3A_975 = arith.constant 3 : i32
        %add3A_976 = arith.addi %while3A_930, %add3A_975 : i32
        %broadcast_in_dim3A_977 = vector.broadcast %add3A_976 : i32 to vector<16xi32>
        %gather3A_978 = tpu.vector_load_idx %arg9[%add3A_909, %broadcast_in_dim3A_977] : memref<128x128xf32, #tpu.memory_space<vmem>>[vector<16xi32>, vector<16xi32>], vector<16xf32>,
        %slice3A_979 = vector.extract_strided_slice %get3A_935 {offsets = [3], sizes = [1], strides = [1]} : vector<16xf32> to vector<1xf32>
        %squeeze3A_980 = vector.extract %slice3A_979[0] : f32 from vector<1xf32>
        %broadcast_in_dim3A_981 = vector.broadcast %squeeze3A_980 : f32 to vector<16xf32>
        %lt3A_982 = arith.cmpf olt, %gather3A_978, %broadcast_in_dim3A_981 : vector<16xf32>
        %not3A_983 = arith.constant dense<true> : vector<16xi1>
        %not3A_984 = arith.xori %or3A_974, %not3A_983 : vector<16xi1>
        %and3A_985 = arith.andi %lt3A_982, %not3A_984 : vector<16xi1>
        %broadcast_in_dim3A_986 = vector.broadcast %add3A_976 : i32 to vector<16xi32>
        %select_n3A_987 = arith.select %and3A_985, %broadcast_in_dim3A_986, %select_n3A_973 : vector<16xi1>, vector<16xi32>
        %or3A_988 = arith.ori %or3A_974, %lt3A_982 : vector<16xi1>
        %add3A_989 = arith.constant 4 : i32
        %add3A_990 = arith.addi %while3A_930, %add3A_989 : i32
        %broadcast_in_dim3A_991 = vector.broadcast %add3A_990 : i32 to vector<16xi32>
        %gather3A_992 = tpu.vector_load_idx %arg9[%add3A_909, %broadcast_in_dim3A_991] : memref<128x128xf32, #tpu.memory_space<vmem>>[vector<16xi32>, vector<16xi32>], vector<16xf32>,
        %slice3A_993 = vector.extract_strided_slice %get3A_935 {offsets = [4], sizes = [1], strides = [1]} : vector<16xf32> to vector<1xf32>
        %squeeze3A_994 = vector.extract %slice3A_993[0] : f32 from vector<1xf32>
        %broadcast_in_dim3A_995 = vector.broadcast %squeeze3A_994 : f32 to vector<16xf32>
        %lt3A_996 = arith.cmpf olt, %gather3A_992, %broadcast_in_dim3A_995 : vector<16xf32>
        %not3A_997 = arith.constant dense<true> : vector<16xi1>
        %not3A_998 = arith.xori %or3A_988, %not3A_997 : vector<16xi1>
        %and3A_999 = arith.andi %lt3A_996, %not3A_998 : vector<16xi1>
        %broadcast_in_dim3A_1000 = vector.broadcast %add3A_990 : i32 to vector<16xi32>
        %select_n3A_1001 = arith.select %and3A_999, %broadcast_in_dim3A_1000, %select_n3A_987 : vector<16xi1>, vector<16xi32>
        %or3A_1002 = arith.ori %or3A_988, %lt3A_996 : vector<16xi1>
        %add3A_1003 = arith.constant 5 : i32
        %add3A_1004 = arith.addi %while3A_930, %add3A_1003 : i32
        %broadcast_in_dim3A_1005 = vector.broadcast %add3A_1004 : i32 to vector<16xi32>
        %gather3A_1006 = tpu.vector_load_idx %arg9[%add3A_909, %broadcast_in_dim3A_1005] : memref<128x128xf32, #tpu.memory_space<vmem>>[vector<16xi32>, vector<16xi32>], vector<16xf32>,
        %slice3A_1007 = vector.extract_strided_slice %get3A_935 {offsets = [5], sizes = [1], strides = [1]} : vector<16xf32> to vector<1xf32>
        %squeeze3A_1008 = vector.extract %slice3A_1007[0] : f32 from vector<1xf32>
        %broadcast_in_dim3A_1009 = vector.broadcast %squeeze3A_1008 : f32 to vector<16xf32>
        %lt3A_1010 = arith.cmpf olt, %gather3A_1006, %broadcast_in_dim3A_1009 : vector<16xf32>
        %not3A_1011 = arith.constant dense<true> : vector<16xi1>
        %not3A_1012 = arith.xori %or3A_1002, %not3A_1011 : vector<16xi1>
        %and3A_1013 = arith.andi %lt3A_1010, %not3A_1012 : vector<16xi1>
        %broadcast_in_dim3A_1014 = vector.broadcast %add3A_1004 : i32 to vector<16xi32>
        %select_n3A_1015 = arith.select %and3A_1013, %broadcast_in_dim3A_1014, %select_n3A_1001 : vector<16xi1>, vector<16xi32>
        %or3A_1016 = arith.ori %or3A_1002, %lt3A_1010 : vector<16xi1>
        %add3A_1017 = arith.constant 6 : i32
        %add3A_1018 = arith.addi %while3A_930, %add3A_1017 : i32
        %broadcast_in_dim3A_1019 = vector.broadcast %add3A_1018 : i32 to vector<16xi32>
        %gather3A_1020 = tpu.vector_load_idx %arg9[%add3A_909, %broadcast_in_dim3A_1019] : memref<128x128xf32, #tpu.memory_space<vmem>>[vector<16xi32>, vector<16xi32>], vector<16xf32>,
        %slice3A_1021 = vector.extract_strided_slice %get3A_935 {offsets = [6], sizes = [1], strides = [1]} : vector<16xf32> to vector<1xf32>
        %squeeze3A_1022 = vector.extract %slice3A_1021[0] : f32 from vector<1xf32>
        %broadcast_in_dim3A_1023 = vector.broadcast %squeeze3A_1022 : f32 to vector<16xf32>
        %lt3A_1024 = arith.cmpf olt, %gather3A_1020, %broadcast_in_dim3A_1023 : vector<16xf32>
        %not3A_1025 = arith.constant dense<true> : vector<16xi1>
        %not3A_1026 = arith.xori %or3A_1016, %not3A_1025 : vector<16xi1>
        %and3A_1027 = arith.andi %lt3A_1024, %not3A_1026 : vector<16xi1>
        %broadcast_in_dim3A_1028 = vector.broadcast %add3A_1018 : i32 to vector<16xi32>
        %select_n3A_1029 = arith.select %and3A_1027, %broadcast_in_dim3A_1028, %select_n3A_1015 : vector<16xi1>, vector<16xi32>
        %or3A_1030 = arith.ori %or3A_1016, %lt3A_1024 : vector<16xi1>
        %add3A_1031 = arith.constant 7 : i32
        %add3A_1032 = arith.addi %while3A_930, %add3A_1031 : i32
        %broadcast_in_dim3A_1033 = vector.broadcast %add3A_1032 : i32 to vector<16xi32>
        %gather3A_1034 = tpu.vector_load_idx %arg9[%add3A_909, %broadcast_in_dim3A_1033] : memref<128x128xf32, #tpu.memory_space<vmem>>[vector<16xi32>, vector<16xi32>], vector<16xf32>,
        %slice3A_1035 = vector.extract_strided_slice %get3A_935 {offsets = [7], sizes = [1], strides = [1]} : vector<16xf32> to vector<1xf32>
        %squeeze3A_1036 = vector.extract %slice3A_1035[0] : f32 from vector<1xf32>
        %broadcast_in_dim3A_1037 = vector.broadcast %squeeze3A_1036 : f32 to vector<16xf32>
        %lt3A_1038 = arith.cmpf olt, %gather3A_1034, %broadcast_in_dim3A_1037 : vector<16xf32>
        %not3A_1039 = arith.constant dense<true> : vector<16xi1>
        %not3A_1040 = arith.xori %or3A_1030, %not3A_1039 : vector<16xi1>
        %and3A_1041 = arith.andi %lt3A_1038, %not3A_1040 : vector<16xi1>
        %broadcast_in_dim3A_1042 = vector.broadcast %add3A_1032 : i32 to vector<16xi32>
        %select_n3A_1043 = arith.select %and3A_1041, %broadcast_in_dim3A_1042, %select_n3A_1029 : vector<16xi1>, vector<16xi32>
        %or3A_1044 = arith.ori %or3A_1030, %lt3A_1038 : vector<16xi1>
        %all_reduce_population_count3A_1045 = tpu.all_reduce %or3A_1044 {dim = 0 : i64, kind = #tpu.reduction_kind<sum>} : vector<16xi1> -> vector<16xi32>
        %slice3A_1046 = vector.extract_strided_slice %all_reduce_population_count3A_1045 {offsets = [0], sizes = [1], strides = [1]} : vector<16xi32> to vector<1xi32>
        %squeeze3A_1047 = vector.extract %slice3A_1046[0] : i32 from vector<1xi32>
        %add3A_1048 = arith.constant 8 : i32
        %add3A_1049 = arith.addi %while3A_930, %add3A_1048 : i32
        %eq3A = arith.constant 16 : i32
        %eq3A_1050 = arith.cmpi eq, %squeeze3A_1047, %eq3A : i32
        scf.yield %add3A_1049, %eq3A_1050, %or3A_1044, %select_n3A_1043 : i32, i1, vector<16xi1>, vector<16xi32>
      }
      %gather3A_916 = tpu.vector_load_idx %arg8[%while3A_915#3] : memref<160xf32, #tpu.memory_space<vmem>>[vector<16xi32>], vector<16xf32>,
      %select_n3A = arith.select %while3A_915#2, %gather3A_916, %broadcast_in_dim3A : vector<16xi1>, vector<16xf32>
      %mul3A_917 = arith.constant 16 : i32
      %mul3A_918 = arith.muli %scan3A_904, %mul3A_917 : i32
      %swap3A_919 = arith.index_cast %mul3A_918 : i32 to index
      %swap3A_920 = tpu.vector_load %arg14[%swap3A_919] {strides = array<i32>} : memref<128xf32, #tpu.memory_space<vmem>>, vector<16xf32>,
      tpu.vector_store %arg14[%swap3A_919], %select_n3A {strides = array<i32>} : memref<128xf32, #tpu.memory_space<vmem>>, vector<16xf32>,
      %convert_element_type3A_921 = arith.extui %while3A_915#2 : vector<16xi1> to vector<16xi32>
      %mul3A_922 = arith.constant 16 : i32
      %mul3A_923 = arith.muli %scan3A_904, %mul3A_922 : i32
      %swap3A_924 = arith.index_cast %mul3A_923 : i32 to index
      %swap3A_925 = tpu.vector_load %arg15[%swap3A_924] {strides = array<i32>} : memref<128xi32, #tpu.memory_space<vmem>>, vector<16xi32>,
      tpu.vector_store %arg15[%swap3A_924], %convert_element_type3A_921 {strides = array<i32>} : memref<128xi32, #tpu.memory_space<vmem>>, vector<16xi32>,
      %all_reduce_population_count3A = tpu.all_reduce %while3A_915#2 {dim = 0 : i64, kind = #tpu.reduction_kind<sum>} : vector<16xi1> -> vector<16xi32>
      %slice3A_926 = vector.extract_strided_slice %all_reduce_population_count3A {offsets = [0], sizes = [1], strides = [1]} : vector<16xi32> to vector<1xi32>
      %squeeze3A_927 = vector.extract %slice3A_926[0] : i32 from vector<1xi32>
      %sub3A = arith.constant 16 : i32
      %sub3A_928 = arith.subi %sub3A, %squeeze3A_927 : i32
      %add3A_929 = arith.addi %scan3A_905, %sub3A_928 : i32
      scf.yield %add3A_929 : i32
    }
    %scan3A_875 = arith.constant 8 : i32
    %gt3A = arith.constant 0 : i32
    %gt3A_876 = arith.cmpi sgt, %scan3A_874, %gt3A : i32
    %convert_element_type3A = arith.extui %gt3A_876 : i1 to i32
    %cond3A = arith.constant 0 : i32
    %cond3A_877 = arith.cmpi ne, %convert_element_type3A, %cond3A : i32
    scf.if %cond3A_877 {
      %scan3A_904 = arith.constant 0 : i32
      %scan3A_905 = arith.constant 0 : i32
      %scan3A_906 = arith.constant 128 : i32
      %scan3A_907 = arith.addi %scan3A_905, %scan3A_906 : i32
      %scan3A_908 = arith.constant 1 : i32
      scf.for %scan3A_910 = %scan3A_905 to %scan3A_907 step %scan3A_908  : i32 {
        %broadcast_in_dim3A_911 = vector.broadcast %scan3A_910 : i32 to vector<16xi32>
        %gather3A_912 = tpu.vector_load_idx %arg15[%broadcast_in_dim3A_911] : memref<128xi32, #tpu.memory_space<vmem>>[vector<16xi32>], vector<16xi32>,
        %slice3A_913 = vector.extract_strided_slice %gather3A_912 {offsets = [0], sizes = [1], strides = [1]} : vector<16xi32> to vector<1xi32>
        %squeeze3A_914 = vector.extract %slice3A_913[0] : i32 from vector<1xi32>
        %eq3A = arith.constant 0 : i32
        %eq3A_915 = arith.cmpi eq, %squeeze3A_914, %eq3A : i32
        %convert_element_type3A_916 = arith.extui %eq3A_915 : i1 to i32
        %cond3A_917 = arith.constant 0 : i32
        %cond3A_918 = arith.cmpi ne, %convert_element_type3A_916, %cond3A_917 : i32
        scf.if %cond3A_918 {
          %while3A = arith.constant 1 : i32
          %while3A_919 = arith.constant false
          %while3A_920 = arith.constant 0 : i32
          %while3A_921:3 = scf.while (%while3A_925 = %while3A, %while3A_926 = %while3A_919, %while3A_927 = %while3A_920) : (i32, i1, i32) -> (i32, i1, i32) {
            %not3A = arith.constant true
            %not3A_928 = arith.xori %while3A_926, %not3A : i1
            %lt3A = arith.constant 64 : i32
            %lt3A_929 = arith.cmpi slt, %while3A_925, %lt3A : i32
            %and3A_930 = arith.andi %not3A_928, %lt3A_929 : i1
            scf.condition(%and3A_930) %while3A_925, %while3A_926, %while3A_927 : i32, i1, i32
          } do {
          ^bb0(%while3A_925: i32, %while3A_926: i1, %while3A_927: i32):
            %add3A_928 = arith.addi %mul3A_2, %scan3A_910 : i32
            %mul3A_929 = arith.constant 128 : i32
            %mul3A_930 = arith.muli %while3A_925, %mul3A_929 : i32
            %dma_start3A_931 = tpu.memref_slice %arg4[%add3A_928, %mul3A_930] : memref<4096x8192xf32, #tpu.memory_space<hbm>> -> memref<1x128xf32, #tpu.memory_space<hbm>>
            %dma_start3A_932 = tpu.memref_squeeze %dma_start3A_931 : memref<1x128xf32, #tpu.memory_space<hbm>> -> memref<128xf32, #tpu.memory_space<hbm>>
            %dma_start3A_933 = tpu.memref_slice %arg4[%add3A_928, %mul3A_930] : memref<4096x8192xf32, #tpu.memory_space<hbm>> -> memref<1x128xf32, #tpu.memory_space<hbm>>
            %dma_start3A_934 = tpu.memref_squeeze %dma_start3A_933 : memref<1x128xf32, #tpu.memory_space<hbm>> -> memref<128xf32, #tpu.memory_space<hbm>>
            tpu.enqueue_dma source(%dma_start3A_934 : memref<128xf32, #tpu.memory_space<hbm>>) target(%arg11 : memref<128xf32, #tpu.memory_space<vmem>>) target_semaphore(%arg16 : memref<!tpu.dma_semaphore, #tpu.memory_space<semaphore_mem>>)
            %mul3A_935 = arith.constant 2 : i32
            %mul3A_936 = arith.muli %while3A_925, %mul3A_935 : i32
            %dma_start3A_937 = arith.constant 0 : i32
            %dma_start3A_938 = tpu.memref_slice %arg3[%mul3A_936, %dma_start3A_937] : memref<64x1024xf32, #tpu.memory_space<hbm>> -> memref<2x1024xf32, #tpu.memory_space<hbm>>
            %dma_start3A_939 = arith.constant 0 : i32
            %dma_start3A_940 = tpu.memref_slice %arg3[%mul3A_936, %dma_start3A_939] : memref<64x1024xf32, #tpu.memory_space<hbm>> -> memref<2x1024xf32, #tpu.memory_space<hbm>>
            tpu.enqueue_dma source(%dma_start3A_940 : memref<2x1024xf32, #tpu.memory_space<hbm>>) target(%arg10 : memref<2x1024xf32, #tpu.memory_space<vmem>>) target_semaphore(%arg16 : memref<!tpu.dma_semaphore, #tpu.memory_space<semaphore_mem>>)
            %dma_wait3A_941 = tpu.memref_slice %arg4[%add3A_928, %mul3A_930] : memref<4096x8192xf32, #tpu.memory_space<hbm>> -> memref<1x128xf32, #tpu.memory_space<hbm>>
            %dma_wait3A_942 = tpu.memref_squeeze %dma_wait3A_941 : memref<1x128xf32, #tpu.memory_space<hbm>> -> memref<128xf32, #tpu.memory_space<hbm>>
            %dma_wait3A_943 = tpu.memref_slice %arg4[%add3A_928, %mul3A_930] : memref<4096x8192xf32, #tpu.memory_space<hbm>> -> memref<1x128xf32, #tpu.memory_space<hbm>>
            %dma_wait3A_944 = tpu.memref_squeeze %dma_wait3A_943 : memref<1x128xf32, #tpu.memory_space<hbm>> -> memref<128xf32, #tpu.memory_space<hbm>>
            tpu.wait_dma2 semaphore(%arg16 : memref<!tpu.dma_semaphore, #tpu.memory_space<semaphore_mem>>) src(%dma_wait3A_944 : memref<128xf32, #tpu.memory_space<hbm>>) dst(%arg11 : memref<128xf32, #tpu.memory_space<vmem>>)
            %dma_wait3A_945 = arith.constant 0 : i32
            %dma_wait3A_946 = tpu.memref_slice %arg3[%mul3A_936, %dma_wait3A_945] : memref<64x1024xf32, #tpu.memory_space<hbm>> -> memref<2x1024xf32, #tpu.memory_space<hbm>>
            %dma_wait3A_947 = arith.constant 0 : i32
            %dma_wait3A_948 = tpu.memref_slice %arg3[%mul3A_936, %dma_wait3A_947] : memref<64x1024xf32, #tpu.memory_space<hbm>> -> memref<2x1024xf32, #tpu.memory_space<hbm>>
            tpu.wait_dma2 semaphore(%arg16 : memref<!tpu.dma_semaphore, #tpu.memory_space<semaphore_mem>>) src(%dma_wait3A_948 : memref<2x1024xf32, #tpu.memory_space<hbm>>) dst(%arg10 : memref<2x1024xf32, #tpu.memory_space<vmem>>)
            %broadcast_in_dim3A_949 = arith.constant 0.000000e+00 : f32
            %broadcast_in_dim3A_950 = vector.broadcast %broadcast_in_dim3A_949 : f32 to vector<16xf32>
            %broadcast_in_dim3A_951 = arith.constant 0 : i32
            %broadcast_in_dim3A_952 = vector.broadcast %broadcast_in_dim3A_951 : i32 to vector<16xi32>
            %add3A_953 = arith.addi %broadcast_in_dim3A_952, %iota3A : vector<16xi32>
            %mul3A_954 = arith.constant 8 : i32
            %mul3A_955 = vector.broadcast %mul3A_954 : i32 to vector<16xi32>
            %mul3A_956 = arith.muli %add3A_953, %mul3A_955 : vector<16xi32>
            %add3A_957 = arith.constant 0 : i32
            %add3A_958 = vector.broadcast %add3A_957 : i32 to vector<16xi32>
            %add3A_959 = arith.addi %mul3A_956, %add3A_958 : vector<16xi32>
            %shift_right_arithmetic3A_960 = arith.constant 10 : i32
            %shift_right_arithmetic3A_961 = vector.broadcast %shift_right_arithmetic3A_960 : i32 to vector<16xi32>
            %shift_right_arithmetic3A_962 = arith.shrsi %add3A_959, %shift_right_arithmetic3A_961 : vector<16xi32>
            %and3A_963 = arith.constant 1023 : i32
            %and3A_964 = vector.broadcast %and3A_963 : i32 to vector<16xi32>
            %and3A_965 = arith.andi %add3A_959, %and3A_964 : vector<16xi32>
            %gather3A_966 = tpu.vector_load_idx %arg10[%shift_right_arithmetic3A_962, %and3A_965] : memref<2x1024xf32, #tpu.memory_space<vmem>>[vector<16xi32>, vector<16xi32>], vector<16xf32>,
            %add3A_967 = arith.addf %broadcast_in_dim3A_950, %gather3A_966 : vector<16xf32>
            %add3A_968 = arith.constant 1 : i32
            %add3A_969 = vector.broadcast %add3A_968 : i32 to vector<16xi32>
            %add3A_970 = arith.addi %mul3A_956, %add3A_969 : vector<16xi32>
            %shift_right_arithmetic3A_971 = arith.constant 10 : i32
            %shift_right_arithmetic3A_972 = vector.broadcast %shift_right_arithmetic3A_971 : i32 to vector<16xi32>
            %shift_right_arithmetic3A_973 = arith.shrsi %add3A_970, %shift_right_arithmetic3A_972 : vector<16xi32>
            %and3A_974 = arith.constant 1023 : i32
            %and3A_975 = vector.broadcast %and3A_974 : i32 to vector<16xi32>
            %and3A_976 = arith.andi %add3A_970, %and3A_975 : vector<16xi32>
            %gather3A_977 = tpu.vector_load_idx %arg10[%shift_right_arithmetic3A_973, %and3A_976] : memref<2x1024xf32, #tpu.memory_space<vmem>>[vector<16xi32>, vector<16xi32>], vector<16xf32>,
            %add3A_978 = arith.addf %add3A_967, %gather3A_977 : vector<16xf32>
            %add3A_979 = arith.constant 2 : i32
            %add3A_980 = vector.broadcast %add3A_979 : i32 to vector<16xi32>
            %add3A_981 = arith.addi %mul3A_956, %add3A_980 : vector<16xi32>
            %shift_right_arithmetic3A_982 = arith.constant 10 : i32
            %shift_right_arithmetic3A_983 = vector.broadcast %shift_right_arithmetic3A_982 : i32 to vector<16xi32>
            %shift_right_arithmetic3A_984 = arith.shrsi %add3A_981, %shift_right_arithmetic3A_983 : vector<16xi32>
            %and3A_985 = arith.constant 1023 : i32
            %and3A_986 = vector.broadcast %and3A_985 : i32 to vector<16xi32>
            %and3A_987 = arith.andi %add3A_981, %and3A_986 : vector<16xi32>
            %gather3A_988 = tpu.vector_load_idx %arg10[%shift_right_arithmetic3A_984, %and3A_987] : memref<2x1024xf32, #tpu.memory_space<vmem>>[vector<16xi32>, vector<16xi32>], vector<16xf32>,
            %add3A_989 = arith.addf %add3A_978, %gather3A_988 : vector<16xf32>
            %add3A_990 = arith.constant 3 : i32
            %add3A_991 = vector.broadcast %add3A_990 : i32 to vector<16xi32>
            %add3A_992 = arith.addi %mul3A_956, %add3A_991 : vector<16xi32>
            %shift_right_arithmetic3A_993 = arith.constant 10 : i32
            %shift_right_arithmetic3A_994 = vector.broadcast %shift_right_arithmetic3A_993 : i32 to vector<16xi32>
            %shift_right_arithmetic3A_995 = arith.shrsi %add3A_992, %shift_right_arithmetic3A_994 : vector<16xi32>
            %and3A_996 = arith.constant 1023 : i32
            %and3A_997 = vector.broadcast %and3A_996 : i32 to vector<16xi32>
            %and3A_998 = arith.andi %add3A_992, %and3A_997 : vector<16xi32>
            %gather3A_999 = tpu.vector_load_idx %arg10[%shift_right_arithmetic3A_995, %and3A_998] : memref<2x1024xf32, #tpu.memory_space<vmem>>[vector<16xi32>, vector<16xi32>], vector<16xf32>,
            %add3A_1000 = arith.addf %add3A_989, %gather3A_999 : vector<16xf32>
            %add3A_1001 = arith.constant 4 : i32
            %add3A_1002 = vector.broadcast %add3A_1001 : i32 to vector<16xi32>
            %add3A_1003 = arith.addi %mul3A_956, %add3A_1002 : vector<16xi32>
            %shift_right_arithmetic3A_1004 = arith.constant 10 : i32
            %shift_right_arithmetic3A_1005 = vector.broadcast %shift_right_arithmetic3A_1004 : i32 to vector<16xi32>
            %shift_right_arithmetic3A_1006 = arith.shrsi %add3A_1003, %shift_right_arithmetic3A_1005 : vector<16xi32>
            %and3A_1007 = arith.constant 1023 : i32
            %and3A_1008 = vector.broadcast %and3A_1007 : i32 to vector<16xi32>
            %and3A_1009 = arith.andi %add3A_1003, %and3A_1008 : vector<16xi32>
            %gather3A_1010 = tpu.vector_load_idx %arg10[%shift_right_arithmetic3A_1006, %and3A_1009] : memref<2x1024xf32, #tpu.memory_space<vmem>>[vector<16xi32>, vector<16xi32>], vector<16xf32>,
            %add3A_1011 = arith.addf %add3A_1000, %gather3A_1010 : vector<16xf32>
            %add3A_1012 = arith.constant 5 : i32
            %add3A_1013 = vector.broadcast %add3A_1012 : i32 to vector<16xi32>
            %add3A_1014 = arith.addi %mul3A_956, %add3A_1013 : vector<16xi32>
            %shift_right_arithmetic3A_1015 = arith.constant 10 : i32
            %shift_right_arithmetic3A_1016 = vector.broadcast %shift_right_arithmetic3A_1015 : i32 to vector<16xi32>
            %shift_right_arithmetic3A_1017 = arith.shrsi %add3A_1014, %shift_right_arithmetic3A_1016 : vector<16xi32>
            %and3A_1018 = arith.constant 1023 : i32
            %and3A_1019 = vector.broadcast %and3A_1018 : i32 to vector<16xi32>
            %and3A_1020 = arith.andi %add3A_1014, %and3A_1019 : vector<16xi32>
            %gather3A_1021 = tpu.vector_load_idx %arg10[%shift_right_arithmetic3A_1017, %and3A_1020] : memref<2x1024xf32, #tpu.memory_space<vmem>>[vector<16xi32>, vector<16xi32>], vector<16xf32>,
            %add3A_1022 = arith.addf %add3A_1011, %gather3A_1021 : vector<16xf32>
            %add3A_1023 = arith.constant 6 : i32
            %add3A_1024 = vector.broadcast %add3A_1023 : i32 to vector<16xi32>
            %add3A_1025 = arith.addi %mul3A_956, %add3A_1024 : vector<16xi32>
            %shift_right_arithmetic3A_1026 = arith.constant 10 : i32
            %shift_right_arithmetic3A_1027 = vector.broadcast %shift_right_arithmetic3A_1026 : i32 to vector<16xi32>
            %shift_right_arithmetic3A_1028 = arith.shrsi %add3A_1025, %shift_right_arithmetic3A_1027 : vector<16xi32>
            %and3A_1029 = arith.constant 1023 : i32
            %and3A_1030 = vector.broadcast %and3A_1029 : i32 to vector<16xi32>
            %and3A_1031 = arith.andi %add3A_1025, %and3A_1030 : vector<16xi32>
            %gather3A_1032 = tpu.vector_load_idx %arg10[%shift_right_arithmetic3A_1028, %and3A_1031] : memref<2x1024xf32, #tpu.memory_space<vmem>>[vector<16xi32>, vector<16xi32>], vector<16xf32>,
            %add3A_1033 = arith.addf %add3A_1022, %gather3A_1032 : vector<16xf32>
            %add3A_1034 = arith.constant 7 : i32
            %add3A_1035 = vector.broadcast %add3A_1034 : i32 to vector<16xi32>
            %add3A_1036 = arith.addi %mul3A_956, %add3A_1035 : vector<16xi32>
            %shift_right_arithmetic3A_1037 = arith.constant 10 : i32
            %shift_right_arithmetic3A_1038 = vector.broadcast %shift_right_arithmetic3A_1037 : i32 to vector<16xi32>
            %shift_right_arithmetic3A_1039 = arith.shrsi %add3A_1036, %shift_right_arithmetic3A_1038 : vector<16xi32>
            %and3A_1040 = arith.constant 1023 : i32
            %and3A_1041 = vector.broadcast %and3A_1040 : i32 to vector<16xi32>
            %and3A_1042 = arith.andi %add3A_1036, %and3A_1041 : vector<16xi32>
            %gather3A_1043 = tpu.vector_load_idx %arg10[%shift_right_arithmetic3A_1039, %and3A_1042] : memref<2x1024xf32, #tpu.memory_space<vmem>>[vector<16xi32>, vector<16xi32>], vector<16xf32>,
            %add3A_1044 = arith.addf %add3A_1033, %gather3A_1043 : vector<16xf32>
            %mul3A_1045 = vector.broadcast %squeeze3A_69 : f32 to vector<16xf32>
            %mul3A_1046 = arith.mulf %add3A_1044, %mul3A_1045 : vector<16xf32>
            %swap3A_1047 = arith.constant 0 : index
            %swap3A_1048 = tpu.vector_load %arg12[%swap3A_1047] {strides = array<i32>} : memref<128xf32, #tpu.memory_space<vmem>>, vector<16xf32>,
            tpu.vector_store %arg12[%swap3A_1047], %mul3A_1046 {strides = array<i32>} : memref<128xf32, #tpu.memory_space<vmem>>, vector<16xf32>,
            %broadcast_in_dim3A_1049 = arith.constant 0.000000e+00 : f32
            %broadcast_in_dim3A_1050 = vector.broadcast %broadcast_in_dim3A_1049 : f32 to vector<16xf32>
            %broadcast_in_dim3A_1051 = arith.constant 16 : i32
            %broadcast_in_dim3A_1052 = vector.broadcast %broadcast_in_dim3A_1051 : i32 to vector<16xi32>
            %add3A_1053 = arith.addi %broadcast_in_dim3A_1052, %iota3A : vector<16xi32>
            %mul3A_1054 = arith.constant 8 : i32
            %mul3A_1055 = vector.broadcast %mul3A_1054 : i32 to vector<16xi32>
            %mul3A_1056 = arith.muli %add3A_1053, %mul3A_1055 : vector<16xi32>
            %add3A_1057 = arith.constant 0 : i32
            %add3A_1058 = vector.broadcast %add3A_1057 : i32 to vector<16xi32>
            %add3A_1059 = arith.addi %mul3A_1056, %add3A_1058 : vector<16xi32>
            %shift_right_arithmetic3A_1060 = arith.constant 10 : i32
            %shift_right_arithmetic3A_1061 = vector.broadcast %shift_right_arithmetic3A_1060 : i32 to vector<16xi32>
            %shift_right_arithmetic3A_1062 = arith.shrsi %add3A_1059, %shift_right_arithmetic3A_1061 : vector<16xi32>
            %and3A_1063 = arith.constant 1023 : i32
            %and3A_1064 = vector.broadcast %and3A_1063 : i32 to vector<16xi32>
            %and3A_1065 = arith.andi %add3A_1059, %and3A_1064 : vector<16xi32>
            %gather3A_1066 = tpu.vector_load_idx %arg10[%shift_right_arithmetic3A_1062, %and3A_1065] : memref<2x1024xf32, #tpu.memory_space<vmem>>[vector<16xi32>, vector<16xi32>], vector<16xf32>,
            %add3A_1067 = arith.addf %broadcast_in_dim3A_1050, %gather3A_1066 : vector<16xf32>
            %add3A_1068 = arith.constant 1 : i32
            %add3A_1069 = vector.broadcast %add3A_1068 : i32 to vector<16xi32>
            %add3A_1070 = arith.addi %mul3A_1056, %add3A_1069 : vector<16xi32>
            %shift_right_arithmetic3A_1071 = arith.constant 10 : i32
            %shift_right_arithmetic3A_1072 = vector.broadcast %shift_right_arithmetic3A_1071 : i32 to vector<16xi32>
            %shift_right_arithmetic3A_1073 = arith.shrsi %add3A_1070, %shift_right_arithmetic3A_1072 : vector<16xi32>
            %and3A_1074 = arith.constant 1023 : i32
            %and3A_1075 = vector.broadcast %and3A_1074 : i32 to vector<16xi32>
            %and3A_1076 = arith.andi %add3A_1070, %and3A_1075 : vector<16xi32>
            %gather3A_1077 = tpu.vector_load_idx %arg10[%shift_right_arithmetic3A_1073, %and3A_1076] : memref<2x1024xf32, #tpu.memory_space<vmem>>[vector<16xi32>, vector<16xi32>], vector<16xf32>,
            %add3A_1078 = arith.addf %add3A_1067, %gather3A_1077 : vector<16xf32>
            %add3A_1079 = arith.constant 2 : i32
            %add3A_1080 = vector.broadcast %add3A_1079 : i32 to vector<16xi32>
            %add3A_1081 = arith.addi %mul3A_1056, %add3A_1080 : vector<16xi32>
            %shift_right_arithmetic3A_1082 = arith.constant 10 : i32
            %shift_right_arithmetic3A_1083 = vector.broadcast %shift_right_arithmetic3A_1082 : i32 to vector<16xi32>
            %shift_right_arithmetic3A_1084 = arith.shrsi %add3A_1081, %shift_right_arithmetic3A_1083 : vector<16xi32>
            %and3A_1085 = arith.constant 1023 : i32
            %and3A_1086 = vector.broadcast %and3A_1085 : i32 to vector<16xi32>
            %and3A_1087 = arith.andi %add3A_1081, %and3A_1086 : vector<16xi32>
            %gather3A_1088 = tpu.vector_load_idx %arg10[%shift_right_arithmetic3A_1084, %and3A_1087] : memref<2x1024xf32, #tpu.memory_space<vmem>>[vector<16xi32>, vector<16xi32>], vector<16xf32>,
            %add3A_1089 = arith.addf %add3A_1078, %gather3A_1088 : vector<16xf32>
            %add3A_1090 = arith.constant 3 : i32
            %add3A_1091 = vector.broadcast %add3A_1090 : i32 to vector<16xi32>
            %add3A_1092 = arith.addi %mul3A_1056, %add3A_1091 : vector<16xi32>
            %shift_right_arithmetic3A_1093 = arith.constant 10 : i32
            %shift_right_arithmetic3A_1094 = vector.broadcast %shift_right_arithmetic3A_1093 : i32 to vector<16xi32>
            %shift_right_arithmetic3A_1095 = arith.shrsi %add3A_1092, %shift_right_arithmetic3A_1094 : vector<16xi32>
            %and3A_1096 = arith.constant 1023 : i32
            %and3A_1097 = vector.broadcast %and3A_1096 : i32 to vector<16xi32>
            %and3A_1098 = arith.andi %add3A_1092, %and3A_1097 : vector<16xi32>
            %gather3A_1099 = tpu.vector_load_idx %arg10[%shift_right_arithmetic3A_1095, %and3A_1098] : memref<2x1024xf32, #tpu.memory_space<vmem>>[vector<16xi32>, vector<16xi32>], vector<16xf32>,
            %add3A_1100 = arith.addf %add3A_1089, %gather3A_1099 : vector<16xf32>
            %add3A_1101 = arith.constant 4 : i32
            %add3A_1102 = vector.broadcast %add3A_1101 : i32 to vector<16xi32>
            %add3A_1103 = arith.addi %mul3A_1056, %add3A_1102 : vector<16xi32>
            %shift_right_arithmetic3A_1104 = arith.constant 10 : i32
            %shift_right_arithmetic3A_1105 = vector.broadcast %shift_right_arithmetic3A_1104 : i32 to vector<16xi32>
            %shift_right_arithmetic3A_1106 = arith.shrsi %add3A_1103, %shift_right_arithmetic3A_1105 : vector<16xi32>
            %and3A_1107 = arith.constant 1023 : i32
            %and3A_1108 = vector.broadcast %and3A_1107 : i32 to vector<16xi32>
            %and3A_1109 = arith.andi %add3A_1103, %and3A_1108 : vector<16xi32>
            %gather3A_1110 = tpu.vector_load_idx %arg10[%shift_right_arithmetic3A_1106, %and3A_1109] : memref<2x1024xf32, #tpu.memory_space<vmem>>[vector<16xi32>, vector<16xi32>], vector<16xf32>,
            %add3A_1111 = arith.addf %add3A_1100, %gather3A_1110 : vector<16xf32>
            %add3A_1112 = arith.constant 5 : i32
            %add3A_1113 = vector.broadcast %add3A_1112 : i32 to vector<16xi32>
            %add3A_1114 = arith.addi %mul3A_1056, %add3A_1113 : vector<16xi32>
            %shift_right_arithmetic3A_1115 = arith.constant 10 : i32
            %shift_right_arithmetic3A_1116 = vector.broadcast %shift_right_arithmetic3A_1115 : i32 to vector<16xi32>
            %shift_right_arithmetic3A_1117 = arith.shrsi %add3A_1114, %shift_right_arithmetic3A_1116 : vector<16xi32>
            %and3A_1118 = arith.constant 1023 : i32
            %and3A_1119 = vector.broadcast %and3A_1118 : i32 to vector<16xi32>
            %and3A_1120 = arith.andi %add3A_1114, %and3A_1119 : vector<16xi32>
            %gather3A_1121 = tpu.vector_load_idx %arg10[%shift_right_arithmetic3A_1117, %and3A_1120] : memref<2x1024xf32, #tpu.memory_space<vmem>>[vector<16xi32>, vector<16xi32>], vector<16xf32>,
            %add3A_1122 = arith.addf %add3A_1111, %gather3A_1121 : vector<16xf32>
            %add3A_1123 = arith.constant 6 : i32
            %add3A_1124 = vector.broadcast %add3A_1123 : i32 to vector<16xi32>
            %add3A_1125 = arith.addi %mul3A_1056, %add3A_1124 : vector<16xi32>
            %shift_right_arithmetic3A_1126 = arith.constant 10 : i32
            %shift_right_arithmetic3A_1127 = vector.broadcast %shift_right_arithmetic3A_1126 : i32 to vector<16xi32>
            %shift_right_arithmetic3A_1128 = arith.shrsi %add3A_1125, %shift_right_arithmetic3A_1127 : vector<16xi32>
            %and3A_1129 = arith.constant 1023 : i32
            %and3A_1130 = vector.broadcast %and3A_1129 : i32 to vector<16xi32>
            %and3A_1131 = arith.andi %add3A_1125, %and3A_1130 : vector<16xi32>
            %gather3A_1132 = tpu.vector_load_idx %arg10[%shift_right_arithmetic3A_1128, %and3A_1131] : memref<2x1024xf32, #tpu.memory_space<vmem>>[vector<16xi32>, vector<16xi32>], vector<16xf32>,
            %add3A_1133 = arith.addf %add3A_1122, %gather3A_1132 : vector<16xf32>
            %add3A_1134 = arith.constant 7 : i32
            %add3A_1135 = vector.broadcast %add3A_1134 : i32 to vector<16xi32>
            %add3A_1136 = arith.addi %mul3A_1056, %add3A_1135 : vector<16xi32>
            %shift_right_arithmetic3A_1137 = arith.constant 10 : i32
            %shift_right_arithmetic3A_1138 = vector.broadcast %shift_right_arithmetic3A_1137 : i32 to vector<16xi32>
            %shift_right_arithmetic3A_1139 = arith.shrsi %add3A_1136, %shift_right_arithmetic3A_1138 : vector<16xi32>
            %and3A_1140 = arith.constant 1023 : i32
            %and3A_1141 = vector.broadcast %and3A_1140 : i32 to vector<16xi32>
            %and3A_1142 = arith.andi %add3A_1136, %and3A_1141 : vector<16xi32>
            %gather3A_1143 = tpu.vector_load_idx %arg10[%shift_right_arithmetic3A_1139, %and3A_1142] : memref<2x1024xf32, #tpu.memory_space<vmem>>[vector<16xi32>, vector<16xi32>], vector<16xf32>,
            %add3A_1144 = arith.addf %add3A_1133, %gather3A_1143 : vector<16xf32>
            %mul3A_1145 = vector.broadcast %squeeze3A_69 : f32 to vector<16xf32>
            %mul3A_1146 = arith.mulf %add3A_1144, %mul3A_1145 : vector<16xf32>
            %swap3A_1147 = arith.constant 16 : index
            %swap3A_1148 = tpu.vector_load %arg12[%swap3A_1147] {strides = array<i32>} : memref<128xf32, #tpu.memory_space<vmem>>, vector<16xf32>,
            tpu.vector_store %arg12[%swap3A_1147], %mul3A_1146 {strides = array<i32>} : memref<128xf32, #tpu.memory_space<vmem>>, vector<16xf32>,
            %broadcast_in_dim3A_1149 = arith.constant 0.000000e+00 : f32
            %broadcast_in_dim3A_1150 = vector.broadcast %broadcast_in_dim3A_1149 : f32 to vector<16xf32>
            %broadcast_in_dim3A_1151 = arith.constant 32 : i32
            %broadcast_in_dim3A_1152 = vector.broadcast %broadcast_in_dim3A_1151 : i32 to vector<16xi32>
            %add3A_1153 = arith.addi %broadcast_in_dim3A_1152, %iota3A : vector<16xi32>
            %mul3A_1154 = arith.constant 8 : i32
            %mul3A_1155 = vector.broadcast %mul3A_1154 : i32 to vector<16xi32>
            %mul3A_1156 = arith.muli %add3A_1153, %mul3A_1155 : vector<16xi32>
            %add3A_1157 = arith.constant 0 : i32
            %add3A_1158 = vector.broadcast %add3A_1157 : i32 to vector<16xi32>
            %add3A_1159 = arith.addi %mul3A_1156, %add3A_1158 : vector<16xi32>
            %shift_right_arithmetic3A_1160 = arith.constant 10 : i32
            %shift_right_arithmetic3A_1161 = vector.broadcast %shift_right_arithmetic3A_1160 : i32 to vector<16xi32>
            %shift_right_arithmetic3A_1162 = arith.shrsi %add3A_1159, %shift_right_arithmetic3A_1161 : vector<16xi32>
            %and3A_1163 = arith.constant 1023 : i32
            %and3A_1164 = vector.broadcast %and3A_1163 : i32 to vector<16xi32>
            %and3A_1165 = arith.andi %add3A_1159, %and3A_1164 : vector<16xi32>
            %gather3A_1166 = tpu.vector_load_idx %arg10[%shift_right_arithmetic3A_1162, %and3A_1165] : memref<2x1024xf32, #tpu.memory_space<vmem>>[vector<16xi32>, vector<16xi32>], vector<16xf32>,
            %add3A_1167 = arith.addf %broadcast_in_dim3A_1150, %gather3A_1166 : vector<16xf32>
            %add3A_1168 = arith.constant 1 : i32
            %add3A_1169 = vector.broadcast %add3A_1168 : i32 to vector<16xi32>
            %add3A_1170 = arith.addi %mul3A_1156, %add3A_1169 : vector<16xi32>
            %shift_right_arithmetic3A_1171 = arith.constant 10 : i32
            %shift_right_arithmetic3A_1172 = vector.broadcast %shift_right_arithmetic3A_1171 : i32 to vector<16xi32>
            %shift_right_arithmetic3A_1173 = arith.shrsi %add3A_1170, %shift_right_arithmetic3A_1172 : vector<16xi32>
            %and3A_1174 = arith.constant 1023 : i32
            %and3A_1175 = vector.broadcast %and3A_1174 : i32 to vector<16xi32>
            %and3A_1176 = arith.andi %add3A_1170, %and3A_1175 : vector<16xi32>
            %gather3A_1177 = tpu.vector_load_idx %arg10[%shift_right_arithmetic3A_1173, %and3A_1176] : memref<2x1024xf32, #tpu.memory_space<vmem>>[vector<16xi32>, vector<16xi32>], vector<16xf32>,
            %add3A_1178 = arith.addf %add3A_1167, %gather3A_1177 : vector<16xf32>
            %add3A_1179 = arith.constant 2 : i32
            %add3A_1180 = vector.broadcast %add3A_1179 : i32 to vector<16xi32>
            %add3A_1181 = arith.addi %mul3A_1156, %add3A_1180 : vector<16xi32>
            %shift_right_arithmetic3A_1182 = arith.constant 10 : i32
            %shift_right_arithmetic3A_1183 = vector.broadcast %shift_right_arithmetic3A_1182 : i32 to vector<16xi32>
            %shift_right_arithmetic3A_1184 = arith.shrsi %add3A_1181, %shift_right_arithmetic3A_1183 : vector<16xi32>
            %and3A_1185 = arith.constant 1023 : i32
            %and3A_1186 = vector.broadcast %and3A_1185 : i32 to vector<16xi32>
            %and3A_1187 = arith.andi %add3A_1181, %and3A_1186 : vector<16xi32>
            %gather3A_1188 = tpu.vector_load_idx %arg10[%shift_right_arithmetic3A_1184, %and3A_1187] : memref<2x1024xf32, #tpu.memory_space<vmem>>[vector<16xi32>, vector<16xi32>], vector<16xf32>,
            %add3A_1189 = arith.addf %add3A_1178, %gather3A_1188 : vector<16xf32>
            %add3A_1190 = arith.constant 3 : i32
            %add3A_1191 = vector.broadcast %add3A_1190 : i32 to vector<16xi32>
            %add3A_1192 = arith.addi %mul3A_1156, %add3A_1191 : vector<16xi32>
            %shift_right_arithmetic3A_1193 = arith.constant 10 : i32
            %shift_right_arithmetic3A_1194 = vector.broadcast %shift_right_arithmetic3A_1193 : i32 to vector<16xi32>
            %shift_right_arithmetic3A_1195 = arith.shrsi %add3A_1192, %shift_right_arithmetic3A_1194 : vector<16xi32>
            %and3A_1196 = arith.constant 1023 : i32
            %and3A_1197 = vector.broadcast %and3A_1196 : i32 to vector<16xi32>
            %and3A_1198 = arith.andi %add3A_1192, %and3A_1197 : vector<16xi32>
            %gather3A_1199 = tpu.vector_load_idx %arg10[%shift_right_arithmetic3A_1195, %and3A_1198] : memref<2x1024xf32, #tpu.memory_space<vmem>>[vector<16xi32>, vector<16xi32>], vector<16xf32>,
            %add3A_1200 = arith.addf %add3A_1189, %gather3A_1199 : vector<16xf32>
            %add3A_1201 = arith.constant 4 : i32
            %add3A_1202 = vector.broadcast %add3A_1201 : i32 to vector<16xi32>
            %add3A_1203 = arith.addi %mul3A_1156, %add3A_1202 : vector<16xi32>
            %shift_right_arithmetic3A_1204 = arith.constant 10 : i32
            %shift_right_arithmetic3A_1205 = vector.broadcast %shift_right_arithmetic3A_1204 : i32 to vector<16xi32>
            %shift_right_arithmetic3A_1206 = arith.shrsi %add3A_1203, %shift_right_arithmetic3A_1205 : vector<16xi32>
            %and3A_1207 = arith.constant 1023 : i32
            %and3A_1208 = vector.broadcast %and3A_1207 : i32 to vector<16xi32>
            %and3A_1209 = arith.andi %add3A_1203, %and3A_1208 : vector<16xi32>
            %gather3A_1210 = tpu.vector_load_idx %arg10[%shift_right_arithmetic3A_1206, %and3A_1209] : memref<2x1024xf32, #tpu.memory_space<vmem>>[vector<16xi32>, vector<16xi32>], vector<16xf32>,
            %add3A_1211 = arith.addf %add3A_1200, %gather3A_1210 : vector<16xf32>
            %add3A_1212 = arith.constant 5 : i32
            %add3A_1213 = vector.broadcast %add3A_1212 : i32 to vector<16xi32>
            %add3A_1214 = arith.addi %mul3A_1156, %add3A_1213 : vector<16xi32>
            %shift_right_arithmetic3A_1215 = arith.constant 10 : i32
            %shift_right_arithmetic3A_1216 = vector.broadcast %shift_right_arithmetic3A_1215 : i32 to vector<16xi32>
            %shift_right_arithmetic3A_1217 = arith.shrsi %add3A_1214, %shift_right_arithmetic3A_1216 : vector<16xi32>
            %and3A_1218 = arith.constant 1023 : i32
            %and3A_1219 = vector.broadcast %and3A_1218 : i32 to vector<16xi32>
            %and3A_1220 = arith.andi %add3A_1214, %and3A_1219 : vector<16xi32>
            %gather3A_1221 = tpu.vector_load_idx %arg10[%shift_right_arithmetic3A_1217, %and3A_1220] : memref<2x1024xf32, #tpu.memory_space<vmem>>[vector<16xi32>, vector<16xi32>], vector<16xf32>,
            %add3A_1222 = arith.addf %add3A_1211, %gather3A_1221 : vector<16xf32>
            %add3A_1223 = arith.constant 6 : i32
            %add3A_1224 = vector.broadcast %add3A_1223 : i32 to vector<16xi32>
            %add3A_1225 = arith.addi %mul3A_1156, %add3A_1224 : vector<16xi32>
            %shift_right_arithmetic3A_1226 = arith.constant 10 : i32
            %shift_right_arithmetic3A_1227 = vector.broadcast %shift_right_arithmetic3A_1226 : i32 to vector<16xi32>
            %shift_right_arithmetic3A_1228 = arith.shrsi %add3A_1225, %shift_right_arithmetic3A_1227 : vector<16xi32>
            %and3A_1229 = arith.constant 1023 : i32
            %and3A_1230 = vector.broadcast %and3A_1229 : i32 to vector<16xi32>
            %and3A_1231 = arith.andi %add3A_1225, %and3A_1230 : vector<16xi32>
            %gather3A_1232 = tpu.vector_load_idx %arg10[%shift_right_arithmetic3A_1228, %and3A_1231] : memref<2x1024xf32, #tpu.memory_space<vmem>>[vector<16xi32>, vector<16xi32>], vector<16xf32>,
            %add3A_1233 = arith.addf %add3A_1222, %gather3A_1232 : vector<16xf32>
            %add3A_1234 = arith.constant 7 : i32
            %add3A_1235 = vector.broadcast %add3A_1234 : i32 to vector<16xi32>
            %add3A_1236 = arith.addi %mul3A_1156, %add3A_1235 : vector<16xi32>
            %shift_right_arithmetic3A_1237 = arith.constant 10 : i32
            %shift_right_arithmetic3A_1238 = vector.broadcast %shift_right_arithmetic3A_1237 : i32 to vector<16xi32>
            %shift_right_arithmetic3A_1239 = arith.shrsi %add3A_1236, %shift_right_arithmetic3A_1238 : vector<16xi32>
            %and3A_1240 = arith.constant 1023 : i32
            %and3A_1241 = vector.broadcast %and3A_1240 : i32 to vector<16xi32>
            %and3A_1242 = arith.andi %add3A_1236, %and3A_1241 : vector<16xi32>
            %gather3A_1243 = tpu.vector_load_idx %arg10[%shift_right_arithmetic3A_1239, %and3A_1242] : memref<2x1024xf32, #tpu.memory_space<vmem>>[vector<16xi32>, vector<16xi32>], vector<16xf32>,
            %add3A_1244 = arith.addf %add3A_1233, %gather3A_1243 : vector<16xf32>
            %mul3A_1245 = vector.broadcast %squeeze3A_69 : f32 to vector<16xf32>
            %mul3A_1246 = arith.mulf %add3A_1244, %mul3A_1245 : vector<16xf32>
            %swap3A_1247 = arith.constant 32 : index
            %swap3A_1248 = tpu.vector_load %arg12[%swap3A_1247] {strides = array<i32>} : memref<128xf32, #tpu.memory_space<vmem>>, vector<16xf32>,
            tpu.vector_store %arg12[%swap3A_1247], %mul3A_1246 {strides = array<i32>} : memref<128xf32, #tpu.memory_space<vmem>>, vector<16xf32>,
            %broadcast_in_dim3A_1249 = arith.constant 0.000000e+00 : f32
            %broadcast_in_dim3A_1250 = vector.broadcast %broadcast_in_dim3A_1249 : f32 to vector<16xf32>
            %broadcast_in_dim3A_1251 = arith.constant 48 : i32
            %broadcast_in_dim3A_1252 = vector.broadcast %broadcast_in_dim3A_1251 : i32 to vector<16xi32>
            %add3A_1253 = arith.addi %broadcast_in_dim3A_1252, %iota3A : vector<16xi32>
            %mul3A_1254 = arith.constant 8 : i32
            %mul3A_1255 = vector.broadcast %mul3A_1254 : i32 to vector<16xi32>
            %mul3A_1256 = arith.muli %add3A_1253, %mul3A_1255 : vector<16xi32>
            %add3A_1257 = arith.constant 0 : i32
            %add3A_1258 = vector.broadcast %add3A_1257 : i32 to vector<16xi32>
            %add3A_1259 = arith.addi %mul3A_1256, %add3A_1258 : vector<16xi32>
            %shift_right_arithmetic3A_1260 = arith.constant 10 : i32
            %shift_right_arithmetic3A_1261 = vector.broadcast %shift_right_arithmetic3A_1260 : i32 to vector<16xi32>
            %shift_right_arithmetic3A_1262 = arith.shrsi %add3A_1259, %shift_right_arithmetic3A_1261 : vector<16xi32>
            %and3A_1263 = arith.constant 1023 : i32
            %and3A_1264 = vector.broadcast %and3A_1263 : i32 to vector<16xi32>
            %and3A_1265 = arith.andi %add3A_1259, %and3A_1264 : vector<16xi32>
            %gather3A_1266 = tpu.vector_load_idx %arg10[%shift_right_arithmetic3A_1262, %and3A_1265] : memref<2x1024xf32, #tpu.memory_space<vmem>>[vector<16xi32>, vector<16xi32>], vector<16xf32>,
            %add3A_1267 = arith.addf %broadcast_in_dim3A_1250, %gather3A_1266 : vector<16xf32>
            %add3A_1268 = arith.constant 1 : i32
            %add3A_1269 = vector.broadcast %add3A_1268 : i32 to vector<16xi32>
            %add3A_1270 = arith.addi %mul3A_1256, %add3A_1269 : vector<16xi32>
            %shift_right_arithmetic3A_1271 = arith.constant 10 : i32
            %shift_right_arithmetic3A_1272 = vector.broadcast %shift_right_arithmetic3A_1271 : i32 to vector<16xi32>
            %shift_right_arithmetic3A_1273 = arith.shrsi %add3A_1270, %shift_right_arithmetic3A_1272 : vector<16xi32>
            %and3A_1274 = arith.constant 1023 : i32
            %and3A_1275 = vector.broadcast %and3A_1274 : i32 to vector<16xi32>
            %and3A_1276 = arith.andi %add3A_1270, %and3A_1275 : vector<16xi32>
            %gather3A_1277 = tpu.vector_load_idx %arg10[%shift_right_arithmetic3A_1273, %and3A_1276] : memref<2x1024xf32, #tpu.memory_space<vmem>>[vector<16xi32>, vector<16xi32>], vector<16xf32>,
            %add3A_1278 = arith.addf %add3A_1267, %gather3A_1277 : vector<16xf32>
            %add3A_1279 = arith.constant 2 : i32
            %add3A_1280 = vector.broadcast %add3A_1279 : i32 to vector<16xi32>
            %add3A_1281 = arith.addi %mul3A_1256, %add3A_1280 : vector<16xi32>
            %shift_right_arithmetic3A_1282 = arith.constant 10 : i32
            %shift_right_arithmetic3A_1283 = vector.broadcast %shift_right_arithmetic3A_1282 : i32 to vector<16xi32>
            %shift_right_arithmetic3A_1284 = arith.shrsi %add3A_1281, %shift_right_arithmetic3A_1283 : vector<16xi32>
            %and3A_1285 = arith.constant 1023 : i32
            %and3A_1286 = vector.broadcast %and3A_1285 : i32 to vector<16xi32>
            %and3A_1287 = arith.andi %add3A_1281, %and3A_1286 : vector<16xi32>
            %gather3A_1288 = tpu.vector_load_idx %arg10[%shift_right_arithmetic3A_1284, %and3A_1287] : memref<2x1024xf32, #tpu.memory_space<vmem>>[vector<16xi32>, vector<16xi32>], vector<16xf32>,
            %add3A_1289 = arith.addf %add3A_1278, %gather3A_1288 : vector<16xf32>
            %add3A_1290 = arith.constant 3 : i32
            %add3A_1291 = vector.broadcast %add3A_1290 : i32 to vector<16xi32>
            %add3A_1292 = arith.addi %mul3A_1256, %add3A_1291 : vector<16xi32>
            %shift_right_arithmetic3A_1293 = arith.constant 10 : i32
            %shift_right_arithmetic3A_1294 = vector.broadcast %shift_right_arithmetic3A_1293 : i32 to vector<16xi32>
            %shift_right_arithmetic3A_1295 = arith.shrsi %add3A_1292, %shift_right_arithmetic3A_1294 : vector<16xi32>
            %and3A_1296 = arith.constant 1023 : i32
            %and3A_1297 = vector.broadcast %and3A_1296 : i32 to vector<16xi32>
            %and3A_1298 = arith.andi %add3A_1292, %and3A_1297 : vector<16xi32>
            %gather3A_1299 = tpu.vector_load_idx %arg10[%shift_right_arithmetic3A_1295, %and3A_1298] : memref<2x1024xf32, #tpu.memory_space<vmem>>[vector<16xi32>, vector<16xi32>], vector<16xf32>,
            %add3A_1300 = arith.addf %add3A_1289, %gather3A_1299 : vector<16xf32>
            %add3A_1301 = arith.constant 4 : i32
            %add3A_1302 = vector.broadcast %add3A_1301 : i32 to vector<16xi32>
            %add3A_1303 = arith.addi %mul3A_1256, %add3A_1302 : vector<16xi32>
            %shift_right_arithmetic3A_1304 = arith.constant 10 : i32
            %shift_right_arithmetic3A_1305 = vector.broadcast %shift_right_arithmetic3A_1304 : i32 to vector<16xi32>
            %shift_right_arithmetic3A_1306 = arith.shrsi %add3A_1303, %shift_right_arithmetic3A_1305 : vector<16xi32>
            %and3A_1307 = arith.constant 1023 : i32
            %and3A_1308 = vector.broadcast %and3A_1307 : i32 to vector<16xi32>
            %and3A_1309 = arith.andi %add3A_1303, %and3A_1308 : vector<16xi32>
            %gather3A_1310 = tpu.vector_load_idx %arg10[%shift_right_arithmetic3A_1306, %and3A_1309] : memref<2x1024xf32, #tpu.memory_space<vmem>>[vector<16xi32>, vector<16xi32>], vector<16xf32>,
            %add3A_1311 = arith.addf %add3A_1300, %gather3A_1310 : vector<16xf32>
            %add3A_1312 = arith.constant 5 : i32
            %add3A_1313 = vector.broadcast %add3A_1312 : i32 to vector<16xi32>
            %add3A_1314 = arith.addi %mul3A_1256, %add3A_1313 : vector<16xi32>
            %shift_right_arithmetic3A_1315 = arith.constant 10 : i32
            %shift_right_arithmetic3A_1316 = vector.broadcast %shift_right_arithmetic3A_1315 : i32 to vector<16xi32>
            %shift_right_arithmetic3A_1317 = arith.shrsi %add3A_1314, %shift_right_arithmetic3A_1316 : vector<16xi32>
            %and3A_1318 = arith.constant 1023 : i32
            %and3A_1319 = vector.broadcast %and3A_1318 : i32 to vector<16xi32>
            %and3A_1320 = arith.andi %add3A_1314, %and3A_1319 : vector<16xi32>
            %gather3A_1321 = tpu.vector_load_idx %arg10[%shift_right_arithmetic3A_1317, %and3A_1320] : memref<2x1024xf32, #tpu.memory_space<vmem>>[vector<16xi32>, vector<16xi32>], vector<16xf32>,
            %add3A_1322 = arith.addf %add3A_1311, %gather3A_1321 : vector<16xf32>
            %add3A_1323 = arith.constant 6 : i32
            %add3A_1324 = vector.broadcast %add3A_1323 : i32 to vector<16xi32>
            %add3A_1325 = arith.addi %mul3A_1256, %add3A_1324 : vector<16xi32>
            %shift_right_arithmetic3A_1326 = arith.constant 10 : i32
            %shift_right_arithmetic3A_1327 = vector.broadcast %shift_right_arithmetic3A_1326 : i32 to vector<16xi32>
            %shift_right_arithmetic3A_1328 = arith.shrsi %add3A_1325, %shift_right_arithmetic3A_1327 : vector<16xi32>
            %and3A_1329 = arith.constant 1023 : i32
            %and3A_1330 = vector.broadcast %and3A_1329 : i32 to vector<16xi32>
            %and3A_1331 = arith.andi %add3A_1325, %and3A_1330 : vector<16xi32>
            %gather3A_1332 = tpu.vector_load_idx %arg10[%shift_right_arithmetic3A_1328, %and3A_1331] : memref<2x1024xf32, #tpu.memory_space<vmem>>[vector<16xi32>, vector<16xi32>], vector<16xf32>,
            %add3A_1333 = arith.addf %add3A_1322, %gather3A_1332 : vector<16xf32>
            %add3A_1334 = arith.constant 7 : i32
            %add3A_1335 = vector.broadcast %add3A_1334 : i32 to vector<16xi32>
            %add3A_1336 = arith.addi %mul3A_1256, %add3A_1335 : vector<16xi32>
            %shift_right_arithmetic3A_1337 = arith.constant 10 : i32
            %shift_right_arithmetic3A_1338 = vector.broadcast %shift_right_arithmetic3A_1337 : i32 to vector<16xi32>
            %shift_right_arithmetic3A_1339 = arith.shrsi %add3A_1336, %shift_right_arithmetic3A_1338 : vector<16xi32>
            %and3A_1340 = arith.constant 1023 : i32
            %and3A_1341 = vector.broadcast %and3A_1340 : i32 to vector<16xi32>
            %and3A_1342 = arith.andi %add3A_1336, %and3A_1341 : vector<16xi32>
            %gather3A_1343 = tpu.vector_load_idx %arg10[%shift_right_arithmetic3A_1339, %and3A_1342] : memref<2x1024xf32, #tpu.memory_space<vmem>>[vector<16xi32>, vector<16xi32>], vector<16xf32>,
            %add3A_1344 = arith.addf %add3A_1333, %gather3A_1343 : vector<16xf32>
            %mul3A_1345 = vector.broadcast %squeeze3A_69 : f32 to vector<16xf32>
            %mul3A_1346 = arith.mulf %add3A_1344, %mul3A_1345 : vector<16xf32>
            %swap3A_1347 = arith.constant 48 : index
            %swap3A_1348 = tpu.vector_load %arg12[%swap3A_1347] {strides = array<i32>} : memref<128xf32, #tpu.memory_space<vmem>>, vector<16xf32>,
            tpu.vector_store %arg12[%swap3A_1347], %mul3A_1346 {strides = array<i32>} : memref<128xf32, #tpu.memory_space<vmem>>, vector<16xf32>,
            %broadcast_in_dim3A_1349 = arith.constant 0.000000e+00 : f32
            %broadcast_in_dim3A_1350 = vector.broadcast %broadcast_in_dim3A_1349 : f32 to vector<16xf32>
            %broadcast_in_dim3A_1351 = arith.constant 64 : i32
            %broadcast_in_dim3A_1352 = vector.broadcast %broadcast_in_dim3A_1351 : i32 to vector<16xi32>
            %add3A_1353 = arith.addi %broadcast_in_dim3A_1352, %iota3A : vector<16xi32>
            %mul3A_1354 = arith.constant 8 : i32
            %mul3A_1355 = vector.broadcast %mul3A_1354 : i32 to vector<16xi32>
            %mul3A_1356 = arith.muli %add3A_1353, %mul3A_1355 : vector<16xi32>
            %add3A_1357 = arith.constant 0 : i32
            %add3A_1358 = vector.broadcast %add3A_1357 : i32 to vector<16xi32>
            %add3A_1359 = arith.addi %mul3A_1356, %add3A_1358 : vector<16xi32>
            %shift_right_arithmetic3A_1360 = arith.constant 10 : i32
            %shift_right_arithmetic3A_1361 = vector.broadcast %shift_right_arithmetic3A_1360 : i32 to vector<16xi32>
            %shift_right_arithmetic3A_1362 = arith.shrsi %add3A_1359, %shift_right_arithmetic3A_1361 : vector<16xi32>
            %and3A_1363 = arith.constant 1023 : i32
            %and3A_1364 = vector.broadcast %and3A_1363 : i32 to vector<16xi32>
            %and3A_1365 = arith.andi %add3A_1359, %and3A_1364 : vector<16xi32>
            %gather3A_1366 = tpu.vector_load_idx %arg10[%shift_right_arithmetic3A_1362, %and3A_1365] : memref<2x1024xf32, #tpu.memory_space<vmem>>[vector<16xi32>, vector<16xi32>], vector<16xf32>,
            %add3A_1367 = arith.addf %broadcast_in_dim3A_1350, %gather3A_1366 : vector<16xf32>
            %add3A_1368 = arith.constant 1 : i32
            %add3A_1369 = vector.broadcast %add3A_1368 : i32 to vector<16xi32>
            %add3A_1370 = arith.addi %mul3A_1356, %add3A_1369 : vector<16xi32>
            %shift_right_arithmetic3A_1371 = arith.constant 10 : i32
            %shift_right_arithmetic3A_1372 = vector.broadcast %shift_right_arithmetic3A_1371 : i32 to vector<16xi32>
            %shift_right_arithmetic3A_1373 = arith.shrsi %add3A_1370, %shift_right_arithmetic3A_1372 : vector<16xi32>
            %and3A_1374 = arith.constant 1023 : i32
            %and3A_1375 = vector.broadcast %and3A_1374 : i32 to vector<16xi32>
            %and3A_1376 = arith.andi %add3A_1370, %and3A_1375 : vector<16xi32>
            %gather3A_1377 = tpu.vector_load_idx %arg10[%shift_right_arithmetic3A_1373, %and3A_1376] : memref<2x1024xf32, #tpu.memory_space<vmem>>[vector<16xi32>, vector<16xi32>], vector<16xf32>,
            %add3A_1378 = arith.addf %add3A_1367, %gather3A_1377 : vector<16xf32>
            %add3A_1379 = arith.constant 2 : i32
            %add3A_1380 = vector.broadcast %add3A_1379 : i32 to vector<16xi32>
            %add3A_1381 = arith.addi %mul3A_1356, %add3A_1380 : vector<16xi32>
            %shift_right_arithmetic3A_1382 = arith.constant 10 : i32
            %shift_right_arithmetic3A_1383 = vector.broadcast %shift_right_arithmetic3A_1382 : i32 to vector<16xi32>
            %shift_right_arithmetic3A_1384 = arith.shrsi %add3A_1381, %shift_right_arithmetic3A_1383 : vector<16xi32>
            %and3A_1385 = arith.constant 1023 : i32
            %and3A_1386 = vector.broadcast %and3A_1385 : i32 to vector<16xi32>
            %and3A_1387 = arith.andi %add3A_1381, %and3A_1386 : vector<16xi32>
            %gather3A_1388 = tpu.vector_load_idx %arg10[%shift_right_arithmetic3A_1384, %and3A_1387] : memref<2x1024xf32, #tpu.memory_space<vmem>>[vector<16xi32>, vector<16xi32>], vector<16xf32>,
            %add3A_1389 = arith.addf %add3A_1378, %gather3A_1388 : vector<16xf32>
            %add3A_1390 = arith.constant 3 : i32
            %add3A_1391 = vector.broadcast %add3A_1390 : i32 to vector<16xi32>
            %add3A_1392 = arith.addi %mul3A_1356, %add3A_1391 : vector<16xi32>
            %shift_right_arithmetic3A_1393 = arith.constant 10 : i32
            %shift_right_arithmetic3A_1394 = vector.broadcast %shift_right_arithmetic3A_1393 : i32 to vector<16xi32>
            %shift_right_arithmetic3A_1395 = arith.shrsi %add3A_1392, %shift_right_arithmetic3A_1394 : vector<16xi32>
            %and3A_1396 = arith.constant 1023 : i32
            %and3A_1397 = vector.broadcast %and3A_1396 : i32 to vector<16xi32>
            %and3A_1398 = arith.andi %add3A_1392, %and3A_1397 : vector<16xi32>
            %gather3A_1399 = tpu.vector_load_idx %arg10[%shift_right_arithmetic3A_1395, %and3A_1398] : memref<2x1024xf32, #tpu.memory_space<vmem>>[vector<16xi32>, vector<16xi32>], vector<16xf32>,
            %add3A_1400 = arith.addf %add3A_1389, %gather3A_1399 : vector<16xf32>
            %add3A_1401 = arith.constant 4 : i32
            %add3A_1402 = vector.broadcast %add3A_1401 : i32 to vector<16xi32>
            %add3A_1403 = arith.addi %mul3A_1356, %add3A_1402 : vector<16xi32>
            %shift_right_arithmetic3A_1404 = arith.constant 10 : i32
            %shift_right_arithmetic3A_1405 = vector.broadcast %shift_right_arithmetic3A_1404 : i32 to vector<16xi32>
            %shift_right_arithmetic3A_1406 = arith.shrsi %add3A_1403, %shift_right_arithmetic3A_1405 : vector<16xi32>
            %and3A_1407 = arith.constant 1023 : i32
            %and3A_1408 = vector.broadcast %and3A_1407 : i32 to vector<16xi32>
            %and3A_1409 = arith.andi %add3A_1403, %and3A_1408 : vector<16xi32>
            %gather3A_1410 = tpu.vector_load_idx %arg10[%shift_right_arithmetic3A_1406, %and3A_1409] : memref<2x1024xf32, #tpu.memory_space<vmem>>[vector<16xi32>, vector<16xi32>], vector<16xf32>,
            %add3A_1411 = arith.addf %add3A_1400, %gather3A_1410 : vector<16xf32>
            %add3A_1412 = arith.constant 5 : i32
            %add3A_1413 = vector.broadcast %add3A_1412 : i32 to vector<16xi32>
            %add3A_1414 = arith.addi %mul3A_1356, %add3A_1413 : vector<16xi32>
            %shift_right_arithmetic3A_1415 = arith.constant 10 : i32
            %shift_right_arithmetic3A_1416 = vector.broadcast %shift_right_arithmetic3A_1415 : i32 to vector<16xi32>
            %shift_right_arithmetic3A_1417 = arith.shrsi %add3A_1414, %shift_right_arithmetic3A_1416 : vector<16xi32>
            %and3A_1418 = arith.constant 1023 : i32
            %and3A_1419 = vector.broadcast %and3A_1418 : i32 to vector<16xi32>
            %and3A_1420 = arith.andi %add3A_1414, %and3A_1419 : vector<16xi32>
            %gather3A_1421 = tpu.vector_load_idx %arg10[%shift_right_arithmetic3A_1417, %and3A_1420] : memref<2x1024xf32, #tpu.memory_space<vmem>>[vector<16xi32>, vector<16xi32>], vector<16xf32>,
            %add3A_1422 = arith.addf %add3A_1411, %gather3A_1421 : vector<16xf32>
            %add3A_1423 = arith.constant 6 : i32
            %add3A_1424 = vector.broadcast %add3A_1423 : i32 to vector<16xi32>
            %add3A_1425 = arith.addi %mul3A_1356, %add3A_1424 : vector<16xi32>
            %shift_right_arithmetic3A_1426 = arith.constant 10 : i32
            %shift_right_arithmetic3A_1427 = vector.broadcast %shift_right_arithmetic3A_1426 : i32 to vector<16xi32>
            %shift_right_arithmetic3A_1428 = arith.shrsi %add3A_1425, %shift_right_arithmetic3A_1427 : vector<16xi32>
            %and3A_1429 = arith.constant 1023 : i32
            %and3A_1430 = vector.broadcast %and3A_1429 : i32 to vector<16xi32>
            %and3A_1431 = arith.andi %add3A_1425, %and3A_1430 : vector<16xi32>
            %gather3A_1432 = tpu.vector_load_idx %arg10[%shift_right_arithmetic3A_1428, %and3A_1431] : memref<2x1024xf32, #tpu.memory_space<vmem>>[vector<16xi32>, vector<16xi32>], vector<16xf32>,
            %add3A_1433 = arith.addf %add3A_1422, %gather3A_1432 : vector<16xf32>
            %add3A_1434 = arith.constant 7 : i32
            %add3A_1435 = vector.broadcast %add3A_1434 : i32 to vector<16xi32>
            %add3A_1436 = arith.addi %mul3A_1356, %add3A_1435 : vector<16xi32>
            %shift_right_arithmetic3A_1437 = arith.constant 10 : i32
            %shift_right_arithmetic3A_1438 = vector.broadcast %shift_right_arithmetic3A_1437 : i32 to vector<16xi32>
            %shift_right_arithmetic3A_1439 = arith.shrsi %add3A_1436, %shift_right_arithmetic3A_1438 : vector<16xi32>
            %and3A_1440 = arith.constant 1023 : i32
            %and3A_1441 = vector.broadcast %and3A_1440 : i32 to vector<16xi32>
            %and3A_1442 = arith.andi %add3A_1436, %and3A_1441 : vector<16xi32>
            %gather3A_1443 = tpu.vector_load_idx %arg10[%shift_right_arithmetic3A_1439, %and3A_1442] : memref<2x1024xf32, #tpu.memory_space<vmem>>[vector<16xi32>, vector<16xi32>], vector<16xf32>,
            %add3A_1444 = arith.addf %add3A_1433, %gather3A_1443 : vector<16xf32>
            %mul3A_1445 = vector.broadcast %squeeze3A_69 : f32 to vector<16xf32>
            %mul3A_1446 = arith.mulf %add3A_1444, %mul3A_1445 : vector<16xf32>
            %swap3A_1447 = arith.constant 64 : index
            %swap3A_1448 = tpu.vector_load %arg12[%swap3A_1447] {strides = array<i32>} : memref<128xf32, #tpu.memory_space<vmem>>, vector<16xf32>,
            tpu.vector_store %arg12[%swap3A_1447], %mul3A_1446 {strides = array<i32>} : memref<128xf32, #tpu.memory_space<vmem>>, vector<16xf32>,
            %broadcast_in_dim3A_1449 = arith.constant 0.000000e+00 : f32
            %broadcast_in_dim3A_1450 = vector.broadcast %broadcast_in_dim3A_1449 : f32 to vector<16xf32>
            %broadcast_in_dim3A_1451 = arith.constant 80 : i32
            %broadcast_in_dim3A_1452 = vector.broadcast %broadcast_in_dim3A_1451 : i32 to vector<16xi32>
            %add3A_1453 = arith.addi %broadcast_in_dim3A_1452, %iota3A : vector<16xi32>
            %mul3A_1454 = arith.constant 8 : i32
            %mul3A_1455 = vector.broadcast %mul3A_1454 : i32 to vector<16xi32>
            %mul3A_1456 = arith.muli %add3A_1453, %mul3A_1455 : vector<16xi32>
            %add3A_1457 = arith.constant 0 : i32
            %add3A_1458 = vector.broadcast %add3A_1457 : i32 to vector<16xi32>
            %add3A_1459 = arith.addi %mul3A_1456, %add3A_1458 : vector<16xi32>
            %shift_right_arithmetic3A_1460 = arith.constant 10 : i32
            %shift_right_arithmetic3A_1461 = vector.broadcast %shift_right_arithmetic3A_1460 : i32 to vector<16xi32>
            %shift_right_arithmetic3A_1462 = arith.shrsi %add3A_1459, %shift_right_arithmetic3A_1461 : vector<16xi32>
            %and3A_1463 = arith.constant 1023 : i32
            %and3A_1464 = vector.broadcast %and3A_1463 : i32 to vector<16xi32>
            %and3A_1465 = arith.andi %add3A_1459, %and3A_1464 : vector<16xi32>
            %gather3A_1466 = tpu.vector_load_idx %arg10[%shift_right_arithmetic3A_1462, %and3A_1465] : memref<2x1024xf32, #tpu.memory_space<vmem>>[vector<16xi32>, vector<16xi32>], vector<16xf32>,
            %add3A_1467 = arith.addf %broadcast_in_dim3A_1450, %gather3A_1466 : vector<16xf32>
            %add3A_1468 = arith.constant 1 : i32
            %add3A_1469 = vector.broadcast %add3A_1468 : i32 to vector<16xi32>
            %add3A_1470 = arith.addi %mul3A_1456, %add3A_1469 : vector<16xi32>
            %shift_right_arithmetic3A_1471 = arith.constant 10 : i32
            %shift_right_arithmetic3A_1472 = vector.broadcast %shift_right_arithmetic3A_1471 : i32 to vector<16xi32>
            %shift_right_arithmetic3A_1473 = arith.shrsi %add3A_1470, %shift_right_arithmetic3A_1472 : vector<16xi32>
            %and3A_1474 = arith.constant 1023 : i32
            %and3A_1475 = vector.broadcast %and3A_1474 : i32 to vector<16xi32>
            %and3A_1476 = arith.andi %add3A_1470, %and3A_1475 : vector<16xi32>
            %gather3A_1477 = tpu.vector_load_idx %arg10[%shift_right_arithmetic3A_1473, %and3A_1476] : memref<2x1024xf32, #tpu.memory_space<vmem>>[vector<16xi32>, vector<16xi32>], vector<16xf32>,
            %add3A_1478 = arith.addf %add3A_1467, %gather3A_1477 : vector<16xf32>
            %add3A_1479 = arith.constant 2 : i32
            %add3A_1480 = vector.broadcast %add3A_1479 : i32 to vector<16xi32>
            %add3A_1481 = arith.addi %mul3A_1456, %add3A_1480 : vector<16xi32>
            %shift_right_arithmetic3A_1482 = arith.constant 10 : i32
            %shift_right_arithmetic3A_1483 = vector.broadcast %shift_right_arithmetic3A_1482 : i32 to vector<16xi32>
            %shift_right_arithmetic3A_1484 = arith.shrsi %add3A_1481, %shift_right_arithmetic3A_1483 : vector<16xi32>
            %and3A_1485 = arith.constant 1023 : i32
            %and3A_1486 = vector.broadcast %and3A_1485 : i32 to vector<16xi32>
            %and3A_1487 = arith.andi %add3A_1481, %and3A_1486 : vector<16xi32>
            %gather3A_1488 = tpu.vector_load_idx %arg10[%shift_right_arithmetic3A_1484, %and3A_1487] : memref<2x1024xf32, #tpu.memory_space<vmem>>[vector<16xi32>, vector<16xi32>], vector<16xf32>,
            %add3A_1489 = arith.addf %add3A_1478, %gather3A_1488 : vector<16xf32>
            %add3A_1490 = arith.constant 3 : i32
            %add3A_1491 = vector.broadcast %add3A_1490 : i32 to vector<16xi32>
            %add3A_1492 = arith.addi %mul3A_1456, %add3A_1491 : vector<16xi32>
            %shift_right_arithmetic3A_1493 = arith.constant 10 : i32
            %shift_right_arithmetic3A_1494 = vector.broadcast %shift_right_arithmetic3A_1493 : i32 to vector<16xi32>
            %shift_right_arithmetic3A_1495 = arith.shrsi %add3A_1492, %shift_right_arithmetic3A_1494 : vector<16xi32>
            %and3A_1496 = arith.constant 1023 : i32
            %and3A_1497 = vector.broadcast %and3A_1496 : i32 to vector<16xi32>
            %and3A_1498 = arith.andi %add3A_1492, %and3A_1497 : vector<16xi32>
            %gather3A_1499 = tpu.vector_load_idx %arg10[%shift_right_arithmetic3A_1495, %and3A_1498] : memref<2x1024xf32, #tpu.memory_space<vmem>>[vector<16xi32>, vector<16xi32>], vector<16xf32>,
            %add3A_1500 = arith.addf %add3A_1489, %gather3A_1499 : vector<16xf32>
            %add3A_1501 = arith.constant 4 : i32
            %add3A_1502 = vector.broadcast %add3A_1501 : i32 to vector<16xi32>
            %add3A_1503 = arith.addi %mul3A_1456, %add3A_1502 : vector<16xi32>
            %shift_right_arithmetic3A_1504 = arith.constant 10 : i32
            %shift_right_arithmetic3A_1505 = vector.broadcast %shift_right_arithmetic3A_1504 : i32 to vector<16xi32>
            %shift_right_arithmetic3A_1506 = arith.shrsi %add3A_1503, %shift_right_arithmetic3A_1505 : vector<16xi32>
            %and3A_1507 = arith.constant 1023 : i32
            %and3A_1508 = vector.broadcast %and3A_1507 : i32 to vector<16xi32>
            %and3A_1509 = arith.andi %add3A_1503, %and3A_1508 : vector<16xi32>
            %gather3A_1510 = tpu.vector_load_idx %arg10[%shift_right_arithmetic3A_1506, %and3A_1509] : memref<2x1024xf32, #tpu.memory_space<vmem>>[vector<16xi32>, vector<16xi32>], vector<16xf32>,
            %add3A_1511 = arith.addf %add3A_1500, %gather3A_1510 : vector<16xf32>
            %add3A_1512 = arith.constant 5 : i32
            %add3A_1513 = vector.broadcast %add3A_1512 : i32 to vector<16xi32>
            %add3A_1514 = arith.addi %mul3A_1456, %add3A_1513 : vector<16xi32>
            %shift_right_arithmetic3A_1515 = arith.constant 10 : i32
            %shift_right_arithmetic3A_1516 = vector.broadcast %shift_right_arithmetic3A_1515 : i32 to vector<16xi32>
            %shift_right_arithmetic3A_1517 = arith.shrsi %add3A_1514, %shift_right_arithmetic3A_1516 : vector<16xi32>
            %and3A_1518 = arith.constant 1023 : i32
            %and3A_1519 = vector.broadcast %and3A_1518 : i32 to vector<16xi32>
            %and3A_1520 = arith.andi %add3A_1514, %and3A_1519 : vector<16xi32>
            %gather3A_1521 = tpu.vector_load_idx %arg10[%shift_right_arithmetic3A_1517, %and3A_1520] : memref<2x1024xf32, #tpu.memory_space<vmem>>[vector<16xi32>, vector<16xi32>], vector<16xf32>,
            %add3A_1522 = arith.addf %add3A_1511, %gather3A_1521 : vector<16xf32>
            %add3A_1523 = arith.constant 6 : i32
            %add3A_1524 = vector.broadcast %add3A_1523 : i32 to vector<16xi32>
            %add3A_1525 = arith.addi %mul3A_1456, %add3A_1524 : vector<16xi32>
            %shift_right_arithmetic3A_1526 = arith.constant 10 : i32
            %shift_right_arithmetic3A_1527 = vector.broadcast %shift_right_arithmetic3A_1526 : i32 to vector<16xi32>
            %shift_right_arithmetic3A_1528 = arith.shrsi %add3A_1525, %shift_right_arithmetic3A_1527 : vector<16xi32>
            %and3A_1529 = arith.constant 1023 : i32
            %and3A_1530 = vector.broadcast %and3A_1529 : i32 to vector<16xi32>
            %and3A_1531 = arith.andi %add3A_1525, %and3A_1530 : vector<16xi32>
            %gather3A_1532 = tpu.vector_load_idx %arg10[%shift_right_arithmetic3A_1528, %and3A_1531] : memref<2x1024xf32, #tpu.memory_space<vmem>>[vector<16xi32>, vector<16xi32>], vector<16xf32>,
            %add3A_1533 = arith.addf %add3A_1522, %gather3A_1532 : vector<16xf32>
            %add3A_1534 = arith.constant 7 : i32
            %add3A_1535 = vector.broadcast %add3A_1534 : i32 to vector<16xi32>
            %add3A_1536 = arith.addi %mul3A_1456, %add3A_1535 : vector<16xi32>
            %shift_right_arithmetic3A_1537 = arith.constant 10 : i32
            %shift_right_arithmetic3A_1538 = vector.broadcast %shift_right_arithmetic3A_1537 : i32 to vector<16xi32>
            %shift_right_arithmetic3A_1539 = arith.shrsi %add3A_1536, %shift_right_arithmetic3A_1538 : vector<16xi32>
            %and3A_1540 = arith.constant 1023 : i32
            %and3A_1541 = vector.broadcast %and3A_1540 : i32 to vector<16xi32>
            %and3A_1542 = arith.andi %add3A_1536, %and3A_1541 : vector<16xi32>
            %gather3A_1543 = tpu.vector_load_idx %arg10[%shift_right_arithmetic3A_1539, %and3A_1542] : memref<2x1024xf32, #tpu.memory_space<vmem>>[vector<16xi32>, vector<16xi32>], vector<16xf32>,
            %add3A_1544 = arith.addf %add3A_1533, %gather3A_1543 : vector<16xf32>
            %mul3A_1545 = vector.broadcast %squeeze3A_69 : f32 to vector<16xf32>
            %mul3A_1546 = arith.mulf %add3A_1544, %mul3A_1545 : vector<16xf32>
            %swap3A_1547 = arith.constant 80 : index
            %swap3A_1548 = tpu.vector_load %arg12[%swap3A_1547] {strides = array<i32>} : memref<128xf32, #tpu.memory_space<vmem>>, vector<16xf32>,
            tpu.vector_store %arg12[%swap3A_1547], %mul3A_1546 {strides = array<i32>} : memref<128xf32, #tpu.memory_space<vmem>>, vector<16xf32>,
            %broadcast_in_dim3A_1549 = arith.constant 0.000000e+00 : f32
            %broadcast_in_dim3A_1550 = vector.broadcast %broadcast_in_dim3A_1549 : f32 to vector<16xf32>
            %broadcast_in_dim3A_1551 = arith.constant 96 : i32
            %broadcast_in_dim3A_1552 = vector.broadcast %broadcast_in_dim3A_1551 : i32 to vector<16xi32>
            %add3A_1553 = arith.addi %broadcast_in_dim3A_1552, %iota3A : vector<16xi32>
            %mul3A_1554 = arith.constant 8 : i32
            %mul3A_1555 = vector.broadcast %mul3A_1554 : i32 to vector<16xi32>
            %mul3A_1556 = arith.muli %add3A_1553, %mul3A_1555 : vector<16xi32>
            %add3A_1557 = arith.constant 0 : i32
            %add3A_1558 = vector.broadcast %add3A_1557 : i32 to vector<16xi32>
            %add3A_1559 = arith.addi %mul3A_1556, %add3A_1558 : vector<16xi32>
            %shift_right_arithmetic3A_1560 = arith.constant 10 : i32
            %shift_right_arithmetic3A_1561 = vector.broadcast %shift_right_arithmetic3A_1560 : i32 to vector<16xi32>
            %shift_right_arithmetic3A_1562 = arith.shrsi %add3A_1559, %shift_right_arithmetic3A_1561 : vector<16xi32>
            %and3A_1563 = arith.constant 1023 : i32
            %and3A_1564 = vector.broadcast %and3A_1563 : i32 to vector<16xi32>
            %and3A_1565 = arith.andi %add3A_1559, %and3A_1564 : vector<16xi32>
            %gather3A_1566 = tpu.vector_load_idx %arg10[%shift_right_arithmetic3A_1562, %and3A_1565] : memref<2x1024xf32, #tpu.memory_space<vmem>>[vector<16xi32>, vector<16xi32>], vector<16xf32>,
            %add3A_1567 = arith.addf %broadcast_in_dim3A_1550, %gather3A_1566 : vector<16xf32>
            %add3A_1568 = arith.constant 1 : i32
            %add3A_1569 = vector.broadcast %add3A_1568 : i32 to vector<16xi32>
            %add3A_1570 = arith.addi %mul3A_1556, %add3A_1569 : vector<16xi32>
            %shift_right_arithmetic3A_1571 = arith.constant 10 : i32
            %shift_right_arithmetic3A_1572 = vector.broadcast %shift_right_arithmetic3A_1571 : i32 to vector<16xi32>
            %shift_right_arithmetic3A_1573 = arith.shrsi %add3A_1570, %shift_right_arithmetic3A_1572 : vector<16xi32>
            %and3A_1574 = arith.constant 1023 : i32
            %and3A_1575 = vector.broadcast %and3A_1574 : i32 to vector<16xi32>
            %and3A_1576 = arith.andi %add3A_1570, %and3A_1575 : vector<16xi32>
            %gather3A_1577 = tpu.vector_load_idx %arg10[%shift_right_arithmetic3A_1573, %and3A_1576] : memref<2x1024xf32, #tpu.memory_space<vmem>>[vector<16xi32>, vector<16xi32>], vector<16xf32>,
            %add3A_1578 = arith.addf %add3A_1567, %gather3A_1577 : vector<16xf32>
            %add3A_1579 = arith.constant 2 : i32
            %add3A_1580 = vector.broadcast %add3A_1579 : i32 to vector<16xi32>
            %add3A_1581 = arith.addi %mul3A_1556, %add3A_1580 : vector<16xi32>
            %shift_right_arithmetic3A_1582 = arith.constant 10 : i32
            %shift_right_arithmetic3A_1583 = vector.broadcast %shift_right_arithmetic3A_1582 : i32 to vector<16xi32>
            %shift_right_arithmetic3A_1584 = arith.shrsi %add3A_1581, %shift_right_arithmetic3A_1583 : vector<16xi32>
            %and3A_1585 = arith.constant 1023 : i32
            %and3A_1586 = vector.broadcast %and3A_1585 : i32 to vector<16xi32>
            %and3A_1587 = arith.andi %add3A_1581, %and3A_1586 : vector<16xi32>
            %gather3A_1588 = tpu.vector_load_idx %arg10[%shift_right_arithmetic3A_1584, %and3A_1587] : memref<2x1024xf32, #tpu.memory_space<vmem>>[vector<16xi32>, vector<16xi32>], vector<16xf32>,
            %add3A_1589 = arith.addf %add3A_1578, %gather3A_1588 : vector<16xf32>
            %add3A_1590 = arith.constant 3 : i32
            %add3A_1591 = vector.broadcast %add3A_1590 : i32 to vector<16xi32>
            %add3A_1592 = arith.addi %mul3A_1556, %add3A_1591 : vector<16xi32>
            %shift_right_arithmetic3A_1593 = arith.constant 10 : i32
            %shift_right_arithmetic3A_1594 = vector.broadcast %shift_right_arithmetic3A_1593 : i32 to vector<16xi32>
            %shift_right_arithmetic3A_1595 = arith.shrsi %add3A_1592, %shift_right_arithmetic3A_1594 : vector<16xi32>
            %and3A_1596 = arith.constant 1023 : i32
            %and3A_1597 = vector.broadcast %and3A_1596 : i32 to vector<16xi32>
            %and3A_1598 = arith.andi %add3A_1592, %and3A_1597 : vector<16xi32>
            %gather3A_1599 = tpu.vector_load_idx %arg10[%shift_right_arithmetic3A_1595, %and3A_1598] : memref<2x1024xf32, #tpu.memory_space<vmem>>[vector<16xi32>, vector<16xi32>], vector<16xf32>,
            %add3A_1600 = arith.addf %add3A_1589, %gather3A_1599 : vector<16xf32>
            %add3A_1601 = arith.constant 4 : i32
            %add3A_1602 = vector.broadcast %add3A_1601 : i32 to vector<16xi32>
            %add3A_1603 = arith.addi %mul3A_1556, %add3A_1602 : vector<16xi32>
            %shift_right_arithmetic3A_1604 = arith.constant 10 : i32
            %shift_right_arithmetic3A_1605 = vector.broadcast %shift_right_arithmetic3A_1604 : i32 to vector<16xi32>
            %shift_right_arithmetic3A_1606 = arith.shrsi %add3A_1603, %shift_right_arithmetic3A_1605 : vector<16xi32>
            %and3A_1607 = arith.constant 1023 : i32
            %and3A_1608 = vector.broadcast %and3A_1607 : i32 to vector<16xi32>
            %and3A_1609 = arith.andi %add3A_1603, %and3A_1608 : vector<16xi32>
            %gather3A_1610 = tpu.vector_load_idx %arg10[%shift_right_arithmetic3A_1606, %and3A_1609] : memref<2x1024xf32, #tpu.memory_space<vmem>>[vector<16xi32>, vector<16xi32>], vector<16xf32>,
            %add3A_1611 = arith.addf %add3A_1600, %gather3A_1610 : vector<16xf32>
            %add3A_1612 = arith.constant 5 : i32
            %add3A_1613 = vector.broadcast %add3A_1612 : i32 to vector<16xi32>
            %add3A_1614 = arith.addi %mul3A_1556, %add3A_1613 : vector<16xi32>
            %shift_right_arithmetic3A_1615 = arith.constant 10 : i32
            %shift_right_arithmetic3A_1616 = vector.broadcast %shift_right_arithmetic3A_1615 : i32 to vector<16xi32>
            %shift_right_arithmetic3A_1617 = arith.shrsi %add3A_1614, %shift_right_arithmetic3A_1616 : vector<16xi32>
            %and3A_1618 = arith.constant 1023 : i32
            %and3A_1619 = vector.broadcast %and3A_1618 : i32 to vector<16xi32>
            %and3A_1620 = arith.andi %add3A_1614, %and3A_1619 : vector<16xi32>
            %gather3A_1621 = tpu.vector_load_idx %arg10[%shift_right_arithmetic3A_1617, %and3A_1620] : memref<2x1024xf32, #tpu.memory_space<vmem>>[vector<16xi32>, vector<16xi32>], vector<16xf32>,
            %add3A_1622 = arith.addf %add3A_1611, %gather3A_1621 : vector<16xf32>
            %add3A_1623 = arith.constant 6 : i32
            %add3A_1624 = vector.broadcast %add3A_1623 : i32 to vector<16xi32>
            %add3A_1625 = arith.addi %mul3A_1556, %add3A_1624 : vector<16xi32>
            %shift_right_arithmetic3A_1626 = arith.constant 10 : i32
            %shift_right_arithmetic3A_1627 = vector.broadcast %shift_right_arithmetic3A_1626 : i32 to vector<16xi32>
            %shift_right_arithmetic3A_1628 = arith.shrsi %add3A_1625, %shift_right_arithmetic3A_1627 : vector<16xi32>
            %and3A_1629 = arith.constant 1023 : i32
            %and3A_1630 = vector.broadcast %and3A_1629 : i32 to vector<16xi32>
            %and3A_1631 = arith.andi %add3A_1625, %and3A_1630 : vector<16xi32>
            %gather3A_1632 = tpu.vector_load_idx %arg10[%shift_right_arithmetic3A_1628, %and3A_1631] : memref<2x1024xf32, #tpu.memory_space<vmem>>[vector<16xi32>, vector<16xi32>], vector<16xf32>,
            %add3A_1633 = arith.addf %add3A_1622, %gather3A_1632 : vector<16xf32>
            %add3A_1634 = arith.constant 7 : i32
            %add3A_1635 = vector.broadcast %add3A_1634 : i32 to vector<16xi32>
            %add3A_1636 = arith.addi %mul3A_1556, %add3A_1635 : vector<16xi32>
            %shift_right_arithmetic3A_1637 = arith.constant 10 : i32
            %shift_right_arithmetic3A_1638 = vector.broadcast %shift_right_arithmetic3A_1637 : i32 to vector<16xi32>
            %shift_right_arithmetic3A_1639 = arith.shrsi %add3A_1636, %shift_right_arithmetic3A_1638 : vector<16xi32>
            %and3A_1640 = arith.constant 1023 : i32
            %and3A_1641 = vector.broadcast %and3A_1640 : i32 to vector<16xi32>
            %and3A_1642 = arith.andi %add3A_1636, %and3A_1641 : vector<16xi32>
            %gather3A_1643 = tpu.vector_load_idx %arg10[%shift_right_arithmetic3A_1639, %and3A_1642] : memref<2x1024xf32, #tpu.memory_space<vmem>>[vector<16xi32>, vector<16xi32>], vector<16xf32>,
            %add3A_1644 = arith.addf %add3A_1633, %gather3A_1643 : vector<16xf32>
            %mul3A_1645 = vector.broadcast %squeeze3A_69 : f32 to vector<16xf32>
            %mul3A_1646 = arith.mulf %add3A_1644, %mul3A_1645 : vector<16xf32>
            %swap3A_1647 = arith.constant 96 : index
            %swap3A_1648 = tpu.vector_load %arg12[%swap3A_1647] {strides = array<i32>} : memref<128xf32, #tpu.memory_space<vmem>>, vector<16xf32>,
            tpu.vector_store %arg12[%swap3A_1647], %mul3A_1646 {strides = array<i32>} : memref<128xf32, #tpu.memory_space<vmem>>, vector<16xf32>,
            %broadcast_in_dim3A_1649 = arith.constant 0.000000e+00 : f32
            %broadcast_in_dim3A_1650 = vector.broadcast %broadcast_in_dim3A_1649 : f32 to vector<16xf32>
            %broadcast_in_dim3A_1651 = arith.constant 112 : i32
            %broadcast_in_dim3A_1652 = vector.broadcast %broadcast_in_dim3A_1651 : i32 to vector<16xi32>
            %add3A_1653 = arith.addi %broadcast_in_dim3A_1652, %iota3A : vector<16xi32>
            %mul3A_1654 = arith.constant 8 : i32
            %mul3A_1655 = vector.broadcast %mul3A_1654 : i32 to vector<16xi32>
            %mul3A_1656 = arith.muli %add3A_1653, %mul3A_1655 : vector<16xi32>
            %add3A_1657 = arith.constant 0 : i32
            %add3A_1658 = vector.broadcast %add3A_1657 : i32 to vector<16xi32>
            %add3A_1659 = arith.addi %mul3A_1656, %add3A_1658 : vector<16xi32>
            %shift_right_arithmetic3A_1660 = arith.constant 10 : i32
            %shift_right_arithmetic3A_1661 = vector.broadcast %shift_right_arithmetic3A_1660 : i32 to vector<16xi32>
            %shift_right_arithmetic3A_1662 = arith.shrsi %add3A_1659, %shift_right_arithmetic3A_1661 : vector<16xi32>
            %and3A_1663 = arith.constant 1023 : i32
            %and3A_1664 = vector.broadcast %and3A_1663 : i32 to vector<16xi32>
            %and3A_1665 = arith.andi %add3A_1659, %and3A_1664 : vector<16xi32>
            %gather3A_1666 = tpu.vector_load_idx %arg10[%shift_right_arithmetic3A_1662, %and3A_1665] : memref<2x1024xf32, #tpu.memory_space<vmem>>[vector<16xi32>, vector<16xi32>], vector<16xf32>,
            %add3A_1667 = arith.addf %broadcast_in_dim3A_1650, %gather3A_1666 : vector<16xf32>
            %add3A_1668 = arith.constant 1 : i32
            %add3A_1669 = vector.broadcast %add3A_1668 : i32 to vector<16xi32>
            %add3A_1670 = arith.addi %mul3A_1656, %add3A_1669 : vector<16xi32>
            %shift_right_arithmetic3A_1671 = arith.constant 10 : i32
            %shift_right_arithmetic3A_1672 = vector.broadcast %shift_right_arithmetic3A_1671 : i32 to vector<16xi32>
            %shift_right_arithmetic3A_1673 = arith.shrsi %add3A_1670, %shift_right_arithmetic3A_1672 : vector<16xi32>
            %and3A_1674 = arith.constant 1023 : i32
            %and3A_1675 = vector.broadcast %and3A_1674 : i32 to vector<16xi32>
            %and3A_1676 = arith.andi %add3A_1670, %and3A_1675 : vector<16xi32>
            %gather3A_1677 = tpu.vector_load_idx %arg10[%shift_right_arithmetic3A_1673, %and3A_1676] : memref<2x1024xf32, #tpu.memory_space<vmem>>[vector<16xi32>, vector<16xi32>], vector<16xf32>,
            %add3A_1678 = arith.addf %add3A_1667, %gather3A_1677 : vector<16xf32>
            %add3A_1679 = arith.constant 2 : i32
            %add3A_1680 = vector.broadcast %add3A_1679 : i32 to vector<16xi32>
            %add3A_1681 = arith.addi %mul3A_1656, %add3A_1680 : vector<16xi32>
            %shift_right_arithmetic3A_1682 = arith.constant 10 : i32
            %shift_right_arithmetic3A_1683 = vector.broadcast %shift_right_arithmetic3A_1682 : i32 to vector<16xi32>
            %shift_right_arithmetic3A_1684 = arith.shrsi %add3A_1681, %shift_right_arithmetic3A_1683 : vector<16xi32>
            %and3A_1685 = arith.constant 1023 : i32
            %and3A_1686 = vector.broadcast %and3A_1685 : i32 to vector<16xi32>
            %and3A_1687 = arith.andi %add3A_1681, %and3A_1686 : vector<16xi32>
            %gather3A_1688 = tpu.vector_load_idx %arg10[%shift_right_arithmetic3A_1684, %and3A_1687] : memref<2x1024xf32, #tpu.memory_space<vmem>>[vector<16xi32>, vector<16xi32>], vector<16xf32>,
            %add3A_1689 = arith.addf %add3A_1678, %gather3A_1688 : vector<16xf32>
            %add3A_1690 = arith.constant 3 : i32
            %add3A_1691 = vector.broadcast %add3A_1690 : i32 to vector<16xi32>
            %add3A_1692 = arith.addi %mul3A_1656, %add3A_1691 : vector<16xi32>
            %shift_right_arithmetic3A_1693 = arith.constant 10 : i32
            %shift_right_arithmetic3A_1694 = vector.broadcast %shift_right_arithmetic3A_1693 : i32 to vector<16xi32>
            %shift_right_arithmetic3A_1695 = arith.shrsi %add3A_1692, %shift_right_arithmetic3A_1694 : vector<16xi32>
            %and3A_1696 = arith.constant 1023 : i32
            %and3A_1697 = vector.broadcast %and3A_1696 : i32 to vector<16xi32>
            %and3A_1698 = arith.andi %add3A_1692, %and3A_1697 : vector<16xi32>
            %gather3A_1699 = tpu.vector_load_idx %arg10[%shift_right_arithmetic3A_1695, %and3A_1698] : memref<2x1024xf32, #tpu.memory_space<vmem>>[vector<16xi32>, vector<16xi32>], vector<16xf32>,
            %add3A_1700 = arith.addf %add3A_1689, %gather3A_1699 : vector<16xf32>
            %add3A_1701 = arith.constant 4 : i32
            %add3A_1702 = vector.broadcast %add3A_1701 : i32 to vector<16xi32>
            %add3A_1703 = arith.addi %mul3A_1656, %add3A_1702 : vector<16xi32>
            %shift_right_arithmetic3A_1704 = arith.constant 10 : i32
            %shift_right_arithmetic3A_1705 = vector.broadcast %shift_right_arithmetic3A_1704 : i32 to vector<16xi32>
            %shift_right_arithmetic3A_1706 = arith.shrsi %add3A_1703, %shift_right_arithmetic3A_1705 : vector<16xi32>
            %and3A_1707 = arith.constant 1023 : i32
            %and3A_1708 = vector.broadcast %and3A_1707 : i32 to vector<16xi32>
            %and3A_1709 = arith.andi %add3A_1703, %and3A_1708 : vector<16xi32>
            %gather3A_1710 = tpu.vector_load_idx %arg10[%shift_right_arithmetic3A_1706, %and3A_1709] : memref<2x1024xf32, #tpu.memory_space<vmem>>[vector<16xi32>, vector<16xi32>], vector<16xf32>,
            %add3A_1711 = arith.addf %add3A_1700, %gather3A_1710 : vector<16xf32>
            %add3A_1712 = arith.constant 5 : i32
            %add3A_1713 = vector.broadcast %add3A_1712 : i32 to vector<16xi32>
            %add3A_1714 = arith.addi %mul3A_1656, %add3A_1713 : vector<16xi32>
            %shift_right_arithmetic3A_1715 = arith.constant 10 : i32
            %shift_right_arithmetic3A_1716 = vector.broadcast %shift_right_arithmetic3A_1715 : i32 to vector<16xi32>
            %shift_right_arithmetic3A_1717 = arith.shrsi %add3A_1714, %shift_right_arithmetic3A_1716 : vector<16xi32>
            %and3A_1718 = arith.constant 1023 : i32
            %and3A_1719 = vector.broadcast %and3A_1718 : i32 to vector<16xi32>
            %and3A_1720 = arith.andi %add3A_1714, %and3A_1719 : vector<16xi32>
            %gather3A_1721 = tpu.vector_load_idx %arg10[%shift_right_arithmetic3A_1717, %and3A_1720] : memref<2x1024xf32, #tpu.memory_space<vmem>>[vector<16xi32>, vector<16xi32>], vector<16xf32>,
            %add3A_1722 = arith.addf %add3A_1711, %gather3A_1721 : vector<16xf32>
            %add3A_1723 = arith.constant 6 : i32
            %add3A_1724 = vector.broadcast %add3A_1723 : i32 to vector<16xi32>
            %add3A_1725 = arith.addi %mul3A_1656, %add3A_1724 : vector<16xi32>
            %shift_right_arithmetic3A_1726 = arith.constant 10 : i32
            %shift_right_arithmetic3A_1727 = vector.broadcast %shift_right_arithmetic3A_1726 : i32 to vector<16xi32>
            %shift_right_arithmetic3A_1728 = arith.shrsi %add3A_1725, %shift_right_arithmetic3A_1727 : vector<16xi32>
            %and3A_1729 = arith.constant 1023 : i32
            %and3A_1730 = vector.broadcast %and3A_1729 : i32 to vector<16xi32>
            %and3A_1731 = arith.andi %add3A_1725, %and3A_1730 : vector<16xi32>
            %gather3A_1732 = tpu.vector_load_idx %arg10[%shift_right_arithmetic3A_1728, %and3A_1731] : memref<2x1024xf32, #tpu.memory_space<vmem>>[vector<16xi32>, vector<16xi32>], vector<16xf32>,
            %add3A_1733 = arith.addf %add3A_1722, %gather3A_1732 : vector<16xf32>
            %add3A_1734 = arith.constant 7 : i32
            %add3A_1735 = vector.broadcast %add3A_1734 : i32 to vector<16xi32>
            %add3A_1736 = arith.addi %mul3A_1656, %add3A_1735 : vector<16xi32>
            %shift_right_arithmetic3A_1737 = arith.constant 10 : i32
            %shift_right_arithmetic3A_1738 = vector.broadcast %shift_right_arithmetic3A_1737 : i32 to vector<16xi32>
            %shift_right_arithmetic3A_1739 = arith.shrsi %add3A_1736, %shift_right_arithmetic3A_1738 : vector<16xi32>
            %and3A_1740 = arith.constant 1023 : i32
            %and3A_1741 = vector.broadcast %and3A_1740 : i32 to vector<16xi32>
            %and3A_1742 = arith.andi %add3A_1736, %and3A_1741 : vector<16xi32>
            %gather3A_1743 = tpu.vector_load_idx %arg10[%shift_right_arithmetic3A_1739, %and3A_1742] : memref<2x1024xf32, #tpu.memory_space<vmem>>[vector<16xi32>, vector<16xi32>], vector<16xf32>,
            %add3A_1744 = arith.addf %add3A_1733, %gather3A_1743 : vector<16xf32>
            %mul3A_1745 = vector.broadcast %squeeze3A_69 : f32 to vector<16xf32>
            %mul3A_1746 = arith.mulf %add3A_1744, %mul3A_1745 : vector<16xf32>
            %swap3A_1747 = arith.constant 112 : index
            %swap3A_1748 = tpu.vector_load %arg12[%swap3A_1747] {strides = array<i32>} : memref<128xf32, #tpu.memory_space<vmem>>, vector<16xf32>,
            tpu.vector_store %arg12[%swap3A_1747], %mul3A_1746 {strides = array<i32>} : memref<128xf32, #tpu.memory_space<vmem>>, vector<16xf32>,
            %mul3A_1749 = arith.constant 8 : i32
            %mul3A_1750 = arith.muli %while3A_925, %mul3A_1749 : i32
            %add3A_1751 = arith.constant 1 : i32
            %add3A_1752 = arith.addi %while3A_925, %add3A_1751 : i32
            %mul3A_1753 = arith.constant 8 : i32
            %mul3A_1754 = arith.muli %add3A_1752, %mul3A_1753 : i32
            %while3A_1755 = arith.constant false
            %while3A_1756:3 = scf.while (%while3A_1759 = %mul3A_1750, %while3A_1760 = %while3A_1755, %while3A_1761 = %while3A_927) : (i32, i1, i32) -> (i32, i1, i32) {
              %not3A = arith.constant true
              %not3A_1762 = arith.xori %while3A_1760, %not3A : i1
              %lt3A = arith.cmpi slt, %while3A_1759, %mul3A_1754 : i32
              %and3A_1763 = arith.andi %not3A_1762, %lt3A : i1
              scf.condition(%and3A_1763) %while3A_1759, %while3A_1760, %while3A_1761 : i32, i1, i32
            } do {
            ^bb0(%while3A_1759: i32, %while3A_1760: i1, %while3A_1761: i32):
              %mul3A_1762 = arith.constant 8 : i32
              %mul3A_1763 = arith.muli %while3A_925, %mul3A_1762 : i32
              %sub3A = arith.subi %while3A_1759, %mul3A_1763 : i32
              %mul3A_1764 = arith.constant 16 : i32
              %mul3A_1765 = arith.muli %sub3A, %mul3A_1764 : i32
              %get3A_1766 = arith.index_cast %mul3A_1765 : i32 to index
              %get3A_1767 = tpu.vector_load %arg11[%get3A_1766] {strides = array<i32>} : memref<128xf32, #tpu.memory_space<vmem>>, vector<16xf32>,
              %mul3A_1768 = arith.constant 8 : i32
              %mul3A_1769 = arith.muli %while3A_925, %mul3A_1768 : i32
              %sub3A_1770 = arith.subi %while3A_1759, %mul3A_1769 : i32
              %mul3A_1771 = arith.constant 16 : i32
              %mul3A_1772 = arith.muli %sub3A_1770, %mul3A_1771 : i32
              %get3A_1773 = arith.index_cast %mul3A_1772 : i32 to index
              %get3A_1774 = tpu.vector_load %arg12[%get3A_1773] {strides = array<i32>} : memref<128xf32, #tpu.memory_space<vmem>>, vector<16xf32>,
              %lt3A = arith.cmpf olt, %get3A_1767, %get3A_1774 : vector<16xf32>
              %all_reduce_ffs3A = tpu.all_reduce %lt3A {dim = 0 : i64, kind = #tpu.reduction_kind<find_first_set>} : vector<16xi1> -> vector<16xi32>
              %slice3A_1775 = vector.extract_strided_slice %all_reduce_ffs3A {offsets = [0], sizes = [1], strides = [1]} : vector<16xi32> to vector<1xi32>
              %squeeze3A_1776 = vector.extract %slice3A_1775[0] : i32 from vector<1xi32>
              %lt3A_1777 = arith.constant 16 : i32
              %lt3A_1778 = arith.cmpi slt, %squeeze3A_1776, %lt3A_1777 : i32
              %mul3A_1779 = arith.constant 16 : i32
              %mul3A_1780 = arith.muli %while3A_1759, %mul3A_1779 : i32
              %add3A_1781 = arith.addi %mul3A_1780, %squeeze3A_1776 : i32
              %select_n3A = arith.select %lt3A_1778, %add3A_1781, %while3A_1761 : i32
              %add3A_1782 = arith.constant 1 : i32
              %add3A_1783 = arith.addi %while3A_1759, %add3A_1782 : i32
              scf.yield %add3A_1783, %lt3A_1778, %select_n3A : i32, i1, i32
            }
            %add3A_1757 = arith.constant 1 : i32
            %add3A_1758 = arith.addi %while3A_925, %add3A_1757 : i32
            scf.yield %add3A_1758, %while3A_1756#1, %while3A_1756#2 : i32, i1, i32
          }
          %convert_element_type3A_922 = arith.extui %while3A_921#1 : i1 to i32
          %cond3A_923 = arith.constant 0 : i32
          %cond3A_924 = arith.cmpi ne, %convert_element_type3A_922, %cond3A_923 : i32
          scf.if %cond3A_924 {
            %and3A_925 = arith.constant -8 : i32
            %and3A_926 = arith.andi %while3A_921#2, %and3A_925 : i32
            %multiple_of3A = tpu.assume_multiple %and3A_926, 8 : i32
            %dma_start3A_927 = tpu.memref_slice %arg2[%multiple_of3A] : memref<9216xf32, #tpu.memory_space<hbm>> -> memref<16xf32, #tpu.memory_space<hbm>>
            %dma_start3A_928 = tpu.memref_slice %arg2[%multiple_of3A] : memref<9216xf32, #tpu.memory_space<hbm>> -> memref<16xf32, #tpu.memory_space<hbm>>
            tpu.enqueue_dma source(%dma_start3A_928 : memref<16xf32, #tpu.memory_space<hbm>>) target(%arg13 : memref<16xf32, #tpu.memory_space<vmem>>) target_semaphore(%arg16 : memref<!tpu.dma_semaphore, #tpu.memory_space<semaphore_mem>>)
            %dma_wait3A_929 = tpu.memref_slice %arg2[%multiple_of3A] : memref<9216xf32, #tpu.memory_space<hbm>> -> memref<16xf32, #tpu.memory_space<hbm>>
            %dma_wait3A_930 = tpu.memref_slice %arg2[%multiple_of3A] : memref<9216xf32, #tpu.memory_space<hbm>> -> memref<16xf32, #tpu.memory_space<hbm>>
            tpu.wait_dma2 semaphore(%arg16 : memref<!tpu.dma_semaphore, #tpu.memory_space<semaphore_mem>>) src(%dma_wait3A_930 : memref<16xf32, #tpu.memory_space<hbm>>) dst(%arg13 : memref<16xf32, #tpu.memory_space<vmem>>)
            %sub3A = arith.subi %while3A_921#2, %multiple_of3A : i32
            %broadcast_in_dim3A_931 = vector.broadcast %sub3A : i32 to vector<16xi32>
            %gather3A_932 = tpu.vector_load_idx %arg13[%broadcast_in_dim3A_931] : memref<16xf32, #tpu.memory_space<vmem>>[vector<16xi32>], vector<16xf32>,
            %slice3A_933 = vector.extract_strided_slice %gather3A_932 {offsets = [0], sizes = [1], strides = [1]} : vector<16xf32> to vector<1xf32>
            %squeeze3A_934 = vector.extract %slice3A_933[0] : f32 from vector<1xf32>
            %broadcast_in_dim3A_935 = vector.broadcast %scan3A_910 : i32 to vector<16xi32>
            %broadcast_in_dim3A_936 = vector.broadcast %squeeze3A_934 : f32 to vector<16xf32>
            %eq3A_937 = arith.constant 0 : i32
            %eq3A_938 = vector.broadcast %eq3A_937 : i32 to vector<16xi32>
            %eq3A_939 = arith.cmpi eq, %iota3A, %eq3A_938 : vector<16xi32>
            tpu.vector_store_idx %arg14[%broadcast_in_dim3A_935], %broadcast_in_dim3A_936 masked %eq3A_939 : memref<128xf32, #tpu.memory_space<vmem>>[vector<16xi32>], vector<16xf32>, vector<16xi1>
          } else {
          }
        } else {
        }
      }
      %scan3A_909 = arith.constant 128 : i32
    } else {
    }
    %dma_start3A_878 = tpu.memref_slice %arg5[%mul3A_2] : memref<4096xf32, #tpu.memory_space<hbm>> -> memref<128xf32, #tpu.memory_space<hbm>>
    %dma_start3A_879 = tpu.memref_slice %arg5[%mul3A_2] : memref<4096xf32, #tpu.memory_space<hbm>> -> memref<128xf32, #tpu.memory_space<hbm>>
    tpu.enqueue_dma source(%arg14 : memref<128xf32, #tpu.memory_space<vmem>>) target(%dma_start3A_879 : memref<128xf32, #tpu.memory_space<hbm>>) target_semaphore(%arg16 : memref<!tpu.dma_semaphore, #tpu.memory_space<semaphore_mem>>)
    %dma_wait3A_880 = tpu.memref_slice %arg5[%mul3A_2] : memref<4096xf32, #tpu.memory_space<hbm>> -> memref<128xf32, #tpu.memory_space<hbm>>
    %dma_wait3A_881 = tpu.memref_slice %arg5[%mul3A_2] : memref<4096xf32, #tpu.memory_space<hbm>> -> memref<128xf32, #tpu.memory_space<hbm>>
    tpu.wait_dma2 semaphore(%arg16 : memref<!tpu.dma_semaphore, #tpu.memory_space<semaphore_mem>>) src(%arg14 : memref<128xf32, #tpu.memory_space<vmem>>) dst(%dma_wait3A_881 : memref<128xf32, #tpu.memory_space<hbm>>)
    %broadcast_in_dim3A_882 = arith.constant 2.44140625E-4 : f32
    %broadcast_in_dim3A_883 = vector.broadcast %broadcast_in_dim3A_882 : f32 to vector<16xf32>
    %swap3A_884 = arith.constant 0 : index
    %swap3A_885 = tpu.vector_load %arg14[%swap3A_884] {strides = array<i32>} : memref<128xf32, #tpu.memory_space<vmem>>, vector<16xf32>,
    tpu.vector_store %arg14[%swap3A_884], %broadcast_in_dim3A_883 {strides = array<i32>} : memref<128xf32, #tpu.memory_space<vmem>>, vector<16xf32>,
    %swap3A_886 = arith.constant 16 : index
    %swap3A_887 = tpu.vector_load %arg14[%swap3A_886] {strides = array<i32>} : memref<128xf32, #tpu.memory_space<vmem>>, vector<16xf32>,
    tpu.vector_store %arg14[%swap3A_886], %broadcast_in_dim3A_883 {strides = array<i32>} : memref<128xf32, #tpu.memory_space<vmem>>, vector<16xf32>,
    %swap3A_888 = arith.constant 32 : index
    %swap3A_889 = tpu.vector_load %arg14[%swap3A_888] {strides = array<i32>} : memref<128xf32, #tpu.memory_space<vmem>>, vector<16xf32>,
    tpu.vector_store %arg14[%swap3A_888], %broadcast_in_dim3A_883 {strides = array<i32>} : memref<128xf32, #tpu.memory_space<vmem>>, vector<16xf32>,
    %swap3A_890 = arith.constant 48 : index
    %swap3A_891 = tpu.vector_load %arg14[%swap3A_890] {strides = array<i32>} : memref<128xf32, #tpu.memory_space<vmem>>, vector<16xf32>,
    tpu.vector_store %arg14[%swap3A_890], %broadcast_in_dim3A_883 {strides = array<i32>} : memref<128xf32, #tpu.memory_space<vmem>>, vector<16xf32>,
    %swap3A_892 = arith.constant 64 : index
    %swap3A_893 = tpu.vector_load %arg14[%swap3A_892] {strides = array<i32>} : memref<128xf32, #tpu.memory_space<vmem>>, vector<16xf32>,
    tpu.vector_store %arg14[%swap3A_892], %broadcast_in_dim3A_883 {strides = array<i32>} : memref<128xf32, #tpu.memory_space<vmem>>, vector<16xf32>,
    %swap3A_894 = arith.constant 80 : index
    %swap3A_895 = tpu.vector_load %arg14[%swap3A_894] {strides = array<i32>} : memref<128xf32, #tpu.memory_space<vmem>>, vector<16xf32>,
    tpu.vector_store %arg14[%swap3A_894], %broadcast_in_dim3A_883 {strides = array<i32>} : memref<128xf32, #tpu.memory_space<vmem>>, vector<16xf32>,
    %swap3A_896 = arith.constant 96 : index
    %swap3A_897 = tpu.vector_load %arg14[%swap3A_896] {strides = array<i32>} : memref<128xf32, #tpu.memory_space<vmem>>, vector<16xf32>,
    tpu.vector_store %arg14[%swap3A_896], %broadcast_in_dim3A_883 {strides = array<i32>} : memref<128xf32, #tpu.memory_space<vmem>>, vector<16xf32>,
    %swap3A_898 = arith.constant 112 : index
    %swap3A_899 = tpu.vector_load %arg14[%swap3A_898] {strides = array<i32>} : memref<128xf32, #tpu.memory_space<vmem>>, vector<16xf32>,
    tpu.vector_store %arg14[%swap3A_898], %broadcast_in_dim3A_883 {strides = array<i32>} : memref<128xf32, #tpu.memory_space<vmem>>, vector<16xf32>,
    %dma_start3A_900 = tpu.memref_slice %arg6[%mul3A_2] : memref<4096xf32, #tpu.memory_space<hbm>> -> memref<128xf32, #tpu.memory_space<hbm>>
    %dma_start3A_901 = tpu.memref_slice %arg6[%mul3A_2] : memref<4096xf32, #tpu.memory_space<hbm>> -> memref<128xf32, #tpu.memory_space<hbm>>
    tpu.enqueue_dma source(%arg14 : memref<128xf32, #tpu.memory_space<vmem>>) target(%dma_start3A_901 : memref<128xf32, #tpu.memory_space<hbm>>) target_semaphore(%arg16 : memref<!tpu.dma_semaphore, #tpu.memory_space<semaphore_mem>>)
    %dma_wait3A_902 = tpu.memref_slice %arg6[%mul3A_2] : memref<4096xf32, #tpu.memory_space<hbm>> -> memref<128xf32, #tpu.memory_space<hbm>>
    %dma_wait3A_903 = tpu.memref_slice %arg6[%mul3A_2] : memref<4096xf32, #tpu.memory_space<hbm>> -> memref<128xf32, #tpu.memory_space<hbm>>
    tpu.wait_dma2 semaphore(%arg16 : memref<!tpu.dma_semaphore, #tpu.memory_space<semaphore_mem>>) src(%arg14 : memref<128xf32, #tpu.memory_space<vmem>>) dst(%dma_wait3A_903 : memref<128xf32, #tpu.memory_space<hbm>>)
    return
  }
}

module attributes {stable_mosaic.version = 14 : i64} {
  func.func @_prep_kernel(%arg0: memref<10x8xf32, #tpu.memory_space<vmem>>, %arg1: memref<64x128xf32, #tpu.memory_space<vmem>>, %arg2: memref<1x1xf32, #tpu.memory_space<vmem>>, %arg3: memref<1x1xf32, #tpu.memory_space<vmem>>, %arg4: memref<1x1xf32, #tpu.memory_space<vmem>>, %arg5: memref<72x128xf32, #tpu.memory_space<vmem>>) attributes {dimension_semantics = [], scalar_prefetch = 0 : i64, scratch_operands = 0 : i64, tpu.core_type = #tpu.core_type<tc>} {
    %get3A = arith.constant 0 : index
    %get3A_0 = arith.constant 0 : index
    %get3A_1 = vector.load %arg4[%get3A, %get3A_0] : memref<1x1xf32, #tpu.memory_space<vmem>>, vector<1x1xf32>
    %get3A_2 = vector.extract %get3A_1[0, 0] : f32 from vector<1x1xf32>
    %get3A_3 = arith.constant 0 : index
    %get3A_4 = arith.constant 0 : index
    %get3A_5 = vector.load %arg2[%get3A_3, %get3A_4] : memref<1x1xf32, #tpu.memory_space<vmem>>, vector<1x1xf32>
    %get3A_6 = vector.extract %get3A_5[0, 0] : f32 from vector<1x1xf32>
    %get3A_7 = arith.constant 0 : index
    %get3A_8 = arith.constant 0 : index
    %get3A_9 = vector.load %arg3[%get3A_7, %get3A_8] : memref<1x1xf32, #tpu.memory_space<vmem>>, vector<1x1xf32>
    %get3A_10 = vector.extract %get3A_9[0, 0] : f32 from vector<1x1xf32>
    %get3A_11 = arith.constant 0 : index
    %get3A_12 = arith.constant 0 : index
    %get3A_13 = vector.load %arg0[%get3A_11, %get3A_12] : memref<10x8xf32, #tpu.memory_space<vmem>>, vector<10x8xf32>
    %reduce_sum3A = arith.constant dense<0.000000e+00> : vector<10xf32>
    %reduce_sum3A_14 = vector.multi_reduction <add>, %get3A_13, %reduce_sum3A [1] : vector<10x8xf32> to vector<10xf32>
    %reduce_max3A = vector.shape_cast %reduce_sum3A_14 : vector<10xf32> to vector<1x10xf32>
    %reduce_max3A_15 = arith.constant dense<0xFF800000> : vector<1xf32>
    %reduce_max3A_16 = vector.multi_reduction <maximumf>, %reduce_max3A, %reduce_max3A_15 [1] : vector<1x10xf32> to vector<1xf32>
    %reduce_max3A_17 = vector.shape_cast %reduce_max3A_16 : vector<1xf32> to vector<1x1xf32>
    %reduce_max3A_18 = vector.extract %reduce_max3A_17[0, 0] : f32 from vector<1x1xf32>
    %mul3A = arith.constant 5.000000e+00 : f32
    %mul3A_19 = arith.mulf %reduce_max3A_18, %mul3A : f32
    %mul3A_20 = arith.mulf %mul3A_19, %get3A_2 : f32
    %get3A_21 = arith.constant 0 : index
    %get3A_22 = arith.constant 0 : index
    %get3A_23 = vector.load %arg1[%get3A_21, %get3A_22] : memref<64x128xf32, #tpu.memory_space<vmem>>, vector<64x128xf32>
    %jit3A = arith.constant 0.000000e+00 : f32
    %jit3A_24 = arith.constant 0.99999988 : f32
    %max3A = vector.broadcast %jit3A : f32 to vector<64x128xf32>
    %max3A_25 = arith.maximumf %max3A, %get3A_23 : vector<64x128xf32>
    %min3A = vector.broadcast %jit3A_24 : f32 to vector<64x128xf32>
    %min3A_26 = arith.minimumf %min3A, %max3A_25 : vector<64x128xf32>
    %neg3A = arith.constant 0.000000e+00 : f32
    %neg3A_27 = vector.broadcast %neg3A : f32 to vector<64x128xf32>
    %neg3A_28 = arith.subf %neg3A_27, %min3A_26 : vector<64x128xf32>
    %log1p3A = math.log1p %neg3A_28 : vector<64x128xf32>
    %neg3A_29 = arith.constant 0.000000e+00 : f32
    %neg3A_30 = vector.broadcast %neg3A_29 : f32 to vector<64x128xf32>
    %neg3A_31 = arith.subf %neg3A_30, %log1p3A : vector<64x128xf32>
    %div3A = vector.broadcast %mul3A_20 : f32 to vector<64x128xf32>
    %div3A_32 = arith.divf %neg3A_31, %div3A : vector<64x128xf32>
    %iota3A = tpu.iota {dimensions = array<i32: 0>} : vector<128x128xi32>
    %iota3A_33 = tpu.iota {dimensions = array<i32: 1>} : vector<128x128xi32>
    %le3A = arith.cmpi sle, %iota3A, %iota3A_33 : vector<128x128xi32>
    %convert_element_type3A = arith.extui %le3A : vector<128x128xi1> to vector<128x128xi32>
    %convert_element_type3A_34 = arith.sitofp %convert_element_type3A : vector<128x128xi32> to vector<128x128xf32>
    %dot_general3A = arith.constant dense<0.000000e+00> : vector<64x128xf32>
    %dot_general3A_35 = tpu.matmul %div3A_32, %convert_element_type3A_34, %dot_general3A {dimension_numbers = #tpu.dot_dimension_numbers<[1], [0], [0], [1], [0, 0, 1, 1], [], []>, precision = #tpu.contract_precision<fp32>, transpose_lhs_hint = false} : vector<64x128xf32>, vector<128x128xf32>, vector<64x128xf32> -> vector<64x128xf32>
    %slice3A = vector.extract_strided_slice %dot_general3A_35 {offsets = [0, 127], sizes = [64, 1], strides = [1, 1]} : vector<64x128xf32> to vector<64x1xf32>
    %iota3A_36 = tpu.iota {dimensions = array<i32: 0>} : vector<64x64xi32>
    %iota3A_37 = tpu.iota {dimensions = array<i32: 1>} : vector<64x64xi32>
    %lt3A = arith.cmpi slt, %iota3A_37, %iota3A_36 : vector<64x64xi32>
    %convert_element_type3A_38 = arith.extui %lt3A : vector<64x64xi1> to vector<64x64xi32>
    %convert_element_type3A_39 = arith.sitofp %convert_element_type3A_38 : vector<64x64xi32> to vector<64x64xf32>
    %dot_general3A_40 = arith.constant dense<0.000000e+00> : vector<64x1xf32>
    %dot_general3A_41 = tpu.matmul %convert_element_type3A_39, %slice3A, %dot_general3A_40 {dimension_numbers = #tpu.dot_dimension_numbers<[1], [0], [0], [1], [0, 0, 1, 1], [], []>, precision = #tpu.contract_precision<fp32>, transpose_lhs_hint = false} : vector<64x64xf32>, vector<64x1xf32>, vector<64x1xf32> -> vector<64x1xf32>
    %add3A = vector.broadcast %dot_general3A_41 : vector<64x1xf32> to vector<64x128xf32>
    %add3A_42 = arith.addf %dot_general3A_35, %add3A : vector<64x128xf32>
    %add3A_43 = vector.broadcast %get3A_6 : f32 to vector<64x128xf32>
    %add3A_44 = arith.addf %add3A_42, %add3A_43 : vector<64x128xf32>
    %slice3A_45 = vector.extract_strided_slice %add3A_44 {offsets = [63, 127], sizes = [1, 1], strides = [1, 1]} : vector<64x128xf32> to vector<1x1xf32>
    %squeeze3A = vector.extract %slice3A_45[0, 0] : f32 from vector<1x1xf32>
    %gt3A = arith.cmpf ogt, %squeeze3A, %get3A_10 : f32
    %select_n3A = arith.select %gt3A, %squeeze3A, %get3A_10 : f32
    %swap3A = arith.constant 0 : index
    %swap3A_46 = arith.constant 0 : index
    %swap3A_47 = vector.load %arg5[%swap3A, %swap3A_46] : memref<72x128xf32, #tpu.memory_space<vmem>>, vector<64x128xf32>
    tpu.vector_store %arg5[%swap3A, %swap3A_46], %add3A_44 {strides = array<i32>} : memref<72x128xf32, #tpu.memory_space<vmem>>, vector<64x128xf32>,
    %broadcast_in_dim3A = vector.broadcast %select_n3A : f32 to vector<8x128xf32>
    %swap3A_48 = arith.constant 64 : index
    %swap3A_49 = arith.constant 0 : index
    %swap3A_50 = vector.load %arg5[%swap3A_48, %swap3A_49] : memref<72x128xf32, #tpu.memory_space<vmem>>, vector<8x128xf32>
    tpu.vector_store %arg5[%swap3A_48, %swap3A_49], %broadcast_in_dim3A {strides = array<i32>} : memref<72x128xf32, #tpu.memory_space<vmem>>, vector<8x128xf32>,
    %div3A_51 = arith.divf %get3A_2, %mul3A_20 : f32
    %broadcast_in_dim3A_52 = vector.broadcast %div3A_51 : f32 to vector<1x128xf32>
    %swap3A_53 = arith.constant 65 : index
    %swap3A_54 = arith.constant 0 : index
    %swap3A_55 = vector.load %arg5[%swap3A_53, %swap3A_54] : memref<72x128xf32, #tpu.memory_space<vmem>>, vector<1x128xf32>
    tpu.vector_store %arg5[%swap3A_53, %swap3A_54], %broadcast_in_dim3A_52 {strides = array<i32>} : memref<72x128xf32, #tpu.memory_space<vmem>>, vector<1x128xf32>,
    return
  }
}

</mosaic_0001>

<sc_bundles>
// kernel: kernel.4.cloned.1.call-start
scs
__scs_entry_jumppad:
0x0: {  	(pc) =	sbr.rel $0x88, $3  }
0x1: {  	(tag) =	ssettag $0x0;
	lr =	simm.s32 $0x1  }
0x2: {  	[smem:$0x3F9A] =	sst lr;
	_ =	strace $0xD0000000  }
0x3: {  	_ = 	snop  }
0x4: {  	_ = 	snop  }
0x5: {  	_ = 	snop  }
0x6: {  	_ = 	snop  }
0x7: {  	_ = 	snop  }
__scs_overlays_trampoline_lowered:
0x8: {  	[smem:$0x3FA9] =	sst s0  }
0x9: {  	[smem:$0x3FAA] =	sst s1  }
0xa: {  	[smem:$0x3FAB] =	sst s2  }
0xb: {  	[smem:$0x3FAC] =	sst s3  }
0xc: {  	[smem:$0x3FAD] =	sst s4  }
0xd: {  	[smem:$0x3FAE] =	sst s5  }
0xe: {  	[smem:$0x3FAF] =	sst s6  }
0xf: {  	[smem:$0x3FB0] =	sst s7  }
0x10: {  	[smem:$0x3FB1] =	sst s8  }
0x11: {  	[smem:$0x3FB2] =	sst s9;
	s0 =	simm.s32 @!p0 $0x0  }
0x12: {  	s1 =	sld [smem:$0x3F98];
	s0 =	simm.s32 @p0 $0x1  }
0x13: {  	[smem:$0x3FB3] =	sst s0;
	s0 =	simm.s32 @!p1 $0x0  }
0x14: {  	s2 =	sld [smem:$0x3F97];
	s0 =	simm.s32 @p1 $0x1  }
0x15: {  	[smem:$0x3FB4] =	sst s0;
	s0 =	simm.s32 @!p2 $0x0  }
0x16: {  	s3 =	sld [smem:$0x3FDB];
	s0 =	simm.s32 @p2 $0x1  }
0x17: {  	s4 =	simm.s32 $0x1BF5;
	[smem:$0x3FB6] =	sst s0  }
0x18: {  	s0 =	sld [smem:$0x3F99];
	_ =	swait.ge [sflag:s4], $0x0  }
0x19: {  	s7 =	sld [smem:$0x3F9A]  }
0x1a: {  	s8 =	sadd.s32 $0xFFFFE003, lr  }
0x1b: {  	s9 =	sadd.s32 $0xFFFFFEF7, lr;
	s5 =	simm.s32 $0xFFFFFFFF;
	p2 =	slt.u32 s8, $0xFFFFF086  }
0x1c: {  	p1 =	slt.u32 s9, $0xF7A;
	s5 =	simm.s32 @!p2 $0x0  }
0x1d: {  	s5 =	simm.s32 @p1 $0x1;
	p0 =	seq.s32 s7, s2  }
0x1e: {  	s7 =	smul.u32 @!p0 $0xF7A, s2;
	p2 =	seq.s32 @!p0 s5, $0x0  }
0x1f: {  	s9 =	smul.u32 $0xF7A, s1;
	s8 =	simm.s32 @!p0 $0x1BF5;
	p2 =	por !p2, p0  }
0x20: {  	[sflag:s8] =	ssyncset.s32 @!p0 $0xFFFFF086;
	s6 =	sadd.s32 @!p0 s3, s7;
	s7 =	simm.s32 @!p0 $0x108  }
0x21: {  	s3 =	sadd.s32 s3, s9;
	s6 =	sadd.s32 @!p0 $0x88, s6;
	s7 =	simm.s32 @p2 $0x1082  }
0x22: {  	[simem:s7], [sflag:s8] =	dma.local @!p0 [hbm:s6], $0xF7A  }
0x23: {  	s9 =	sor.u32 $0xD0000000, s2;
	s6 =	simm.s32 $0x108;
	_ =	swait.ge @!p0 [sflag:s8], $0x0  }
0x24: {  	s3 =	sadd.s32 $0x88, s3;
	s6 =	simm.s32 @!p1 $0x1082;
	[sflag:s4] =	ssyncset.s32 $0xFFFFF086  }
0x25: {  	[simem:s6], [sflag:s4] =	dma.local [hbm:s3], $0xF7A  }
0x26: {  	[smem:$0x3F9A] =	sst s1;
	(tag) =	ssettag s2;
	_ =	strace s9  }
0x27: {  	s1 =	sld [smem:$0x3FAA]  }
0x28: {  	s2 =	sld [smem:$0x3FAB]  }
0x29: {  	s4 =	sld [smem:$0x3FAD]  }
0x2a: {  	p0 =	seq.s32 s5, $0x0;
	s5 =	sld [smem:$0x3FAE]  }
0x2b: {  	s6 =	sld [smem:$0x3FAF]  }
0x2c: {  	s7 =	sld [smem:$0x3FB0]  }
0x2d: {  	s3 =	simm.s32 $0x108;
	s8 =	sld [smem:$0x3FB1]  }
0x2e: {  	s3 =	simm.s32 @!p0 $0x1082;
	s9 =	sld [smem:$0x3FB2]  }
0x2f: {  	lr =	sadd.s32 s0, s3;
	s0 =	sld [smem:$0x3FA9]  }
0x30: {  	s3 =	sld [smem:$0x3FAC]  }
0x31: {  	[smem:$0x3FB5] =	sst s10  }
0x32: {  	s10 =	sld [smem:$0x3FB3];
	_ =	sdelay $0x3  }
0x33: {  	p0 =	seq.s32 s10, $0x1;
	s10 =	sld [smem:$0x3FB5];
	_ =	sdelay $0x3  }
0x34: {  	[smem:$0x3FB5] =	sst s10  }
0x35: {  	s10 =	sld [smem:$0x3FB4];
	_ =	sdelay $0x3  }
0x36: {  	p1 =	seq.s32 s10, $0x1;
	s10 =	sld [smem:$0x3FB5];
	_ =	sdelay $0x3  }
0x37: {  	[smem:$0x3FB5] =	sst s10  }
0x38: {  	s10 =	sld [smem:$0x3FB6]  }
0x39: {  	_ = 	snop;
	(pc) =	sbr.ind lr, $3  }
0x3a: {  	_ = 	snop  }
0x3b: {  	_ = 	snop  }
0x3c: {  	p2 =	seq.s32 s10, $0x1;
	s10 =	sld [smem:$0x3FB5]  }
0x3d: {  	_ =	shalt  }
0x3e: {  	_ =	shalt  }
0x3f: {  	_ =	shalt  }
0x40: {  	_ =	shalt  }
0x41: {  	_ =	shalt  }
0x42: {  	_ =	shalt  }
0x43: {  	_ =	shalt  }
0x44: {  	_ =	shalt  }
0x45: {  	_ =	shalt  }
0x46: {  	_ =	shalt  }
0x47: {  	_ =	shalt  }
0x48: {  	_ =	shalt  }
0x49: {  	_ =	shalt  }
0x4a: {  	_ =	shalt  }
0x4b: {  	_ =	shalt  }
0x4c: {  	_ =	shalt  }
0x4d: {  	_ =	shalt  }
0x4e: {  	_ =	shalt  }
0x4f: {  	_ =	shalt  }
0x50: {  	_ =	shalt  }
0x51: {  	_ =	shalt  }
0x52: {  	_ =	shalt  }
0x53: {  	_ =	shalt  }
0x54: {  	_ =	shalt  }
0x55: {  	_ =	shalt  }
0x56: {  	_ =	shalt  }
0x57: {  	_ =	shalt  }
0x58: {  	_ =	shalt  }
0x59: {  	_ =	shalt  }
0x5a: {  	_ =	shalt  }
0x5b: {  	_ =	shalt  }
0x5c: {  	_ =	shalt  }
0x5d: {  	_ =	shalt  }
0x5e: {  	_ =	shalt  }
0x5f: {  	_ =	shalt  }
0x60: {  	_ =	shalt  }
0x61: {  	_ =	shalt  }
0x62: {  	_ =	shalt  }
0x63: {  	_ =	shalt  }
0x64: {  	_ =	shalt  }
0x65: {  	_ =	shalt  }
0x66: {  	_ =	shalt  }
0x67: {  	_ =	shalt  }
0x68: {  	_ =	shalt  }
0x69: {  	_ =	shalt  }
0x6a: {  	_ =	shalt  }
0x6b: {  	_ =	shalt  }
0x6c: {  	_ =	shalt  }
0x6d: {  	_ =	shalt  }
0x6e: {  	_ =	shalt  }
0x6f: {  	_ =	shalt  }
0x70: {  	_ =	shalt  }
0x71: {  	_ =	shalt  }
0x72: {  	_ =	shalt  }
0x73: {  	_ =	shalt  }
0x74: {  	_ =	shalt  }
0x75: {  	_ =	shalt  }
0x76: {  	_ =	shalt  }
0x77: {  	_ =	shalt  }
0x78: {  	_ =	shalt  }
0x79: {  	_ =	shalt  }
0x7a: {  	_ =	shalt  }
0x7b: {  	_ =	shalt  }
0x7c: {  	_ =	shalt  }
0x7d: {  	_ =	shalt  }
0x7e: {  	_ =	shalt  }
0x7f: {  	_ =	shalt  }
0x80: {  	_ =	shalt  }
0x81: {  	_ =	shalt  }
0x82: {  	_ =	shalt  }
0x83: {  	_ =	shalt  }
0x84: {  	_ =	shalt  }
0x85: {  	_ =	shalt  }
0x86: {  	_ =	shalt  }
0x87: {  	_ =	shalt  }
.Lfunc_end0:
.L_simem_size_0:
called_computation_lowered:
.L_overlay_start_0:
0x88: {  	s2 =	sld [smem:$0x3FD9]  }
0x89: {  	s3 =	sld [smem:$0x3FFE];
	_ =	sdelay $0x1  }
0x8a: {  	s1 =	srdreg.scid  }
0x8b: {  	s0 =	sand.u32 $0x1, s1  }
0x8c: {  	s14 =	sshll.u32 s0, $0xA;
	s2 =	sadd.s32 s3, s2  }
0x8d: {  	s2 =	sadd.s32 s2, s14  }
0x8e: {  	[smem:$0x3FC1] =	sst s2  }
0x8f: {  	_ = 	snop  }
0x90: {  	s2 =	sld [smem:$0x3FD0];
	_ =	sdelay $0x2  }
0x91: {  	s4 =	simm.s32 $0xA;
	s5 =	simm.s32 $0x10;
	s15 =	sld [smem:$0x3FC6]  }
0x92: {  	[smem:s5], [sflag:s4] =	dma.local [hbm:s2], $0x1  }
0x93: {  	_ =	swait.eq [sflag:s4], $0x1  }
0x94: {  	[sflag:s4] =	ssyncset.done $0x0  }
0x95: {  	s16 =	sld [smem:$0x10];
	[sflag:s4] =	ssyncadd.s32 $0xFFFFFFFF  }
0x96: {  	s17 =	sld [smem:$0x11];
	(tm) =	ssettm $0x1  }
0x97: {  	s18 =	sld [smem:$0x3FFB];
	_ =	sdelay $0x3  }
0x98: {  	_ =	strace s18  }
0x99: {  	s5 =	sld [smem:$0x3FFC];
	_ =	sdelay $0x3  }
0x9a: {  	_ =	strace s5  }
0x9b: {  	s5 =	sld [smem:$0x3FFD];
	_ =	sdelay $0x3  }
0x9c: {  	_ =	strace s5  }
0x9d: {  	_ =	strace $0x8FFFFFFF  }
0x9e: {  	s19 =	sld [smem:$0x3FDB];
	_ =	sdelay $0x1  }
0x9f: {  	s6 =	simm.s32 $_scs_section_size  }
0xa0: {  	s7 =	simm.s32 $_size__tile_overlayer_lowered;
	s8 =	simm.s32 $_tile_overlayer_lowered  }
0xa1: {  	s22 =	simm.s32 $0x1BFF;
	s21 =	sshll.u32 s8, $0x1;
	s5 =	sadd.s32 s6, s19  }
0xa2: {  	s9 =	simm.s32 $0x0;
	s20 =	sshll.u32 s7, $0x1;
	s7 =	sadd.s32 s21, s5  }
0xa3: {  	[timem:s9], [sflag:s22] =	dma.local [hbm:s7], s20  }
0xa4: {  	_ =	swait.ge [sflag:s22], s20  }
0xa5: {  	s6 =	ssub.s32 $0x0, s20;
	[sflag:s22] =	ssyncset.done $0x0  }
0xa6: {  	[sflag:s22] =	ssyncadd.s32 s6;
	_ =	sdelay $0x1  }
0xa7: {  	s23 =	simm.s32 $0x1B8B  }
0xa8: {  	_ =	swait.ge [sflag:s23], $0x1  }
0xa9: {  	[sflag:s23] =	ssyncset.done $0x0  }
0xaa: {  	s25 =	simm.s32 $0x1B8E;
	s24 =	sld [smem:$0x3FFE];
	[sflag:s23] =	ssyncadd.s32 $0xFFFFFFFF  }
0xab: {  	s26 =	simm.s32 $execute0_lowered;
	[smem:$0x3FD2] =	sst s25  }
0xac: {  	s7 =	sshll.u32 s26, $0x1;
	_ =	strace $0x80000046;
	[dreg:$0x1] =	wrdreg $0xFFFFFFFF  }
0xad: {  	s28 =	simm.s32 $_size_execute0_lowered;
	s5 =	sadd.s32 s5, s7;
	[dreg:$0x0] =	wrdreg $0x0  }
0xae: {  	s7 =	sshll.u32 s28, $0x1;
	[dreg:$0x2] =	wrdreg s5  }
0xaf: {  	[dreg:$0x3] =	wrdreg s7  }
0xb0: {  	[dreg:$0x4] =	wrdreg $0xC0  }
0xb1: {  	_ =	task [dreg:s9], $0x5FFFF  }
0xb2: {  	[dreg:$0x1] =	wrdreg $0xFFFFFFFF  }
0xb3: {  	[dreg:$0x0] =	wrdreg $0x60  }
0xb4: {  	[dreg:$0x2] =	wrdreg s24  }
0xb5: {  	[dreg:$0x3] =	wrdreg s15  }
0xb6: {  	[dreg:$0x4] =	wrdreg s16  }
0xb7: {  	[dreg:$0x5] =	wrdreg s17  }
0xb8: {  	[dreg:$0x6] =	wrdreg $0x9  }
0xb9: {  	_ =	task.clear_ibuf [dreg:s9], $0x7FFFF;
	_ =	strace $0x90000046  }
0xba: {  	s29 =	simm.s32 $0x9;
	_ =	strace $0x80000048  }
0xbb: {  	_ =	swait.ge [sflag:s29], $0x1  }
0xbc: {  	[sflag:s29] =	ssyncadd.s32 $0xFFFFFFFF  }
0xbd: {  	_ =	strace $0x90000048  }
0xbe: {  	_ =	sfence  }
0xbf: {  	s30 =	sld [smem:$0x0];
	_ =	sdelay $0x2  }
0xc0: {  	s31 =	sshll.u32 s1, $0xD;
	s1 =	sshrl.u32 s1, $0x2  }
0xc1: {  	s3 =	sand.u32 $0x4000, s31;
	s1 =	sadd.s32 s1, s30  }
0xc2: {  	s0 =	sor.u32 s3, s0;
	s1 =	sshll.u32 s1, $0x11  }
0xc3: {  	s0 =	sor.u32 s1, s0  }
0xc4: {  	s0 =	sadd.s32 $0x8F2B, s0  }
0xc5: {  	[sflag:s0] =	ssyncadd.remote.s32 $0x1  }
0xc6: {  	_ =	sfence.sel $0xFFFF  }
0xc7: {  	[dreg:$0x0] =	wrdreg $0xFFFFFFFF;
	(pc) =	sbr.abs _section_cstart, $3  }
0xc8: {  	[dreg:$0x1] =	wrdreg $0xFFFFFFFF  }
0xc9: {  	_ =	task.clear_ibuf [dreg:s9], $0x2FFFF;
	_ =	strace $0x9FFFFFFF  }
0xca: {  	(tm) =	ssettm $0x7FFFFFFF  }
0xcb: {  	_ =	shalt  }
tec
execute0_lowered:
.L_overlay_start_1:
0x0: {  	(tag) =	ssettag $0x1  }
0x1: {  	v0 =	vlaneseq.u32  }
0x2: {  	v6 =	vmul.u32 $0x8, v0;
	_ =	sdelay $0x1  }
0x3: {  	v7 =	vor.u32 $0x1, v6;
	v8 =	vor.u32 $0x2, v6;
	v9 =	vor.u32 $0x3, v6  }
0x4: {  	v10 =	vor.u32 $0x4, v6;
	v11 =	vor.u32 $0x5, v6;
	v12 =	vor.u32 $0x6, v6  }
0x5: {  	v13 =	vor.u32 $0x7, v6;
	v14 =	vor.u32 $0x100, v6;
	v0 =	vor.u32 $0x101, v6  }
0x6: {  	v15 =	vor.u32 $0x106, v6;
	v16 =	vor.u32 $0x107, v6;
	v17 =	vor.u32 $0x200, v6  }
0x7: {  	v18 =	vor.u32 $0x201, v6;
	v19 =	vor.u32 $0x202, v6;
	v20 =	vor.u32 $0x203, v6  }
0x8: {  	v21 =	vor.u32 $0x204, v6;
	v22 =	vor.u32 $0x205, v6;
	v23 =	vor.u32 $0x206, v6  }
0x9: {  	v24 =	vor.u32 $0x207, v6;
	v25 =	vor.u32 $0x300, v6;
	v26 =	vor.u32 $0x301, v6  }
0xa: {  	s1 =	rddreg [dreg:$0x0];
	v27 =	vor.u32 $0x302, v6;
	v28 =	vor.u32 $0x303, v6;
	[tilespmem:$0x1FF20] =	vst v0;
	v0 =	vor.u32 $0x102, v6  }
0xb: {  	s0 =	rddreg [dreg:$0x1];
	v29 =	vor.u32 $0x304, v6;
	v30 =	vor.u32 $0x305, v6;
	[tilespmem:$0x1FF30] =	vst v0;
	v0 =	vor.u32 $0x103, v6  }
0xc: {  	s4 =	rddreg [dreg:$0x2];
	v31 =	vor.u32 $0x306, v6;
	v32 =	vor.u32 $0x307, v6;
	[tilespmem:$0x1FF40] =	vst v0;
	v0 =	vor.u32 $0x104, v6  }
0xd: {  	s11 =	rddreg [dreg:$0x3];
	s2 =	simm.s32 $0x0;
	s16 =	simm.s32 $0x400;
	v33 =	vor.u32 $0x400, v6;
	v34 =	vor.u32 $0x401, v6;
	[tilespmem:$0x1FF50] =	vst v0;
	v0 =	vor.u32 $0x105, v6  }
0xe: {  	s17 =	simm.s32 $0x4200;
	[smem:$0x7FF] =	sst s2;
	v35 =	vor.u32 $0x402, v6;
	v36 =	vor.u32 $0x403, v6;
	v37 =	vor.u32 $0x404, v6;
	[tilespmem:$0x1FF60] =	vst v0  }
0xf: {  	s5 =	srdreg.scid;
	s9 =	stileid.u32;
	v38 =	vor.u32 $0x405, v6;
	v39 =	vor.u32 $0x406, v6;
	v40 =	vor.u32 $0x407, v6;
	_ =	strace $0x80000047;
	[tilespmem:$0x1FF70] =	vst v6  }
0x10: {  	s19 =	simm.s32 $0x200;
	s20 =	simm.s32 $0x1;
	s21 =	simm.s32 $0x4C00;
	v41 =	vor.u32 $0x500, v6;
	v42 =	vor.u32 $0x501, v6;
	v43 =	vor.u32 $0x502, v6;
	[tilespmem:$0x1FF80] =	vst v7  }
0x11: {  	s22 =	simm.s32 $0x4B80;
	s23 =	simm.s32 $0x0;
	s6 =	sand.u32 $0x1, s5;
	v44 =	vor.u32 $0x503, v6;
	v45 =	vor.u32 $0x504, v6;
	v46 =	vor.u32 $0x505, v6;
	[tilespmem:$0x1FF90] =	vst v8  }
0x12: {  	s3 =	sadd.s32 $0x2A00, s1;
	s9 =	sshll.u32 s9, $0x8;
	s7 =	ssub.s32 $0x2, s6;
	v47 =	vor.u32 $0x506, v6;
	v48 =	vor.u32 $0x507, v6;
	v49 =	vor.u32 $0x600, v6;
	[tilespmem:$0x1FFA0] =	vst v9  }
.Ltmp0:
0x13: {  	s6 =	sshll.u32 s6, $0x7;
	s8 =	sshrl.u32 s7, $0x1;
	v50 =	vor.u32 $0x601, v6;
	v51 =	vor.u32 $0x602, v6;
	v52 =	vor.u32 $0x603, v6;
	[tilespmem:$0x1FFB0] =	vst v10;
	(pc) =	sbr.rel .LBB2_1-.Ltmp0, $4  }
0x14: {  	s5 =	sadd.s32 $0xA00, s1;
	s6 =	sor.u32 s6, s9;
	v53 =	vor.u32 $0x604, v6;
	v54 =	vor.u32 $0x605, v6;
	v55 =	vor.u32 $0x606, v6;
	s12 =	ssub.s32 s7, s8;
	[tilespmem:$0x1FFC0] =	vst v11  }
0x15: {  	v56 =	vor.u32 $0x607, v6;
	v57 =	vor.u32 $0x700, v6;
	v58 =	vor.u32 $0x701, v6;
	s7 =	sadd.s32 $0x2E00, s1;
	s31 =	sshll.u32 s6, $0xA;
	s13 =	sshrl.u32 s6, $0x3;
	[tilespmem:$0x1FFD0] =	vst v12  }
0x16: {  	v59 =	vor.u32 $0x702, v6;
	v60 =	vor.u32 $0x703, v6;
	v61 =	vor.u32 $0x704, v6;
	s8 =	sadd.s32 $0x2E10, s1;
	s9 =	sadd.s32 s0, s31;
	s10 =	sadd.s32 s4, s13;
	[tilespmem:$0x1FFE0] =	vst v13  }
0x17: {  	v62 =	vor.u32 $0x705, v6;
	v63 =	vor.u32 $0x706, v6;
	s11 =	sadd.s32 s11, s13;
	s12 =	smax.u32 s12, $0x1;
	s13 =	simm.s32 $0x100;
	v0 =	vor.u32 $0x707, v6;
	[tilespmem:$0x1FFF0] =	vst v14  }
.LBB2_13:
0x18: {  	[hbm4b:s10+s2] =	stream.linear.scatter [tilespmem:s22], [sflag:$0x1], $0x80, $0x38;
	[tilespmem:$0x4C80] =	vst v63  }
0x19: {  	_ =	swait.ge [sflag:s20], $0x80  }
0x1a: {  	[sflag:s20] =	ssyncset.done $0x0  }
0x1b: {  	v1 =	vimm.f32 $2.441406250e-04;
	[sflag:s20] =	ssyncadd.s32 $0xFFFFFF80  }
0x1c: {  	[tilespmem:$0x4B80] =	vst v1  }
0x1d: {  	[tilespmem:$0x4B90] =	vst v1  }
0x1e: {  	[tilespmem:$0x4BA0] =	vst v1  }
0x1f: {  	[tilespmem:$0x4BB0] =	vst v1  }
0x20: {  	[tilespmem:$0x4BC0] =	vst v1  }
0x21: {  	s23 =	sadd.s32 $0x1, s23;
	[tilespmem:$0x4BD0] =	vst v1  }
0x22: {  	p0 =	sne.s32 s23, s12;
	[tilespmem:$0x4BE0] =	vst v1  }
.Ltmp1:
0x23: {  	[tilespmem:$0x4BF0] =	vst v1;
	(pc) =	sbr.rel @!p0 .LBB2_14-.Ltmp1, $4  }
0x24: {  	[hbm4b:s11+s2] =	stream.linear.scatter [tilespmem:s22], [sflag:$0x1], $0x80, $0x38;
	[tilespmem:$0x4C80] =	vst v63  }
0x25: {  	_ =	swait.ge [sflag:s20], $0x80  }
0x26: {  	[sflag:s20] =	ssyncset.done $0x0  }
0x27: {  	[sflag:s20] =	ssyncadd.s32 $0xFFFFFF80  }
.LBB2_1:
0x28: {  	[tilespmem:s13], [sflag:$0x1] =	stream.linear.gather [hbm4b:s3+s2], $0x80, $0x38;
	[tilespmem:$0x4C80] =	vst v63  }
0x29: {  	s1 =	simm.s32 $0x180  }
0x2a: {  	[tilespmem:s1], [sflag:$0x1] =	stream.linear.gather [hbm4b:s7+s2], $0x10, $0x38;
	[tilespmem:$0x4C80] =	vst v63  }
0x2b: {  	s30 =	simm.s32 $0x190  }
0x2c: {  	[tilespmem:s30], [sflag:$0x1] =	stream.linear.gather [hbm4b:s8+s2], $0x10, $0x38;
	[tilespmem:$0x4C80] =	vst v63  }
0x2d: {  	_ = 	snop  }
0x2e: {  	[tilespmem:s17], [sflag:$0x1] =	stream.strided.gather [hbm4b:s5+s13], $0x800, s16, s13, $0x38;
	[tilespmem:$0x4C80] =	vst v63  }
0x2f: {  	s31 =	simm.s32 $0x10000  }
0x30: {  	[tilespmem:s19], [sflag:$0x1] =	stream.strided.gather [hbm4b:s9+s16], $0x4000, s31, s16, $0x38;
	[tilespmem:$0x4C80] =	vst v63  }
0x31: {  	_ =	swait.ge [sflag:s20], $0x80  }
0x32: {  	[sflag:s20] =	ssyncset.done $0x0  }
0x33: {  	[sflag:s20] =	ssyncadd.s32 $0xFFFFFF80  }
0x34: {  	_ =	swait.ge [sflag:s20], $0x10  }
0x35: {  	[sflag:s20] =	ssyncset.done $0x0  }
0x36: {  	[sflag:s20] =	ssyncadd.s32 $0xFFFFFFF0  }
0x37: {  	_ =	swait.ge [sflag:s20], $0x10  }
0x38: {  	[sflag:s20] =	ssyncset.done $0x0  }
0x39: {  	[sflag:s20] =	ssyncadd.s32 $0xFFFFFFF0  }
0x3a: {  	_ =	swait.ge [sflag:s20], $0x800  }
0x3b: {  	[sflag:s20] =	ssyncset.done $0x0  }
0x3c: {  	[sflag:s20] =	ssyncadd.s32 $0xFFFFF800  }
0x3d: {  	v1 =	vld.idx.msk [tilespmem:v6+s17+$0x0], $0xffff;
	_ =	sdelay $0x1  }
0x3e: {  	v2 =	vld.idx.msk [tilespmem:v7+s17+$0x0], $0xffff;
	_ =	sdelay $0x1  }
0x3f: {  	v3 =	vld.idx.msk [tilespmem:v8+s17+$0x0], $0xffff  }
0x40: {  	v1 =	vadd.f32 $0.0e+00, v1  }
0x41: {  	v4 =	vld.idx.msk [tilespmem:v9+s17+$0x0], $0xffff  }
0x42: {  	v1 =	vadd.f32 v2, v1  }
0x43: {  	v2 =	vld.idx.msk [tilespmem:v10+s17+$0x0], $0xffff  }
0x44: {  	v1 =	vadd.f32 v3, v1  }
0x45: {  	v5 =	vld.idx.msk [tilespmem:v11+s17+$0x0], $0xffff  }
0x46: {  	v1 =	vadd.f32 v4, v1  }
0x47: {  	v9 =	vld.idx.msk [tilespmem:v12+s17+$0x0], $0xffff  }
0x48: {  	v1 =	vadd.f32 v2, v1  }
0x49: {  	v3 =	vld.idx.msk [tilespmem:v13+s17+$0x0], $0xffff  }
0x4a: {  	v1 =	vadd.f32 v5, v1;
	_ =	sdelay $0x1  }
0x4b: {  	v1 =	vadd.f32 v9, v1;
	_ =	sdelay $0x1  }
0x4c: {  	v1 =	vadd.f32 v3, v1;
	v3 =	vld.msk [tilespmem:$0x180 ss:$0x0], $0xffff;
	_ =	sdelay $0x2  }
0x4d: {  	v2 =	vld.msk [tilespmem:$0x190 ss:$0x0], $0xffff;
	_ =	sdelay $0x1  }
0x4e: {  	[tilespmem:$0x1FF10] =	vst v3;
	v3 =	vld [tilespmem:$0x1FF20];
	_ =	sdelay $0x2  }
0x4f: {  	v1 =	vmul.f32 v1, v2;
	_ =	sdelay $0x1  }
0x50: {  	[tilespmem:$0x0] =	vst v1  }
0x51: {  	v1 =	vld.idx.msk [tilespmem:v14+s17+$0x0], $0xffff;
	_ =	sdelay $0x1  }
0x52: {  	v3 =	vld.idx.msk [tilespmem:v3+s17+$0x0], $0xffff;
	_ =	sdelay $0x2  }
0x53: {  	v1 =	vadd.f32 $0.0e+00, v1;
	_ =	sdelay $0x1  }
0x54: {  	v1 =	vadd.f32 v3, v1;
	v3 =	vld [tilespmem:$0x1FF50];
	_ =	sdelay $0x2  }
0x55: {  	v10 =	vld [tilespmem:$0x1FF30];
	_ =	sdelay $0x1  }
0x56: {  	v8 =	vld [tilespmem:$0x1FF40];
	_ =	sdelay $0x2  }
0x57: {  	v9 =	vld.idx.msk [tilespmem:v3+s17+$0x0], $0xffff  }
0x58: {  	v3 =	vld [tilespmem:$0x1FF60];
	_ =	sdelay $0x1  }
0x59: {  	v11 =	vld.idx.msk [tilespmem:v10+s17+$0x0], $0xffff;
	_ =	sdelay $0x1  }
0x5a: {  	v4 =	vld.idx.msk [tilespmem:v8+s17+$0x0], $0xffff;
	_ =	sdelay $0x2  }
0x5b: {  	v1 =	vadd.f32 v11, v1  }
0x5c: {  	v10 =	vld.idx.msk [tilespmem:v3+s17+$0x0], $0xffff  }
0x5d: {  	v1 =	vadd.f32 v4, v1  }
0x5e: {  	v11 =	vld.idx.msk [tilespmem:v15+s17+$0x0], $0xffff  }
0x5f: {  	v1 =	vadd.f32 v9, v1  }
0x60: {  	v3 =	vld.idx.msk [tilespmem:v16+s17+$0x0], $0xffff  }
0x61: {  	v1 =	vadd.f32 v10, v1;
	_ =	sdelay $0x1  }
0x62: {  	v1 =	vadd.f32 v11, v1;
	_ =	sdelay $0x1  }
0x63: {  	v1 =	vadd.f32 v3, v1;
	_ =	sdelay $0x1  }
0x64: {  	v1 =	vmul.f32 v1, v2;
	_ =	sdelay $0x1  }
0x65: {  	[tilespmem:$0x10] =	vst v1  }
0x66: {  	v1 =	vld.idx.msk [tilespmem:v17+s17+$0x0], $0xffff;
	_ =	sdelay $0x1  }
0x67: {  	v3 =	vld.idx.msk [tilespmem:v18+s17+$0x0], $0xffff;
	_ =	sdelay $0x1  }
0x68: {  	v8 =	vld.idx.msk [tilespmem:v19+s17+$0x0], $0xffff  }
0x69: {  	v1 =	vadd.f32 $0.0e+00, v1  }
0x6a: {  	v9 =	vld.idx.msk [tilespmem:v20+s17+$0x0], $0xffff  }
0x6b: {  	v1 =	vadd.f32 v3, v1  }
0x6c: {  	v3 =	vld.idx.msk [tilespmem:v21+s17+$0x0], $0xffff  }
0x6d: {  	v1 =	vadd.f32 v8, v1  }
0x6e: {  	v10 =	vld.idx.msk [tilespmem:v22+s17+$0x0], $0xffff  }
0x6f: {  	v1 =	vadd.f32 v9, v1  }
0x70: {  	v11 =	vld.idx.msk [tilespmem:v23+s17+$0x0], $0xffff  }
0x71: {  	v1 =	vadd.f32 v3, v1  }
0x72: {  	v3 =	vld.idx.msk [tilespmem:v24+s17+$0x0], $0xffff  }
0x73: {  	v1 =	vadd.f32 v10, v1;
	_ =	sdelay $0x1  }
0x74: {  	v1 =	vadd.f32 v11, v1;
	_ =	sdelay $0x1  }
0x75: {  	v1 =	vadd.f32 v3, v1;
	_ =	sdelay $0x1  }
0x76: {  	v1 =	vmul.f32 v1, v2;
	_ =	sdelay $0x1  }
0x77: {  	[tilespmem:$0x20] =	vst v1  }
0x78: {  	v1 =	vld.idx.msk [tilespmem:v25+s17+$0x0], $0xffff;
	_ =	sdelay $0x1  }
0x79: {  	v3 =	vld.idx.msk [tilespmem:v26+s17+$0x0], $0xffff;
	_ =	sdelay $0x1  }
0x7a: {  	v8 =	vld.idx.msk [tilespmem:v27+s17+$0x0], $0xffff  }
0x7b: {  	v1 =	vadd.f32 $0.0e+00, v1  }
0x7c: {  	v9 =	vld.idx.msk [tilespmem:v28+s17+$0x0], $0xffff  }
0x7d: {  	v1 =	vadd.f32 v3, v1  }
0x7e: {  	v3 =	vld.idx.msk [tilespmem:v29+s17+$0x0], $0xffff  }
0x7f: {  	v1 =	vadd.f32 v8, v1  }
0x80: {  	v10 =	vld.idx.msk [tilespmem:v30+s17+$0x0], $0xffff  }
0x81: {  	v1 =	vadd.f32 v9, v1  }
0x82: {  	v11 =	vld.idx.msk [tilespmem:v31+s17+$0x0], $0xffff  }
0x83: {  	v1 =	vadd.f32 v3, v1  }
0x84: {  	v3 =	vld.idx.msk [tilespmem:v32+s17+$0x0], $0xffff  }
0x85: {  	v1 =	vadd.f32 v10, v1;
	_ =	sdelay $0x1  }
0x86: {  	v1 =	vadd.f32 v11, v1;
	_ =	sdelay $0x1  }
0x87: {  	v1 =	vadd.f32 v3, v1;
	_ =	sdelay $0x1  }
0x88: {  	v1 =	vmul.f32 v1, v2;
	_ =	sdelay $0x1  }
0x89: {  	[tilespmem:$0x30] =	vst v1  }
0x8a: {  	v1 =	vld.idx.msk [tilespmem:v33+s17+$0x0], $0xffff;
	_ =	sdelay $0x1  }
0x8b: {  	v3 =	vld.idx.msk [tilespmem:v34+s17+$0x0], $0xffff;
	_ =	sdelay $0x1  }
0x8c: {  	v8 =	vld.idx.msk [tilespmem:v35+s17+$0x0], $0xffff  }
0x8d: {  	v1 =	vadd.f32 $0.0e+00, v1  }
0x8e: {  	v9 =	vld.idx.msk [tilespmem:v36+s17+$0x0], $0xffff  }
0x8f: {  	v1 =	vadd.f32 v3, v1  }
0x90: {  	v3 =	vld.idx.msk [tilespmem:v37+s17+$0x0], $0xffff  }
0x91: {  	v1 =	vadd.f32 v8, v1  }
0x92: {  	v10 =	vld.idx.msk [tilespmem:v38+s17+$0x0], $0xffff  }
0x93: {  	v1 =	vadd.f32 v9, v1  }
0x94: {  	v11 =	vld.idx.msk [tilespmem:v39+s17+$0x0], $0xffff  }
0x95: {  	v1 =	vadd.f32 v3, v1  }
0x96: {  	v3 =	vld.idx.msk [tilespmem:v40+s17+$0x0], $0xffff  }
0x97: {  	v1 =	vadd.f32 v10, v1;
	_ =	sdelay $0x1  }
0x98: {  	v1 =	vadd.f32 v11, v1;
	_ =	sdelay $0x1  }
0x99: {  	v1 =	vadd.f32 v3, v1;
	_ =	sdelay $0x1  }
0x9a: {  	v1 =	vmul.f32 v1, v2;
	_ =	sdelay $0x1  }
0x9b: {  	[tilespmem:$0x40] =	vst v1  }
0x9c: {  	v1 =	vld.idx.msk [tilespmem:v41+s17+$0x0], $0xffff;
	_ =	sdelay $0x1  }
0x9d: {  	v3 =	vld.idx.msk [tilespmem:v42+s17+$0x0], $0xffff;
	_ =	sdelay $0x1  }
0x9e: {  	v8 =	vld.idx.msk [tilespmem:v43+s17+$0x0], $0xffff  }
0x9f: {  	v1 =	vadd.f32 $0.0e+00, v1  }
0xa0: {  	v9 =	vld.idx.msk [tilespmem:v44+s17+$0x0], $0xffff  }
0xa1: {  	v1 =	vadd.f32 v3, v1  }
0xa2: {  	v3 =	vld.idx.msk [tilespmem:v45+s17+$0x0], $0xffff  }
0xa3: {  	v1 =	vadd.f32 v8, v1  }
0xa4: {  	v10 =	vld.idx.msk [tilespmem:v46+s17+$0x0], $0xffff  }
0xa5: {  	v1 =	vadd.f32 v9, v1  }
0xa6: {  	v11 =	vld.idx.msk [tilespmem:v47+s17+$0x0], $0xffff  }
0xa7: {  	v1 =	vadd.f32 v3, v1  }
0xa8: {  	v3 =	vld.idx.msk [tilespmem:v48+s17+$0x0], $0xffff  }
0xa9: {  	v1 =	vadd.f32 v10, v1;
	_ =	sdelay $0x1  }
0xaa: {  	v1 =	vadd.f32 v11, v1;
	_ =	sdelay $0x1  }
0xab: {  	v1 =	vadd.f32 v3, v1;
	_ =	sdelay $0x1  }
0xac: {  	v1 =	vmul.f32 v1, v2;
	_ =	sdelay $0x1  }
0xad: {  	[tilespmem:$0x50] =	vst v1  }
0xae: {  	v1 =	vld.idx.msk [tilespmem:v49+s17+$0x0], $0xffff;
	_ =	sdelay $0x1  }
0xaf: {  	v3 =	vld.idx.msk [tilespmem:v50+s17+$0x0], $0xffff;
	_ =	sdelay $0x1  }
0xb0: {  	v8 =	vld.idx.msk [tilespmem:v51+s17+$0x0], $0xffff  }
0xb1: {  	v1 =	vadd.f32 $0.0e+00, v1  }
0xb2: {  	v9 =	vld.idx.msk [tilespmem:v52+s17+$0x0], $0xffff  }
0xb3: {  	v1 =	vadd.f32 v3, v1  }
0xb4: {  	v3 =	vld.idx.msk [tilespmem:v53+s17+$0x0], $0xffff  }
0xb5: {  	v1 =	vadd.f32 v8, v1  }
0xb6: {  	v10 =	vld.idx.msk [tilespmem:v54+s17+$0x0], $0xffff  }
0xb7: {  	v1 =	vadd.f32 v9, v1  }
0xb8: {  	v11 =	vld.idx.msk [tilespmem:v55+s17+$0x0], $0xffff  }
0xb9: {  	v1 =	vadd.f32 v3, v1  }
0xba: {  	v3 =	vld.idx.msk [tilespmem:v56+s17+$0x0], $0xffff  }
0xbb: {  	v1 =	vadd.f32 v10, v1;
	_ =	sdelay $0x1  }
0xbc: {  	v1 =	vadd.f32 v11, v1;
	_ =	sdelay $0x1  }
0xbd: {  	v1 =	vadd.f32 v3, v1;
	_ =	sdelay $0x1  }
0xbe: {  	v1 =	vmul.f32 v1, v2;
	_ =	sdelay $0x1  }
0xbf: {  	[tilespmem:$0x60] =	vst v1  }
0xc0: {  	v1 =	vld.idx.msk [tilespmem:v57+s17+$0x0], $0xffff;
	_ =	sdelay $0x1  }
0xc1: {  	v3 =	vld.idx.msk [tilespmem:v58+s17+$0x0], $0xffff;
	_ =	sdelay $0x1  }
0xc2: {  	v8 =	vld.idx.msk [tilespmem:v59+s17+$0x0], $0xffff  }
0xc3: {  	v1 =	vadd.f32 $0.0e+00, v1  }
0xc4: {  	v9 =	vld.idx.msk [tilespmem:v60+s17+$0x0], $0xffff  }
0xc5: {  	v1 =	vadd.f32 v3, v1  }
0xc6: {  	v3 =	vld.idx.msk [tilespmem:v61+s17+$0x0], $0xffff  }
0xc7: {  	v1 =	vadd.f32 v8, v1  }
0xc8: {  	v10 =	vld.idx.msk [tilespmem:v62+s17+$0x0], $0xffff  }
0xc9: {  	v1 =	vadd.f32 v9, v1  }
0xca: {  	v11 =	vld.idx.msk [tilespmem:v63+s17+$0x0], $0xffff  }
0xcb: {  	v1 =	vadd.f32 v3, v1  }
0xcc: {  	v3 =	vld.idx.msk [tilespmem:v0+s17+$0x0], $0xffff  }
0xcd: {  	v1 =	vadd.f32 v10, v1;
	_ =	sdelay $0x1  }
0xce: {  	v1 =	vadd.f32 v11, v1;
	_ =	sdelay $0x1  }
0xcf: {  	v1 =	vadd.f32 v3, v1;
	_ =	sdelay $0x1  }
0xd0: {  	v1 =	vmul.f32 v1, v2;
	_ =	sdelay $0x1  }
0xd1: {  	[tilespmem:$0x70] =	vst v1  }
0xd2: {  	_ =	swait.ge [sflag:s20], $0x4000  }
0xd3: {  	[sflag:s20] =	ssyncset.done $0x0  }
0xd4: {  	s25 =	simm.s32 $0x0;
	s24 =	simm.s32 $0x0;
	[sflag:s20] =	ssyncadd.s32 $0xFFFFC000  }
.LBB2_2:
0xd5: {  	s26 =	sshll.u32 s24, $0x4;
	v3 =	vlaneseq.u32  }
0xd6: {  	v1 =	vmov s26;
	v3 =	vmul.u32 $0x80, v3  }
0xd7: {  	v1 =	vshll.u32 v1, $0x7  }
0xd8: {  	s28 =	simm.s32 $0x0;
	vm0 =	vmxor vm0, vm0;
	s29 =	simm.s32 $0x0;
	v3 =	vor.u32 v3, v1;
	v1 =	vimm.s32 $0x0  }
.LBB2_3:
0xd9: {  	v4 =	vor.u32 s29, v3;
	s1 =	sadd.s32 $0x1, s29  }
0xda: {  	s4 =	sadd.s32 $0x2, s29;
	v5 =	vor.u32 s1, v3  }
0xdb: {  	s14 =	sadd.s32 $0x3, s29;
	v6 =	vor.u32 s4, v3  }
0xdc: {  	v7 =	vld [tilespmem:s28+$0x0];
	s15 =	sadd.s32 $0x4, s29;
	v8 =	vor.u32 s14, v3  }
0xdd: {  	s18 =	sadd.s32 $0x5, s29;
	v9 =	vor.u32 s15, v3  }
0xde: {  	s30 =	sadd.s32 $0x6, s29;
	v10 =	vor.u32 s18, v3;
	v4 =	vld.idx.msk [tilespmem:v4+s19+$0x0], $0xffff  }
0xdf: {  	s31 =	sadd.s32 $0x7, s29;
	v11 =	vor.u32 s30, v3;
	v5 =	vld.idx.msk [tilespmem:v5+s19+$0x0], $0xffff  }
0xe0: {  	v12 =	vor.u32 s31, v3;
	v6 =	vld.idx.msk [tilespmem:v6+s19+$0x0], $0xffff  }
0xe1: {  	v13 =	vbroadcast v7, $0x0;
	v8 =	vld.idx.msk [tilespmem:v8+s19+$0x0], $0xffff  }
0xe2: {  	v14 =	vbroadcast v7, $0x1;
	v9 =	vld.idx.msk [tilespmem:v9+s19+$0x0], $0xffff  }
0xe3: {  	v10 =	vld.idx.msk [tilespmem:v10+s19+$0x0], $0xffff;
	vm2 =	vlt.f32 v4, v13;
	v4 =	vbroadcast v7, $0x2  }
0xe4: {  	v11 =	vld.idx.msk [tilespmem:v11+s19+$0x0], $0xffff;
	vm3 =	vlt.f32 v5, v14;
	vm4 =	vmor vm0, vm2;
	v5 =	vbroadcast v7, $0x3  }
0xe5: {  	vm13 =	vlt.f32 v6, v4;
	vm6 =	vmor vm4, vm3;
	v4 =	vbroadcast v7, $0x4;
	v6 =	vld.idx.msk [tilespmem:v12+s19+$0x0], $0xffff  }
0xe6: {  	vm7 =	vlt.f32 v8, v5;
	vm8 =	vmor vm6, vm13;
	v5 =	vbroadcast v7, $0x5  }
0xe7: {  	vm9 =	vlt.f32 v9, v4;
	vm10 =	vmor vm8, vm7;
	v4 =	vbroadcast v7, $0x6  }
0xe8: {  	vm11 =	vlt.f32 v10, v5;
	vm12 =	vmor vm10, vm9;
	v5 =	vbroadcast v7, $0x7  }
0xe9: {  	vm1 =	vlt.f32 v11, v4;
	v4 =	vimm.s32 $0x0;
	vm14 =	vmor vm12, vm11  }
0xea: {  	v4 =	vsel vm1, $0xFFFFFFFF, v4;
	vm5 =	vmor vm14, vm1;
	vm1 =	vlt.f32 v6, v5  }
0xeb: {  	vm15 =	vmneg vm0;
	[tilespmem:$0x1FEF0] =	vst v4;
	vm0 =	vmor vm5, vm1;
	v4 =	vimm.s32 $0x0  }
0xec: {  	v4 =	vsel vm0, $0xFFFFFFFF, v4  }
0xed: {  	[tilespmem:$0x1FF00] =	vst v4;
	v4 =	vmpcnt.ones.xlane vm0;
	_ =	sdelay $0x1  }
0xee: {  	(v2sf) =	vpush v4, $0x0;
	_ =	sdelay $0xb  }
0xef: {  	v4 =	vld [tilespmem:$0x1FEF0]  }
0xf0: {  	vm2 =	vmand vm2, vm15;
	vm4 =	vmneg vm4  }
0xf1: {  	v1 =	vsel vm2, s29, v1;
	vm2 =	vmand vm3, vm4;
	vm3 =	vmneg vm6  }
0xf2: {  	p0 =	sgt.u32 s29, $0x77;
	v1 =	vsel vm2, s1, v1;
	vm2 =	vmand vm13, vm3;
	s1 =	spop (v2sf)  }
0xf3: {  	vm3 =	vmneg vm8;
	v1 =	vsel vm2, s4, v1;
	p1 =	sne.s32 @!p0 s1, $0x10  }
0xf4: {  	vm2 =	vmand vm7, vm3;
	vm3 =	vmneg vm10;
	vm0 =	vnez.u8 v4;
	v4 =	vld [tilespmem:$0x1FF00];
	p0 =	por p0, !p1  }
.Ltmp2:
0xf5: {  	v1 =	vsel vm2, s14, v1;
	vm2 =	vmand vm9, vm3;
	vm3 =	vmneg vm12;
	(pc) =	sbr.rel @!p0 .LBB2_3-.Ltmp2, $4  }
0xf6: {  	v1 =	vsel vm2, s15, v1;
	vm2 =	vmand vm11, vm3;
	vm3 =	vmneg vm14  }
0xf7: {  	v1 =	vsel vm2, s18, v1;
	vm2 =	vmand vm0, vm3;
	vm0 =	vmneg vm5  }
0xf8: {  	v1 =	vsel vm2, s30, v1;
	vm0 =	vmand vm1, vm0  }
0xf9: {  	s28 =	sadd.s32 $0x8, s28;
	s29 =	sadd.s32 $0x8, s29;
	v1 =	vsel vm0, s31, v1;
	vm0 =	vnez.u8 v4  }
0xfa: {  	_ =	sdelay $0x3  }
0xfb: {  	v1 =	vld.idx.msk [tilespmem:v1+s13+$0x0], $0xffff  }
0xfc: {  	v3 =	vld [tilespmem:$0x1FF10];
	_ =	sdelay $0x1  }
0xfd: {  	s24 =	sadd.s32 $0x1, s24  }
0xfe: {  	p0 =	sne.s32 s24, $0x8  }
.Ltmp3:
0xff: {  	_ = 	snop;
	(pc) =	sbr.rel @p0 .LBB2_2-.Ltmp3, $4  }
0x100: {  	v1 =	vsel vm0, v1, v3  }
0x101: {  	[tilespmem:s26+$0x4B80] =	vst v1;
	v1 =	vimm.s32 $0x0  }
0x102: {  	s1 =	ssub.s32 s25, s1;
	v1 =	vsel vm0, $0x1, v1  }
0x103: {  	s25 =	sadd.s32 $0x10, s1;
	[tilespmem:s26+$0x4C00] =	vst v1  }
0x104: {  	v6 =	vld [tilespmem:$0x1FF70]  }
0x105: {  	v7 =	vld [tilespmem:$0x1FF80]  }
0x106: {  	v8 =	vld [tilespmem:$0x1FF90]  }
0x107: {  	p0 =	slt.s32 s25, $0x1;
	v9 =	vld [tilespmem:$0x1FFA0]  }
.Ltmp4:
0x108: {  	v10 =	vld [tilespmem:$0x1FFB0];
	(pc) =	sbr.rel @!p0 .LBB2_6-.Ltmp4, $4  }
.Ltmp5:
0x109: {  	v11 =	vld [tilespmem:$0x1FFC0];
	(pc) =	sbr.rel @p0 .LBB2_13-.Ltmp5, $4  }
0x10a: {  	v12 =	vld [tilespmem:$0x1FFD0]  }
0x10b: {  	v13 =	vld [tilespmem:$0x1FFE0]  }
0x10c: {  	s24 =	simm.s32 $0x0;
	v14 =	vld [tilespmem:$0x1FFF0]  }
0x10d: {  	_ = 	snop  }
.LBB2_12:
0x10e: {  	s24 =	sadd.s32 $0x1, s24  }
0x10f: {  	p0 =	sne.s32 s24, $0x80  }
.Ltmp6:
0x110: {  	_ = 	snop;
	(pc) =	sbr.rel @!p0 .LBB2_13-.Ltmp6, $1  }
0x111: {  	_ =	sdelay $0x3  }
.LBB2_6:
0x112: {  	v3 =	vmov s24;
	_ =	sdelay $0x4  }
0x113: {  	v1 =	vld.idx.msk [tilespmem:v3+s21+$0x0], $0xffff;
	_ =	sdelay $0x4  }
0x114: {  	(v2sf) =	vpush v1, $0x0;
	_ =	sdelay $0xe  }
0x115: {  	s1 =	spop (v2sf)  }
0x116: {  	p0 =	sne.s32 s1, $0x0  }
.Ltmp7:
0x117: {  	_ = 	snop;
	(pc) =	sbr.rel @p0 .LBB2_12-.Ltmp7, $1  }
0x118: {  	_ =	sdelay $0x3  }
0x119: {  	s1 =	sadd.s32 s6, s24;
	s4 =	sshll.u32 s24, $0x4  }
0x11a: {  	s1 =	sshll.u32 s1, $0xA;
	s4 =	sand.u32 $0x70, s4  }
0x11b: {  	s31 =	simm.s32 $0x1;
	s1 =	sand.u32 $0x3FE000, s1;
	s4 =	sadd.s32 s0, s4  }
0x11c: {  	[tilespmem:$0x1FEE0] =	vst v3;
	s18 =	simm.s32 $0x9;
	s25 =	sadd.s32 s1, s4;
	s1 =	simm.s32 $0x70  }
.LBB2_9:
0x11d: {  	s4 =	sshll.u32 s31, $0x7  }
0x11e: {  	s30 =	simm.s32 $0x4A00;
	s26 =	sshll.u32 s31, $0x5;
	s4 =	sadd.s32 s4, s25  }
0x11f: {  	[tilespmem:s30], [sflag:$0x1] =	stream.linear.gather [hbm4b:s4+s2], $0x80, $0x38;
	[tilespmem:$0x4C80] =	vst v63  }
0x120: {  	s14 =	sshll.u32 s31, $0x8;
	s4 =	sand.u32 $0x60, s26  }
0x121: {  	s14 =	sand.u32 $0x3C00, s14;
	s4 =	sadd.s32 s5, s4  }
0x122: {  	s4 =	sadd.s32 s14, s4  }
0x123: {  	[tilespmem:s17], [sflag:$0x1] =	stream.strided.gather [hbm4b:s4+s13], $0x800, s16, s13, $0x38;
	[tilespmem:$0x4C80] =	vst v63  }
0x124: {  	_ =	swait.ge [sflag:s20], $0x80  }
0x125: {  	[sflag:s20] =	ssyncset.done $0x0  }
0x126: {  	[sflag:s20] =	ssyncadd.s32 $0xFFFFFF80  }
0x127: {  	_ =	swait.ge [sflag:s20], $0x800  }
0x128: {  	[sflag:s20] =	ssyncset.done $0x0  }
0x129: {  	[sflag:s20] =	ssyncadd.s32 $0xFFFFF800  }
0x12a: {  	v1 =	vld.idx.msk [tilespmem:v6+s17+$0x0], $0xffff;
	_ =	sdelay $0x1  }
0x12b: {  	v3 =	vld.idx.msk [tilespmem:v7+s17+$0x0], $0xffff;
	_ =	sdelay $0x1  }
0x12c: {  	v4 =	vld.idx.msk [tilespmem:v8+s17+$0x0], $0xffff  }
0x12d: {  	v1 =	vadd.f32 $0.0e+00, v1  }
0x12e: {  	v5 =	vld.idx.msk [tilespmem:v9+s17+$0x0], $0xffff  }
0x12f: {  	v1 =	vadd.f32 v3, v1  }
0x130: {  	v3 =	vld.idx.msk [tilespmem:v10+s17+$0x0], $0xffff  }
0x131: {  	v1 =	vadd.f32 v4, v1  }
0x132: {  	v4 =	vld.idx.msk [tilespmem:v11+s17+$0x0], $0xffff  }
0x133: {  	v1 =	vadd.f32 v5, v1  }
0x134: {  	v5 =	vld.idx.msk [tilespmem:v12+s17+$0x0], $0xffff  }
0x135: {  	v1 =	vadd.f32 v3, v1  }
0x136: {  	v3 =	vld.idx.msk [tilespmem:v13+s17+$0x0], $0xffff  }
0x137: {  	v1 =	vadd.f32 v4, v1;
	_ =	sdelay $0x1  }
0x138: {  	v1 =	vadd.f32 v5, v1;
	_ =	sdelay $0x1  }
0x139: {  	v1 =	vadd.f32 v3, v1;
	v3 =	vld [tilespmem:$0x1FF20];
	_ =	sdelay $0x1  }
0x13a: {  	v4 =	vld [tilespmem:$0x1FF30]  }
0x13b: {  	v1 =	vmul.f32 v1, v2;
	_ =	sdelay $0x1  }
0x13c: {  	[tilespmem:$0x4A80] =	vst v1  }
0x13d: {  	v1 =	vld.idx.msk [tilespmem:v14+s17+$0x0], $0xffff;
	_ =	sdelay $0x1  }
0x13e: {  	v3 =	vld.idx.msk [tilespmem:v3+s17+$0x0], $0xffff;
	_ =	sdelay $0x1  }
0x13f: {  	v4 =	vld.idx.msk [tilespmem:v4+s17+$0x0], $0xffff  }
0x140: {  	v5 =	vld [tilespmem:$0x1FF40];
	v1 =	vadd.f32 $0.0e+00, v1;
	_ =	sdelay $0x1  }
0x141: {  	v1 =	vadd.f32 v3, v1;
	v3 =	vld [tilespmem:$0x1FF50];
	_ =	sdelay $0x1  }
0x142: {  	v1 =	vadd.f32 v4, v1;
	v4 =	vld [tilespmem:$0x1FF60];
	_ =	sdelay $0x3  }
0x143: {  	v5 =	vld.idx.msk [tilespmem:v5+s17+$0x0], $0xffff;
	_ =	sdelay $0x1  }
0x144: {  	v3 =	vld.idx.msk [tilespmem:v3+s17+$0x0], $0xffff;
	_ =	sdelay $0x1  }
0x145: {  	v4 =	vld.idx.msk [tilespmem:v4+s17+$0x0], $0xffff  }
0x146: {  	v1 =	vadd.f32 v5, v1  }
0x147: {  	v5 =	vld.idx.msk [tilespmem:v15+s17+$0x0], $0xffff  }
0x148: {  	v1 =	vadd.f32 v3, v1  }
0x149: {  	v3 =	vld.idx.msk [tilespmem:v16+s17+$0x0], $0xffff  }
0x14a: {  	v1 =	vadd.f32 v4, v1;
	_ =	sdelay $0x1  }
0x14b: {  	v1 =	vadd.f32 v5, v1;
	_ =	sdelay $0x1  }
0x14c: {  	v1 =	vadd.f32 v3, v1;
	_ =	sdelay $0x1  }
0x14d: {  	v1 =	vmul.f32 v1, v2;
	_ =	sdelay $0x1  }
0x14e: {  	[tilespmem:$0x4A90] =	vst v1  }
0x14f: {  	v1 =	vld.idx.msk [tilespmem:v17+s17+$0x0], $0xffff;
	_ =	sdelay $0x1  }
0x150: {  	v3 =	vld.idx.msk [tilespmem:v18+s17+$0x0], $0xffff;
	_ =	sdelay $0x1  }
0x151: {  	v4 =	vld.idx.msk [tilespmem:v19+s17+$0x0], $0xffff  }
0x152: {  	v1 =	vadd.f32 $0.0e+00, v1  }
0x153: {  	v5 =	vld.idx.msk [tilespmem:v20+s17+$0x0], $0xffff  }
0x154: {  	v1 =	vadd.f32 v3, v1  }
0x155: {  	v3 =	vld.idx.msk [tilespmem:v21+s17+$0x0], $0xffff  }
0x156: {  	v1 =	vadd.f32 v4, v1  }
0x157: {  	v4 =	vld.idx.msk [tilespmem:v22+s17+$0x0], $0xffff  }
0x158: {  	v1 =	vadd.f32 v5, v1  }
0x159: {  	v5 =	vld.idx.msk [tilespmem:v23+s17+$0x0], $0xffff  }
0x15a: {  	v1 =	vadd.f32 v3, v1  }
0x15b: {  	v3 =	vld.idx.msk [tilespmem:v24+s17+$0x0], $0xffff  }
0x15c: {  	v1 =	vadd.f32 v4, v1;
	_ =	sdelay $0x1  }
0x15d: {  	v1 =	vadd.f32 v5, v1;
	_ =	sdelay $0x1  }
0x15e: {  	v1 =	vadd.f32 v3, v1;
	_ =	sdelay $0x1  }
0x15f: {  	v1 =	vmul.f32 v1, v2;
	_ =	sdelay $0x1  }
0x160: {  	[tilespmem:$0x4AA0] =	vst v1  }
0x161: {  	v1 =	vld.idx.msk [tilespmem:v25+s17+$0x0], $0xffff;
	_ =	sdelay $0x1  }
0x162: {  	v3 =	vld.idx.msk [tilespmem:v26+s17+$0x0], $0xffff;
	_ =	sdelay $0x1  }
0x163: {  	v4 =	vld.idx.msk [tilespmem:v27+s17+$0x0], $0xffff  }
0x164: {  	v1 =	vadd.f32 $0.0e+00, v1  }
0x165: {  	v5 =	vld.idx.msk [tilespmem:v28+s17+$0x0], $0xffff  }
0x166: {  	v1 =	vadd.f32 v3, v1  }
0x167: {  	v3 =	vld.idx.msk [tilespmem:v29+s17+$0x0], $0xffff  }
0x168: {  	v1 =	vadd.f32 v4, v1  }
0x169: {  	v4 =	vld.idx.msk [tilespmem:v30+s17+$0x0], $0xffff  }
0x16a: {  	v1 =	vadd.f32 v5, v1  }
0x16b: {  	v5 =	vld.idx.msk [tilespmem:v31+s17+$0x0], $0xffff  }
0x16c: {  	v1 =	vadd.f32 v3, v1  }
0x16d: {  	v3 =	vld.idx.msk [tilespmem:v32+s17+$0x0], $0xffff  }
0x16e: {  	v1 =	vadd.f32 v4, v1;
	_ =	sdelay $0x1  }
0x16f: {  	v1 =	vadd.f32 v5, v1;
	_ =	sdelay $0x1  }
0x170: {  	v1 =	vadd.f32 v3, v1;
	_ =	sdelay $0x1  }
0x171: {  	v1 =	vmul.f32 v1, v2;
	_ =	sdelay $0x1  }
0x172: {  	[tilespmem:$0x4AB0] =	vst v1  }
0x173: {  	v1 =	vld.idx.msk [tilespmem:v33+s17+$0x0], $0xffff;
	_ =	sdelay $0x1  }
0x174: {  	v3 =	vld.idx.msk [tilespmem:v34+s17+$0x0], $0xffff;
	_ =	sdelay $0x1  }
0x175: {  	v4 =	vld.idx.msk [tilespmem:v35+s17+$0x0], $0xffff  }
0x176: {  	v1 =	vadd.f32 $0.0e+00, v1  }
0x177: {  	v5 =	vld.idx.msk [tilespmem:v36+s17+$0x0], $0xffff  }
0x178: {  	v1 =	vadd.f32 v3, v1  }
0x179: {  	v3 =	vld.idx.msk [tilespmem:v37+s17+$0x0], $0xffff  }
0x17a: {  	v1 =	vadd.f32 v4, v1  }
0x17b: {  	v4 =	vld.idx.msk [tilespmem:v38+s17+$0x0], $0xffff  }
0x17c: {  	v1 =	vadd.f32 v5, v1  }
0x17d: {  	v5 =	vld.idx.msk [tilespmem:v39+s17+$0x0], $0xffff  }
0x17e: {  	v1 =	vadd.f32 v3, v1  }
0x17f: {  	v3 =	vld.idx.msk [tilespmem:v40+s17+$0x0], $0xffff  }
0x180: {  	v1 =	vadd.f32 v4, v1;
	_ =	sdelay $0x1  }
0x181: {  	v1 =	vadd.f32 v5, v1;
	_ =	sdelay $0x1  }
0x182: {  	v1 =	vadd.f32 v3, v1;
	_ =	sdelay $0x1  }
0x183: {  	v1 =	vmul.f32 v1, v2;
	_ =	sdelay $0x1  }
0x184: {  	[tilespmem:$0x4AC0] =	vst v1  }
0x185: {  	v1 =	vld.idx.msk [tilespmem:v41+s17+$0x0], $0xffff;
	_ =	sdelay $0x1  }
0x186: {  	v3 =	vld.idx.msk [tilespmem:v42+s17+$0x0], $0xffff;
	_ =	sdelay $0x1  }
0x187: {  	v4 =	vld.idx.msk [tilespmem:v43+s17+$0x0], $0xffff  }
0x188: {  	v1 =	vadd.f32 $0.0e+00, v1  }
0x189: {  	v5 =	vld.idx.msk [tilespmem:v44+s17+$0x0], $0xffff  }
0x18a: {  	v1 =	vadd.f32 v3, v1  }
0x18b: {  	v3 =	vld.idx.msk [tilespmem:v45+s17+$0x0], $0xffff  }
0x18c: {  	v1 =	vadd.f32 v4, v1  }
0x18d: {  	v4 =	vld.idx.msk [tilespmem:v46+s17+$0x0], $0xffff  }
0x18e: {  	v1 =	vadd.f32 v5, v1  }
0x18f: {  	v5 =	vld.idx.msk [tilespmem:v47+s17+$0x0], $0xffff  }
0x190: {  	v1 =	vadd.f32 v3, v1  }
0x191: {  	v3 =	vld.idx.msk [tilespmem:v48+s17+$0x0], $0xffff  }
0x192: {  	v1 =	vadd.f32 v4, v1;
	_ =	sdelay $0x1  }
0x193: {  	v1 =	vadd.f32 v5, v1;
	_ =	sdelay $0x1  }
0x194: {  	v1 =	vadd.f32 v3, v1;
	_ =	sdelay $0x1  }
0x195: {  	v1 =	vmul.f32 v1, v2;
	_ =	sdelay $0x1  }
0x196: {  	[tilespmem:$0x4AD0] =	vst v1  }
0x197: {  	v1 =	vld.idx.msk [tilespmem:v49+s17+$0x0], $0xffff;
	_ =	sdelay $0x1  }
0x198: {  	v3 =	vld.idx.msk [tilespmem:v50+s17+$0x0], $0xffff;
	_ =	sdelay $0x1  }
0x199: {  	v4 =	vld.idx.msk [tilespmem:v51+s17+$0x0], $0xffff  }
0x19a: {  	v1 =	vadd.f32 $0.0e+00, v1  }
0x19b: {  	v5 =	vld.idx.msk [tilespmem:v52+s17+$0x0], $0xffff  }
0x19c: {  	v1 =	vadd.f32 v3, v1  }
0x19d: {  	v3 =	vld.idx.msk [tilespmem:v53+s17+$0x0], $0xffff  }
0x19e: {  	v1 =	vadd.f32 v4, v1  }
0x19f: {  	v4 =	vld.idx.msk [tilespmem:v54+s17+$0x0], $0xffff  }
0x1a0: {  	v1 =	vadd.f32 v5, v1  }
0x1a1: {  	v5 =	vld.idx.msk [tilespmem:v55+s17+$0x0], $0xffff  }
0x1a2: {  	v1 =	vadd.f32 v3, v1  }
0x1a3: {  	v3 =	vld.idx.msk [tilespmem:v56+s17+$0x0], $0xffff  }
0x1a4: {  	v1 =	vadd.f32 v4, v1;
	_ =	sdelay $0x1  }
0x1a5: {  	v1 =	vadd.f32 v5, v1;
	_ =	sdelay $0x1  }
0x1a6: {  	v1 =	vadd.f32 v3, v1;
	_ =	sdelay $0x1  }
0x1a7: {  	v1 =	vmul.f32 v1, v2;
	_ =	sdelay $0x1  }
0x1a8: {  	[tilespmem:$0x4AE0] =	vst v1  }
0x1a9: {  	v1 =	vld.idx.msk [tilespmem:v57+s17+$0x0], $0xffff;
	_ =	sdelay $0x1  }
0x1aa: {  	v3 =	vld.idx.msk [tilespmem:v58+s17+$0x0], $0xffff;
	_ =	sdelay $0x1  }
0x1ab: {  	v4 =	vld.idx.msk [tilespmem:v59+s17+$0x0], $0xffff  }
0x1ac: {  	v1 =	vadd.f32 $0.0e+00, v1  }
0x1ad: {  	v5 =	vld.idx.msk [tilespmem:v60+s17+$0x0], $0xffff  }
0x1ae: {  	v1 =	vadd.f32 v3, v1  }
0x1af: {  	v3 =	vld.idx.msk [tilespmem:v61+s17+$0x0], $0xffff  }
0x1b0: {  	v1 =	vadd.f32 v4, v1  }
0x1b1: {  	v4 =	vld.idx.msk [tilespmem:v62+s17+$0x0], $0xffff  }
0x1b2: {  	v1 =	vadd.f32 v5, v1  }
0x1b3: {  	v5 =	vld.idx.msk [tilespmem:v63+s17+$0x0], $0xffff  }
0x1b4: {  	v1 =	vadd.f32 v3, v1  }
0x1b5: {  	v3 =	vld.idx.msk [tilespmem:v0+s17+$0x0], $0xffff  }
0x1b6: {  	v1 =	vadd.f32 v4, v1;
	_ =	sdelay $0x1  }
0x1b7: {  	v1 =	vadd.f32 v5, v1;
	_ =	sdelay $0x1  }
0x1b8: {  	v1 =	vadd.f32 v3, v1;
	_ =	sdelay $0x1  }
0x1b9: {  	v1 =	vmul.f32 v1, v2  }
0x1ba: {  	s29 =	smov.u32 s31;
	s31 =	sadd.s32 $0x1, s31;
	s15 =	simm.s32 $0x4A80  }
0x1bb: {  	s28 =	smov.u32 s18;
	s26 =	smov.u32 s1;
	s14 =	sshll.u32 s31, $0x3;
	[tilespmem:$0x4AF0] =	vst v1  }
.LBB2_10:
0x1bc: {  	v1 =	vld [tilespmem:s30+$0x0]  }
0x1bd: {  	v3 =	vld [tilespmem:s15+$0x0];
	_ =	sdelay $0x4  }
0x1be: {  	vm0 =	vlt.f32 v1, v3  }
0x1bf: {  	v1 =	vmctz.xlane vm0;
	_ =	sdelay $0x1  }
0x1c0: {  	(v2sf) =	vpush v1, $0x0;
	_ =	sdelay $0xe  }
0x1c1: {  	p0 =	sge.u32 s28, s14;
	s4 =	spop (v2sf)  }
0x1c2: {  	p1 =	slt.s32 @!p0 s4, $0x10  }
0x1c3: {  	p0 =	por p0, p1  }
.Ltmp8:
0x1c4: {  	_ = 	snop;
	(pc) =	sbr.rel @!p0 .LBB2_10-.Ltmp8, $3  }
0x1c5: {  	_ =	sdelay $0x1  }
0x1c6: {  	s26 =	sadd.s32 $0x10, s26  }
0x1c7: {  	s28 =	sadd.s32 $0x1, s28;
	s30 =	sadd.s32 $0x10, s30;
	s15 =	sadd.s32 $0x10, s15  }
0x1c8: {  	p0 =	sgt.u32 s29, $0x3E  }
0x1c9: {  	p1 =	slt.s32 @!p0 s4, $0x10  }
0x1ca: {  	p0 =	por p0, p1  }
.Ltmp9:
0x1cb: {  	_ = 	snop;
	(pc) =	sbr.rel @!p0 .LBB2_9-.Ltmp9, $2  }
0x1cc: {  	_ =	sdelay $0x2  }
0x1cd: {  	s1 =	sadd.s32 $0x80, s1;
	s18 =	sadd.s32 $0x8, s18  }
0x1ce: {  	p0 =	sgt.s32 s4, $0xF  }
0x1cf: {  	s1 =	sadd.s32 @!p0 s26, s4  }
0x1d0: {  	s14 =	simm.s32 @!p0 $0x0;
	s1 =	sshrl.u32 @!p0 s1, $0x3  }
0x1d1: {  	s15 =	simm.s32 @!p0 $0x4B00;
	s4 =	sand.u32 @!p0 $0x7, s4;
	s1 =	sadd.s32 @!p0 s3, s1  }
0x1d2: {  	v1 =	vmov @!p0 s4;
	[tilespmem:s15], [sflag:$0x1] =	stream.linear.gather @!p0 [hbm4b:s1+s14], $0x10, $0x38;
	[tilespmem:$0x4C80] =	vst v63  }
0x1d3: {  	s1 =	simm.s32 @!p0 $0x1  }
0x1d4: {  	_ =	swait.ge @!p0 [sflag:s1], $0x10  }
0x1d5: {  	[sflag:s1] =	ssyncset.done @!p0 $0x0  }
0x1d6: {  	v3 =	vld [tilespmem:$0x1FEE0];
	[sflag:s1] =	ssyncadd.s32 @!p0 $0xFFFFFFF0  }
0x1d7: {  	v1 =	vld.idx.msk @!p0 [tilespmem:v1+s15+$0x0], $0xffff;
	_ =	sdelay $0x2  }
.Ltmp10:
0x1d8: {  	_ = 	snop;
	(pc) =	sbr.rel .LBB2_12-.Ltmp10, $4  }
0x1d9: {  	_ = 	snop  }
0x1da: {  	v1 =	vbroadcast @!p0 v1, $0x0  }
0x1db: {  	s1 =	simm.s32 @!p0 $0x4B80  }
0x1dc: {  	[tilespmem:v3+s1+$0x0] =	vst.idx.msk @!p0 $0x1, v1  }
.LBB2_14:
0x1dd: {  	_ =	sfence.sel $0x180000  }
0x1de: {  	[bflag:$0x0] =	sbarrier.arrive $0xFFFF  }
0x1df: {  	_ =	strace $0x90000047  }
0x1e0: {  	s0 =	stileid.u32;
	[bflag:$0x2] =	sbarrier.arrive $0xFFFF  }
0x1e1: {  	p0 =	sne.s32 s0, $0x0;
	s0 =	rddreg [dreg:$0x4]  }
0x1e2: {  	s0 =	sadd.s32 @!p0 $0x100000, s0  }
0x1e3: {  	[sflag:s0] =	ssyncadd.tile.s32 @!p0 $0x1;
	_ =	shalt  }
.Lfunc_end2:
_tile_overlayer_lowered:
.L_overlay_start_2:
0x1e4: {  	(tag) =	ssettag $0x2  }
0x1e5: {  	s0 =	rddreg [dreg:$0x0];
	s2 =	stileid.u32  }
0x1e6: {  	s1 =	rddreg [dreg:$0x1];
	p0 =	sne.s32 s2, $0x0  }
0x1e7: {  	s3 =	rddreg [dreg:$0x2];
	[bflag:$0x3] =	sbarrier.arrive $0xFFFF;
	s2 =	simm.s32 @!p0 $0x1C02  }
0x1e8: {  	[timem:s3], [sflag:s2] =	dma.local @!p0 [hbm:s0], s1  }
0x1e9: {  	s0 =	simm.s32 @!p0 $0x2  }
0x1ea: {  	_ =	swait.ge @!p0 [sflag:s0], s1  }
0x1eb: {  	s1 =	ssub.s32 @!p0 $0x0, s1;
	[sflag:s0] =	ssyncset.done @!p0 $0x0  }
0x1ec: {  	[sflag:s0] =	ssyncadd.s32 @!p0 s1  }
0x1ed: {  	[bflag:$0x3] =	sbarrier.arrive $0xFFFF  }
0x1ee: {  	_ =	shalt  }

</sc_bundles>
